<compile_context>
chip_gen: v7x
topology: tpu7x:2x2x1
jax: 0.10.2.dev20260603
libtpu: 0.0.44.dev20260713+nightly
codegen_flags: <defaults>
</compile_context>

<pallas_src>
import math

import jax
import jax.numpy as jnp
from jax import lax
from jax.experimental import pallas as pl
from jax.experimental.pallas import tpu as pltpu
from jax.experimental.pallas import tpu_sc as plsc

_VOCAB = 100000
_EMB = 64
_B = 16384
_L = 20

_NC = 2
_NS = 16
_NW = _NC * _NS
_ROWS_PER_W = _B // _NW
_CHUNK = 32
_NCHUNK = _ROWS_PER_W // _CHUNK
_IDX_PER_CHUNK = _CHUNK * _L
_GATHER_N = 128
_NGATHER = _IDX_PER_CHUNK // _GATHER_N


def _sc_pool_body(
    table_hbm, ids_hbm, out_hbm,
    idx_v, rows0, rows1, out0, out1, sem0, sem1, semo0, semo1,
):
    wid = lax.axis_index("s") * _NC + lax.axis_index("c")
    base_row = wid * _ROWS_PER_W
    lane = lax.iota(jnp.int32, 16)
    tail = lane >= 12

    pltpu.sync_copy(
        ids_hbm.at[pl.ds(base_row * _L, _ROWS_PER_W * _L)], idx_v
    )

    bufs = ((rows0, out0, sem0, semo0), (rows1, out1, sem1, semo1))

    def prefetch(c, p):
        rows_v, _, sem, _ = bufs[p]
        for j in range(_NGATHER):
            pltpu.async_copy(
                table_hbm.at[
                    idx_v.at[pl.ds(c * _IDX_PER_CHUNK + j * _GATHER_N, _GATHER_N)]
                ],
                rows_v.at[pl.ds(j * _GATHER_N, _GATHER_N)],
                sem,
            )

    def process(c, p):
        rows_v, out_v, sem, semo = bufs[p]
        pltpu.make_async_copy(
            table_hbm.at[pl.ds(0, _IDX_PER_CHUNK)], rows_v, sem
        ).wait()

        @pl.when(c >= 2)
        def _():
            pltpu.make_async_copy(
                out_hbm.at[pl.ds(0, _CHUNK)], out_v, semo
            ).wait()

        cbase = c * _IDX_PER_CHUNK

        @plsc.parallel_loop(0, _CHUNK, unroll=2)
        def _pool(b):
            ib = b * _L
            v1 = idx_v[pl.ds(cbase + ib, 16)]
            v2 = idx_v[pl.ds(cbase + ib + 4, 16)]
            c1 = plsc.all_reduce_population_count(v1 != 0)
            c2 = plsc.all_reduce_population_count(tail & (v2 != 0))
            cnt = jnp.maximum((c1 + c2).astype(jnp.float32), 1.0)
            inv = 1.0 / cnt
            for k in range(4):
                vs = [rows_v[ib + l, pl.ds(k * 16, 16)] for l in range(_L)]
                while len(vs) > 1:
                    vs = [vs[i] + vs[i + 1] for i in range(0, len(vs) - 1, 2)] + (
                        [vs[-1]] if len(vs) % 2 else []
                    )
                out_v[b, pl.ds(k * 16, 16)] = vs[0] * inv

        pltpu.async_copy(
            out_v, out_hbm.at[pl.ds(base_row + c * _CHUNK, _CHUNK)], semo
        )

    prefetch(0, 0)

    def body(i, carry):
        c0 = i * 2
        prefetch(c0 + 1, 1)
        process(c0, 0)

        @pl.when(i < _NCHUNK // 2 - 1)
        def _():
            prefetch(c0 + 2, 0)

        process(c0 + 1, 1)
        return carry

    lax.fori_loop(0, _NCHUNK // 2, body, 0)
    pltpu.make_async_copy(out_hbm.at[pl.ds(0, _CHUNK)], out0, semo0).wait()
    pltpu.make_async_copy(out_hbm.at[pl.ds(0, _CHUNK)], out1, semo1).wait()


_sc_pool = pl.kernel(
    _sc_pool_body,
    out_type=jax.ShapeDtypeStruct((_B, 128), jnp.float32),
    mesh=plsc.VectorSubcoreMesh(core_axis_name="c", subcore_axis_name="s"),
    compiler_params=pltpu.CompilerParams(
        needs_layout_passes=False, use_tc_tiling_on_sc=False
    ),
    scratch_types=[
        pltpu.VMEM((_ROWS_PER_W * _L,), jnp.int32),
        pltpu.VMEM((_IDX_PER_CHUNK, _EMB), jnp.float32),
        pltpu.VMEM((_IDX_PER_CHUNK, _EMB), jnp.float32),
        pltpu.VMEM((_CHUNK, 128), jnp.float32),
        pltpu.VMEM((_CHUNK, 128), jnp.float32),
        pltpu.SemaphoreType.DMA,
        pltpu.SemaphoreType.DMA,
        pltpu.SemaphoreType.DMA,
        pltpu.SemaphoreType.DMA,
    ],
)

_INV_SQRT2 = 1.0 / math.sqrt(2.0)


def _tc_head_body(x_ref, w_ref, b_ref, g_ref, beta_ref, o_ref):
    x = x_ref[:, :_EMB]
    ht = lax.dot_general(
        w_ref[...], x, (((1,), (1,)), ((), ())),
        preferred_element_type=jnp.float32,
    )
    ht = ht + b_ref[...]
    mu = jnp.mean(ht, axis=0, keepdims=True)
    d = ht - mu
    var = jnp.mean(d * d, axis=0, keepdims=True)
    hn = d * lax.rsqrt(var + 1e-5) * g_ref[...] + beta_ref[...]
    o_ref[...] = 0.5 * hn * (1.0 + lax.erf(hn * _INV_SQRT2))


_TC_BLK = 2048


def _tc_head_t(x, W, bc, gc, betac):
    grid = (_B // _TC_BLK,)
    return pl.pallas_call(
        _tc_head_body,
        grid=grid,
        in_specs=[
            pl.BlockSpec((_TC_BLK, 128), lambda i: (i, 0)),
            pl.BlockSpec((_EMB, _EMB), lambda i: (0, 0)),
            pl.BlockSpec((_EMB, 1), lambda i: (0, 0)),
            pl.BlockSpec((_EMB, 1), lambda i: (0, 0)),
            pl.BlockSpec((_EMB, 1), lambda i: (0, 0)),
        ],
        out_specs=pl.BlockSpec((_EMB, _TC_BLK), lambda i: (0, i)),
        out_shape=jax.ShapeDtypeStruct((_EMB, _B), jnp.float32),
        compiler_params=pltpu.CompilerParams(
            dimension_semantics=("arbitrary",)
        ),
    )(x, W, bc, gc, betac)


def kernel(word_ids, word_emb, W, b, ln_gamma, ln_beta):
    table2 = jnp.pad(word_emb, ((0, 0), (0, 64))).reshape(2 * _VOCAB, _EMB)
    ids = (word_ids.astype(jnp.int32) * 2).reshape(-1)
    mean_emb = _sc_pool(table2, ids)
    out_t = _tc_head_t(
        mean_emb,
        W,
        b.reshape(_EMB, 1),
        ln_gamma.reshape(_EMB, 1),
        ln_beta.reshape(_EMB, 1),
    )
    return out_t.T

# --- scband reference (transcript-rebuilt; emitter-appended) ---
"""Pipeline reference for scband-title-encoder-45079976739107 (READ-ONLY COPY).

The authoritative reference and input builder live on the scoring server;
editing this copy changes nothing except your own understanding.
"""

import jax, jax.numpy as jnp
import numpy as np

VOCAB = 100000
EMB = 64
OUT = 64
B = 16384
L = 20


def setup_inputs(seed: int = 0) -> dict:
    key = jax.random.key(seed)
    k1, k2, k3, k4 = jax.random.split(key, 4)
    word_ids = jax.random.randint(k1, (B, L), 0, VOCAB, dtype=jnp.int64)
    word_emb = 0.02 * jax.random.normal(k2, (VOCAB, EMB), dtype=jnp.float32)
    word_emb = word_emb.at[0].set(0.0)  # padding_idx=0
    W = jax.random.normal(k3, (OUT, EMB), dtype=jnp.float32) * (1.0 / np.sqrt(EMB))
    b = jnp.zeros((OUT,), dtype=jnp.float32)
    ln_gamma = jnp.ones((OUT,), dtype=jnp.float32)
    ln_beta = jnp.zeros((OUT,), dtype=jnp.float32)
    return {"word_ids": word_ids, "word_emb": word_emb, "W": W, "b": b,
            "ln_gamma": ln_gamma, "ln_beta": ln_beta}


def reference(word_ids, word_emb, W, b, ln_gamma, ln_beta):
    mask = (word_ids != 0).astype(jnp.float32)              # [B, L]
    emb = jnp.take(word_emb, word_ids, axis=0)              # [B, L, EMB] gather
    counts = jnp.clip(jnp.sum(mask, axis=1, keepdims=True), 1.0)
    mean_emb = jnp.sum(emb * mask[..., None], axis=1) / counts  # [B, EMB]
    h = mean_emb @ W.T + b                                   # Linear
    mu = jnp.mean(h, axis=-1, keepdims=True)
    var = jnp.mean((h - mu) ** 2, axis=-1, keepdims=True)
    hn = (h - mu) / jnp.sqrt(var + 1e-5) * ln_gamma + ln_beta  # LayerNorm
    return jax.nn.gelu(hn, approximate=False)                # torch GELU (exact erf)

if __name__ == "__main__":
    import jax
    _d = setup_inputs()
    print(jax.jit(kernel)(*tuple(_d.values())))

</pallas_src>

<mosaic_0001>
#map = affine_map<(d0, d1) -> (0, 0)>
#map1 = affine_map<(d0, d1) -> (0)>
module attributes {stable_mosaic.version = 14 : i64} {
  func.func @_sc_pool_body(%arg0: i32, %arg1: i32, %arg2: memref<200000x64xf32, #tpu.memory_space<hbm>>, %arg3: memref<327680xi32, #tpu.memory_space<hbm>>, %arg4: memref<16384x128xf32, #tpu.memory_space<hbm>>, %arg5: memref<10240xi32, #tpu.memory_space<vmem>>, %arg6: memref<640x64xf32, #tpu.memory_space<vmem>>, %arg7: memref<640x64xf32, #tpu.memory_space<vmem>>, %arg8: memref<32x128xf32, #tpu.memory_space<vmem>>, %arg9: memref<32x128xf32, #tpu.memory_space<vmem>>, %arg10: memref<!tpu.dma_semaphore, #tpu.memory_space<semaphore_mem>>, %arg11: memref<!tpu.dma_semaphore, #tpu.memory_space<semaphore_mem>>, %arg12: memref<!tpu.dma_semaphore, #tpu.memory_space<semaphore_mem>>, %arg13: memref<!tpu.dma_semaphore, #tpu.memory_space<semaphore_mem>>) attributes {dimension_semantics = [#tpu.dimension_semantics<core_parallel>, #tpu.dimension_semantics<subcore_parallel>], iteration_bounds = array<i64: 2, 16>, scalar_prefetch = 0 : i64, scratch_operands = 9 : i64, tpu.core_type = #tpu.core_type<sc_vector_subcore>, window_params = [{transform_indices = #map}, {transform_indices = #map1}, {transform_indices = #map}]} {
    %mul3A = arith.constant 2 : i32
    %mul3A_0 = arith.muli %arg1, %mul3A : i32
    %add3A = arith.addi %mul3A_0, %arg0 : i32
    %mul3A_1 = arith.constant 512 : i32
    %mul3A_2 = arith.muli %add3A, %mul3A_1 : i32
    %iota3A = tpu.iota {dimensions = array<i32: 0>} : vector<16xi32>
    %ge3A = arith.constant 12 : i32
    %ge3A_3 = vector.broadcast %ge3A : i32 to vector<16xi32>
    %ge3A_4 = arith.cmpi sge, %iota3A, %ge3A_3 : vector<16xi32>
    %mul3A_5 = arith.constant 20 : i32
    %mul3A_6 = arith.muli %mul3A_2, %mul3A_5 : i32
    "tpu.region"() ({
      %run_scoped3A = tpu.sem_alloc : memref<!tpu.dma_semaphore, #tpu.memory_space<semaphore_mem>>
      %dma_start3A_62 = tpu.memref_slice %arg3[%mul3A_6] : memref<327680xi32, #tpu.memory_space<hbm>> -> memref<10240xi32, #tpu.memory_space<hbm>>
      %dma_start3A_63 = tpu.memref_slice %arg3[%mul3A_6] : memref<327680xi32, #tpu.memory_space<hbm>> -> memref<10240xi32, #tpu.memory_space<hbm>>
      tpu.enqueue_dma source(%dma_start3A_63 : memref<10240xi32, #tpu.memory_space<hbm>>) target(%arg5 : memref<10240xi32, #tpu.memory_space<vmem>>) target_semaphore(%run_scoped3A : memref<!tpu.dma_semaphore, #tpu.memory_space<semaphore_mem>>)
      %dma_wait3A_64 = tpu.memref_slice %arg3[%mul3A_6] : memref<327680xi32, #tpu.memory_space<hbm>> -> memref<10240xi32, #tpu.memory_space<hbm>>
      %dma_wait3A_65 = tpu.memref_slice %arg3[%mul3A_6] : memref<327680xi32, #tpu.memory_space<hbm>> -> memref<10240xi32, #tpu.memory_space<hbm>>
      tpu.wait_dma2 semaphore(%run_scoped3A : memref<!tpu.dma_semaphore, #tpu.memory_space<semaphore_mem>>) src(%dma_wait3A_65 : memref<10240xi32, #tpu.memory_space<hbm>>) dst(%arg5 : memref<10240xi32, #tpu.memory_space<vmem>>)
      tpu.yield
    }) : () -> ()
    %dma_start3A = arith.constant 0 : i32
    %dma_start3A_7 = arith.constant 0 : i32
    %dma_start3A_8 = tpu.memref_slice %arg6[%dma_start3A, %dma_start3A_7] : memref<640x64xf32, #tpu.memory_space<vmem>> -> memref<128x64xf32, #tpu.memory_space<vmem>>
    %dma_start3A_9 = arith.constant 0 : i32
    %dma_start3A_10 = tpu.memref_slice %arg5[%dma_start3A_9] : memref<10240xi32, #tpu.memory_space<vmem>> -> memref<128xi32, #tpu.memory_space<vmem>>
    %dma_start3A_11 = arith.constant 0 : i32
    %dma_start3A_12 = arith.constant 0 : i32
    %dma_start3A_13 = tpu.memref_slice %arg2[%dma_start3A_11, %dma_start3A_12] : memref<200000x64xf32, #tpu.memory_space<hbm>> -> memref<200000x64xf32, #tpu.memory_space<hbm>>
    tpu.enqueue_indirect_dma source(%dma_start3A_13 : memref<200000x64xf32, #tpu.memory_space<hbm>>) target(%dma_start3A_8 : memref<128x64xf32, #tpu.memory_space<vmem>>) offsets(%dma_start3A_10 : memref<128xi32, #tpu.memory_space<vmem>>) semaphore(%arg10 : memref<!tpu.dma_semaphore, #tpu.memory_space<semaphore_mem>>)
    %dma_start3A_14 = arith.constant 128 : i32
    %dma_start3A_15 = arith.constant 0 : i32
    %dma_start3A_16 = tpu.memref_slice %arg6[%dma_start3A_14, %dma_start3A_15] : memref<640x64xf32, #tpu.memory_space<vmem>> -> memref<128x64xf32, #tpu.memory_space<vmem>>
    %dma_start3A_17 = arith.constant 128 : i32
    %dma_start3A_18 = tpu.memref_slice %arg5[%dma_start3A_17] : memref<10240xi32, #tpu.memory_space<vmem>> -> memref<128xi32, #tpu.memory_space<vmem>>
    %dma_start3A_19 = arith.constant 0 : i32
    %dma_start3A_20 = arith.constant 0 : i32
    %dma_start3A_21 = tpu.memref_slice %arg2[%dma_start3A_19, %dma_start3A_20] : memref<200000x64xf32, #tpu.memory_space<hbm>> -> memref<200000x64xf32, #tpu.memory_space<hbm>>
    tpu.enqueue_indirect_dma source(%dma_start3A_21 : memref<200000x64xf32, #tpu.memory_space<hbm>>) target(%dma_start3A_16 : memref<128x64xf32, #tpu.memory_space<vmem>>) offsets(%dma_start3A_18 : memref<128xi32, #tpu.memory_space<vmem>>) semaphore(%arg10 : memref<!tpu.dma_semaphore, #tpu.memory_space<semaphore_mem>>)
    %dma_start3A_22 = arith.constant 256 : i32
    %dma_start3A_23 = arith.constant 0 : i32
    %dma_start3A_24 = tpu.memref_slice %arg6[%dma_start3A_22, %dma_start3A_23] : memref<640x64xf32, #tpu.memory_space<vmem>> -> memref<128x64xf32, #tpu.memory_space<vmem>>
    %dma_start3A_25 = arith.constant 256 : i32
    %dma_start3A_26 = tpu.memref_slice %arg5[%dma_start3A_25] : memref<10240xi32, #tpu.memory_space<vmem>> -> memref<128xi32, #tpu.memory_space<vmem>>
    %dma_start3A_27 = arith.constant 0 : i32
    %dma_start3A_28 = arith.constant 0 : i32
    %dma_start3A_29 = tpu.memref_slice %arg2[%dma_start3A_27, %dma_start3A_28] : memref<200000x64xf32, #tpu.memory_space<hbm>> -> memref<200000x64xf32, #tpu.memory_space<hbm>>
    tpu.enqueue_indirect_dma source(%dma_start3A_29 : memref<200000x64xf32, #tpu.memory_space<hbm>>) target(%dma_start3A_24 : memref<128x64xf32, #tpu.memory_space<vmem>>) offsets(%dma_start3A_26 : memref<128xi32, #tpu.memory_space<vmem>>) semaphore(%arg10 : memref<!tpu.dma_semaphore, #tpu.memory_space<semaphore_mem>>)
    %dma_start3A_30 = arith.constant 384 : i32
    %dma_start3A_31 = arith.constant 0 : i32
    %dma_start3A_32 = tpu.memref_slice %arg6[%dma_start3A_30, %dma_start3A_31] : memref<640x64xf32, #tpu.memory_space<vmem>> -> memref<128x64xf32, #tpu.memory_space<vmem>>
    %dma_start3A_33 = arith.constant 384 : i32
    %dma_start3A_34 = tpu.memref_slice %arg5[%dma_start3A_33] : memref<10240xi32, #tpu.memory_space<vmem>> -> memref<128xi32, #tpu.memory_space<vmem>>
    %dma_start3A_35 = arith.constant 0 : i32
    %dma_start3A_36 = arith.constant 0 : i32
    %dma_start3A_37 = tpu.memref_slice %arg2[%dma_start3A_35, %dma_start3A_36] : memref<200000x64xf32, #tpu.memory_space<hbm>> -> memref<200000x64xf32, #tpu.memory_space<hbm>>
    tpu.enqueue_indirect_dma source(%dma_start3A_37 : memref<200000x64xf32, #tpu.memory_space<hbm>>) target(%dma_start3A_32 : memref<128x64xf32, #tpu.memory_space<vmem>>) offsets(%dma_start3A_34 : memref<128xi32, #tpu.memory_space<vmem>>) semaphore(%arg10 : memref<!tpu.dma_semaphore, #tpu.memory_space<semaphore_mem>>)
    %dma_start3A_38 = arith.constant 512 : i32
    %dma_start3A_39 = arith.constant 0 : i32
    %dma_start3A_40 = tpu.memref_slice %arg6[%dma_start3A_38, %dma_start3A_39] : memref<640x64xf32, #tpu.memory_space<vmem>> -> memref<128x64xf32, #tpu.memory_space<vmem>>
    %dma_start3A_41 = arith.constant 512 : i32
    %dma_start3A_42 = tpu.memref_slice %arg5[%dma_start3A_41] : memref<10240xi32, #tpu.memory_space<vmem>> -> memref<128xi32, #tpu.memory_space<vmem>>
    %dma_start3A_43 = arith.constant 0 : i32
    %dma_start3A_44 = arith.constant 0 : i32
    %dma_start3A_45 = tpu.memref_slice %arg2[%dma_start3A_43, %dma_start3A_44] : memref<200000x64xf32, #tpu.memory_space<hbm>> -> memref<200000x64xf32, #tpu.memory_space<hbm>>
    tpu.enqueue_indirect_dma source(%dma_start3A_45 : memref<200000x64xf32, #tpu.memory_space<hbm>>) target(%dma_start3A_40 : memref<128x64xf32, #tpu.memory_space<vmem>>) offsets(%dma_start3A_42 : memref<128xi32, #tpu.memory_space<vmem>>) semaphore(%arg10 : memref<!tpu.dma_semaphore, #tpu.memory_space<semaphore_mem>>)
    %scan3A = arith.constant 0 : i32
    %scan3A_46 = arith.constant 0 : i32
    %scan3A_47 = arith.constant 8 : i32
    %scan3A_48 = arith.addi %scan3A_46, %scan3A_47 : i32
    %scan3A_49 = arith.constant 1 : i32
    scf.for %scan3A_62 = %scan3A_46 to %scan3A_48 step %scan3A_49  : i32 {
      %mul3A_63 = arith.constant 2 : i32
      %mul3A_64 = arith.muli %scan3A_62, %mul3A_63 : i32
      %add3A_65 = arith.constant 1 : i32
      %add3A_66 = arith.addi %mul3A_64, %add3A_65 : i32
      %mul3A_67 = arith.constant 640 : i32
      %mul3A_68 = arith.muli %add3A_66, %mul3A_67 : i32
      %add3A_69 = arith.constant 0 : i32
      %add3A_70 = arith.addi %mul3A_68, %add3A_69 : i32
      %dma_start3A_71 = arith.constant 0 : i32
      %dma_start3A_72 = arith.constant 0 : i32
      %dma_start3A_73 = tpu.memref_slice %arg7[%dma_start3A_71, %dma_start3A_72] : memref<640x64xf32, #tpu.memory_space<vmem>> -> memref<128x64xf32, #tpu.memory_space<vmem>>
      %dma_start3A_74 = tpu.memref_slice %arg5[%add3A_70] : memref<10240xi32, #tpu.memory_space<vmem>> -> memref<128xi32, #tpu.memory_space<vmem>>
      %dma_start3A_75 = arith.constant 0 : i32
      %dma_start3A_76 = arith.constant 0 : i32
      %dma_start3A_77 = tpu.memref_slice %arg2[%dma_start3A_75, %dma_start3A_76] : memref<200000x64xf32, #tpu.memory_space<hbm>> -> memref<200000x64xf32, #tpu.memory_space<hbm>>
      tpu.enqueue_indirect_dma source(%dma_start3A_77 : memref<200000x64xf32, #tpu.memory_space<hbm>>) target(%dma_start3A_73 : memref<128x64xf32, #tpu.memory_space<vmem>>) offsets(%dma_start3A_74 : memref<128xi32, #tpu.memory_space<vmem>>) semaphore(%arg11 : memref<!tpu.dma_semaphore, #tpu.memory_space<semaphore_mem>>)
      %mul3A_78 = arith.constant 640 : i32
      %mul3A_79 = arith.muli %add3A_66, %mul3A_78 : i32
      %add3A_80 = arith.constant 128 : i32
      %add3A_81 = arith.addi %mul3A_79, %add3A_80 : i32
      %dma_start3A_82 = arith.constant 128 : i32
      %dma_start3A_83 = arith.constant 0 : i32
      %dma_start3A_84 = tpu.memref_slice %arg7[%dma_start3A_82, %dma_start3A_83] : memref<640x64xf32, #tpu.memory_space<vmem>> -> memref<128x64xf32, #tpu.memory_space<vmem>>
      %dma_start3A_85 = tpu.memref_slice %arg5[%add3A_81] : memref<10240xi32, #tpu.memory_space<vmem>> -> memref<128xi32, #tpu.memory_space<vmem>>
      %dma_start3A_86 = arith.constant 0 : i32
      %dma_start3A_87 = arith.constant 0 : i32
      %dma_start3A_88 = tpu.memref_slice %arg2[%dma_start3A_86, %dma_start3A_87] : memref<200000x64xf32, #tpu.memory_space<hbm>> -> memref<200000x64xf32, #tpu.memory_space<hbm>>
      tpu.enqueue_indirect_dma source(%dma_start3A_88 : memref<200000x64xf32, #tpu.memory_space<hbm>>) target(%dma_start3A_84 : memref<128x64xf32, #tpu.memory_space<vmem>>) offsets(%dma_start3A_85 : memref<128xi32, #tpu.memory_space<vmem>>) semaphore(%arg11 : memref<!tpu.dma_semaphore, #tpu.memory_space<semaphore_mem>>)
      %mul3A_89 = arith.constant 640 : i32
      %mul3A_90 = arith.muli %add3A_66, %mul3A_89 : i32
      %add3A_91 = arith.constant 256 : i32
      %add3A_92 = arith.addi %mul3A_90, %add3A_91 : i32
      %dma_start3A_93 = arith.constant 256 : i32
      %dma_start3A_94 = arith.constant 0 : i32
      %dma_start3A_95 = tpu.memref_slice %arg7[%dma_start3A_93, %dma_start3A_94] : memref<640x64xf32, #tpu.memory_space<vmem>> -> memref<128x64xf32, #tpu.memory_space<vmem>>
      %dma_start3A_96 = tpu.memref_slice %arg5[%add3A_92] : memref<10240xi32, #tpu.memory_space<vmem>> -> memref<128xi32, #tpu.memory_space<vmem>>
      %dma_start3A_97 = arith.constant 0 : i32
      %dma_start3A_98 = arith.constant 0 : i32
      %dma_start3A_99 = tpu.memref_slice %arg2[%dma_start3A_97, %dma_start3A_98] : memref<200000x64xf32, #tpu.memory_space<hbm>> -> memref<200000x64xf32, #tpu.memory_space<hbm>>
      tpu.enqueue_indirect_dma source(%dma_start3A_99 : memref<200000x64xf32, #tpu.memory_space<hbm>>) target(%dma_start3A_95 : memref<128x64xf32, #tpu.memory_space<vmem>>) offsets(%dma_start3A_96 : memref<128xi32, #tpu.memory_space<vmem>>) semaphore(%arg11 : memref<!tpu.dma_semaphore, #tpu.memory_space<semaphore_mem>>)
      %mul3A_100 = arith.constant 640 : i32
      %mul3A_101 = arith.muli %add3A_66, %mul3A_100 : i32
      %add3A_102 = arith.constant 384 : i32
      %add3A_103 = arith.addi %mul3A_101, %add3A_102 : i32
      %dma_start3A_104 = arith.constant 384 : i32
      %dma_start3A_105 = arith.constant 0 : i32
      %dma_start3A_106 = tpu.memref_slice %arg7[%dma_start3A_104, %dma_start3A_105] : memref<640x64xf32, #tpu.memory_space<vmem>> -> memref<128x64xf32, #tpu.memory_space<vmem>>
      %dma_start3A_107 = tpu.memref_slice %arg5[%add3A_103] : memref<10240xi32, #tpu.memory_space<vmem>> -> memref<128xi32, #tpu.memory_space<vmem>>
      %dma_start3A_108 = arith.constant 0 : i32
      %dma_start3A_109 = arith.constant 0 : i32
      %dma_start3A_110 = tpu.memref_slice %arg2[%dma_start3A_108, %dma_start3A_109] : memref<200000x64xf32, #tpu.memory_space<hbm>> -> memref<200000x64xf32, #tpu.memory_space<hbm>>
      tpu.enqueue_indirect_dma source(%dma_start3A_110 : memref<200000x64xf32, #tpu.memory_space<hbm>>) target(%dma_start3A_106 : memref<128x64xf32, #tpu.memory_space<vmem>>) offsets(%dma_start3A_107 : memref<128xi32, #tpu.memory_space<vmem>>) semaphore(%arg11 : memref<!tpu.dma_semaphore, #tpu.memory_space<semaphore_mem>>)
      %mul3A_111 = arith.constant 640 : i32
      %mul3A_112 = arith.muli %add3A_66, %mul3A_111 : i32
      %add3A_113 = arith.constant 512 : i32
      %add3A_114 = arith.addi %mul3A_112, %add3A_113 : i32
      %dma_start3A_115 = arith.constant 512 : i32
      %dma_start3A_116 = arith.constant 0 : i32
      %dma_start3A_117 = tpu.memref_slice %arg7[%dma_start3A_115, %dma_start3A_116] : memref<640x64xf32, #tpu.memory_space<vmem>> -> memref<128x64xf32, #tpu.memory_space<vmem>>
      %dma_start3A_118 = tpu.memref_slice %arg5[%add3A_114] : memref<10240xi32, #tpu.memory_space<vmem>> -> memref<128xi32, #tpu.memory_space<vmem>>
      %dma_start3A_119 = arith.constant 0 : i32
      %dma_start3A_120 = arith.constant 0 : i32
      %dma_start3A_121 = tpu.memref_slice %arg2[%dma_start3A_119, %dma_start3A_120] : memref<200000x64xf32, #tpu.memory_space<hbm>> -> memref<200000x64xf32, #tpu.memory_space<hbm>>
      tpu.enqueue_indirect_dma source(%dma_start3A_121 : memref<200000x64xf32, #tpu.memory_space<hbm>>) target(%dma_start3A_117 : memref<128x64xf32, #tpu.memory_space<vmem>>) offsets(%dma_start3A_118 : memref<128xi32, #tpu.memory_space<vmem>>) semaphore(%arg11 : memref<!tpu.dma_semaphore, #tpu.memory_space<semaphore_mem>>)
      %dma_wait3A_122 = arith.constant 0 : i32
      %dma_wait3A_123 = arith.constant 0 : i32
      %dma_wait3A_124 = tpu.memref_slice %arg2[%dma_wait3A_122, %dma_wait3A_123] : memref<200000x64xf32, #tpu.memory_space<hbm>> -> memref<640x64xf32, #tpu.memory_space<hbm>>
      %dma_wait3A_125 = arith.constant 0 : i32
      %dma_wait3A_126 = arith.constant 0 : i32
      %dma_wait3A_127 = tpu.memref_slice %arg2[%dma_wait3A_125, %dma_wait3A_126] : memref<200000x64xf32, #tpu.memory_space<hbm>> -> memref<640x64xf32, #tpu.memory_space<hbm>>
      tpu.wait_dma2 semaphore(%arg10 : memref<!tpu.dma_semaphore, #tpu.memory_space<semaphore_mem>>) src(%dma_wait3A_127 : memref<640x64xf32, #tpu.memory_space<hbm>>) dst(%arg6 : memref<640x64xf32, #tpu.memory_space<vmem>>)
      %ge3A_128 = arith.constant 2 : i32
      %ge3A_129 = arith.cmpi sge, %mul3A_64, %ge3A_128 : i32
      %convert_element_type3A = arith.extui %ge3A_129 : i1 to i32
      %cond3A = arith.constant 0 : i32
      %cond3A_130 = arith.cmpi ne, %convert_element_type3A, %cond3A : i32
      scf.if %cond3A_130 {
        %dma_wait3A_171 = arith.constant 0 : i32
        %dma_wait3A_172 = arith.constant 0 : i32
        %dma_wait3A_173 = tpu.memref_slice %arg4[%dma_wait3A_171, %dma_wait3A_172] : memref<16384x128xf32, #tpu.memory_space<hbm>> -> memref<32x128xf32, #tpu.memory_space<hbm>>
        %dma_wait3A_174 = arith.constant 0 : i32
        %dma_wait3A_175 = arith.constant 0 : i32
        %dma_wait3A_176 = tpu.memref_slice %arg4[%dma_wait3A_174, %dma_wait3A_175] : memref<16384x128xf32, #tpu.memory_space<hbm>> -> memref<32x128xf32, #tpu.memory_space<hbm>>
        tpu.wait_dma2 semaphore(%arg12 : memref<!tpu.dma_semaphore, #tpu.memory_space<semaphore_mem>>) src(%dma_wait3A_176 : memref<32x128xf32, #tpu.memory_space<hbm>>) dst(%arg8 : memref<32x128xf32, #tpu.memory_space<vmem>>)
      } else {
      }
      %mul3A_131 = arith.constant 640 : i32
      %mul3A_132 = arith.muli %mul3A_64, %mul3A_131 : i32
      %parallel_loop3A = arith.constant 0 : i32
      %parallel_loop3A_133 = arith.constant 32 : i32
      %parallel_loop3A_134 = arith.constant 1 : i32
      scf.for %parallel_loop3A_171 = %parallel_loop3A to %parallel_loop3A_133 step %parallel_loop3A_134  : i32 {
        %parallel_loop3A_172 = arith.constant 20 : i32
        %parallel_loop3A_173 = arith.muli %parallel_loop3A_171, %parallel_loop3A_172 : i32
        %parallel_loop3A_174 = arith.addi %mul3A_132, %parallel_loop3A_173 : i32
        %parallel_loop3A_175 = arith.index_cast %parallel_loop3A_174 : i32 to index
        %parallel_loop3A_176 = tpu.vector_load %arg5[%parallel_loop3A_175] {strides = array<i32>} : memref<10240xi32, #tpu.memory_space<vmem>>, vector<16xi32>,
        %parallel_loop3A_177 = arith.addi %mul3A_132, %parallel_loop3A_173 : i32
        %parallel_loop3A_178 = arith.constant 4 : i32
        %parallel_loop3A_179 = arith.addi %parallel_loop3A_177, %parallel_loop3A_178 : i32
        %parallel_loop3A_180 = arith.index_cast %parallel_loop3A_179 : i32 to index
        %parallel_loop3A_181 = tpu.vector_load %arg5[%parallel_loop3A_180] {strides = array<i32>} : memref<10240xi32, #tpu.memory_space<vmem>>, vector<16xi32>,
        %parallel_loop3A_182 = arith.constant 0 : i32
        %parallel_loop3A_183 = vector.broadcast %parallel_loop3A_182 : i32 to vector<16xi32>
        %parallel_loop3A_184 = arith.cmpi ne, %parallel_loop3A_176, %parallel_loop3A_183 : vector<16xi32>
        %parallel_loop3A_185 = tpu.all_reduce %parallel_loop3A_184 {dim = 0 : i64, kind = #tpu.reduction_kind<sum>} : vector<16xi1> -> vector<16xi32>
        %parallel_loop3A_186 = arith.constant 0 : i32
        %parallel_loop3A_187 = vector.broadcast %parallel_loop3A_186 : i32 to vector<16xi32>
        %parallel_loop3A_188 = arith.cmpi ne, %parallel_loop3A_181, %parallel_loop3A_187 : vector<16xi32>
        %parallel_loop3A_189 = arith.andi %ge3A_4, %parallel_loop3A_188 : vector<16xi1>
        %parallel_loop3A_190 = tpu.all_reduce %parallel_loop3A_189 {dim = 0 : i64, kind = #tpu.reduction_kind<sum>} : vector<16xi1> -> vector<16xi32>
        %parallel_loop3A_191 = arith.addi %parallel_loop3A_185, %parallel_loop3A_190 : vector<16xi32>
        %parallel_loop3A_192 = arith.sitofp %parallel_loop3A_191 : vector<16xi32> to vector<16xf32>
        %parallel_loop3A_193 = arith.constant 1.000000e+00 : f32
        %parallel_loop3A_194 = vector.broadcast %parallel_loop3A_193 : f32 to vector<16xf32>
        %parallel_loop3A_195 = arith.maximumf %parallel_loop3A_192, %parallel_loop3A_194 : vector<16xf32>
        %parallel_loop3A_196 = arith.constant 1.000000e+00 : f32
        %parallel_loop3A_197 = vector.broadcast %parallel_loop3A_196 : f32 to vector<16xf32>
        %parallel_loop3A_198 = arith.divf %parallel_loop3A_197, %parallel_loop3A_195 : vector<16xf32>
        %parallel_loop3A_199 = arith.constant 0 : i32
        %parallel_loop3A_200 = arith.addi %parallel_loop3A_173, %parallel_loop3A_199 : i32
        %parallel_loop3A_201 = arith.index_cast %parallel_loop3A_200 : i32 to index
        %parallel_loop3A_202 = arith.constant 0 : index
        %parallel_loop3A_203 = tpu.vector_load %arg6[%parallel_loop3A_201, %parallel_loop3A_202] {strides = array<i32>} : memref<640x64xf32, #tpu.memory_space<vmem>>, vector<16xf32>,
        %parallel_loop3A_204 = arith.constant 1 : i32
        %parallel_loop3A_205 = arith.addi %parallel_loop3A_173, %parallel_loop3A_204 : i32
        %parallel_loop3A_206 = arith.index_cast %parallel_loop3A_205 : i32 to index
        %parallel_loop3A_207 = arith.constant 0 : index
        %parallel_loop3A_208 = tpu.vector_load %arg6[%parallel_loop3A_206, %parallel_loop3A_207] {strides = array<i32>} : memref<640x64xf32, #tpu.memory_space<vmem>>, vector<16xf32>,
        %parallel_loop3A_209 = arith.constant 2 : i32
        %parallel_loop3A_210 = arith.addi %parallel_loop3A_173, %parallel_loop3A_209 : i32
        %parallel_loop3A_211 = arith.index_cast %parallel_loop3A_210 : i32 to index
        %parallel_loop3A_212 = arith.constant 0 : index
        %parallel_loop3A_213 = tpu.vector_load %arg6[%parallel_loop3A_211, %parallel_loop3A_212] {strides = array<i32>} : memref<640x64xf32, #tpu.memory_space<vmem>>, vector<16xf32>,
        %parallel_loop3A_214 = arith.constant 3 : i32
        %parallel_loop3A_215 = arith.addi %parallel_loop3A_173, %parallel_loop3A_214 : i32
        %parallel_loop3A_216 = arith.index_cast %parallel_loop3A_215 : i32 to index
        %parallel_loop3A_217 = arith.constant 0 : index
        %parallel_loop3A_218 = tpu.vector_load %arg6[%parallel_loop3A_216, %parallel_loop3A_217] {strides = array<i32>} : memref<640x64xf32, #tpu.memory_space<vmem>>, vector<16xf32>,
        %parallel_loop3A_219 = arith.constant 4 : i32
        %parallel_loop3A_220 = arith.addi %parallel_loop3A_173, %parallel_loop3A_219 : i32
        %parallel_loop3A_221 = arith.index_cast %parallel_loop3A_220 : i32 to index
        %parallel_loop3A_222 = arith.constant 0 : index
        %parallel_loop3A_223 = tpu.vector_load %arg6[%parallel_loop3A_221, %parallel_loop3A_222] {strides = array<i32>} : memref<640x64xf32, #tpu.memory_space<vmem>>, vector<16xf32>,
        %parallel_loop3A_224 = arith.constant 5 : i32
        %parallel_loop3A_225 = arith.addi %parallel_loop3A_173, %parallel_loop3A_224 : i32
        %parallel_loop3A_226 = arith.index_cast %parallel_loop3A_225 : i32 to index
        %parallel_loop3A_227 = arith.constant 0 : index
        %parallel_loop3A_228 = tpu.vector_load %arg6[%parallel_loop3A_226, %parallel_loop3A_227] {strides = array<i32>} : memref<640x64xf32, #tpu.memory_space<vmem>>, vector<16xf32>,
        %parallel_loop3A_229 = arith.constant 6 : i32
        %parallel_loop3A_230 = arith.addi %parallel_loop3A_173, %parallel_loop3A_229 : i32
        %parallel_loop3A_231 = arith.index_cast %parallel_loop3A_230 : i32 to index
        %parallel_loop3A_232 = arith.constant 0 : index
        %parallel_loop3A_233 = tpu.vector_load %arg6[%parallel_loop3A_231, %parallel_loop3A_232] {strides = array<i32>} : memref<640x64xf32, #tpu.memory_space<vmem>>, vector<16xf32>,
        %parallel_loop3A_234 = arith.constant 7 : i32
        %parallel_loop3A_235 = arith.addi %parallel_loop3A_173, %parallel_loop3A_234 : i32
        %parallel_loop3A_236 = arith.index_cast %parallel_loop3A_235 : i32 to index
        %parallel_loop3A_237 = arith.constant 0 : index
        %parallel_loop3A_238 = tpu.vector_load %arg6[%parallel_loop3A_236, %parallel_loop3A_237] {strides = array<i32>} : memref<640x64xf32, #tpu.memory_space<vmem>>, vector<16xf32>,
        %parallel_loop3A_239 = arith.constant 8 : i32
        %parallel_loop3A_240 = arith.addi %parallel_loop3A_173, %parallel_loop3A_239 : i32
        %parallel_loop3A_241 = arith.index_cast %parallel_loop3A_240 : i32 to index
        %parallel_loop3A_242 = arith.constant 0 : index
        %parallel_loop3A_243 = tpu.vector_load %arg6[%parallel_loop3A_241, %parallel_loop3A_242] {strides = array<i32>} : memref<640x64xf32, #tpu.memory_space<vmem>>, vector<16xf32>,
        %parallel_loop3A_244 = arith.constant 9 : i32
        %parallel_loop3A_245 = arith.addi %parallel_loop3A_173, %parallel_loop3A_244 : i32
        %parallel_loop3A_246 = arith.index_cast %parallel_loop3A_245 : i32 to index
        %parallel_loop3A_247 = arith.constant 0 : index
        %parallel_loop3A_248 = tpu.vector_load %arg6[%parallel_loop3A_246, %parallel_loop3A_247] {strides = array<i32>} : memref<640x64xf32, #tpu.memory_space<vmem>>, vector<16xf32>,
        %parallel_loop3A_249 = arith.constant 10 : i32
        %parallel_loop3A_250 = arith.addi %parallel_loop3A_173, %parallel_loop3A_249 : i32
        %parallel_loop3A_251 = arith.index_cast %parallel_loop3A_250 : i32 to index
        %parallel_loop3A_252 = arith.constant 0 : index
        %parallel_loop3A_253 = tpu.vector_load %arg6[%parallel_loop3A_251, %parallel_loop3A_252] {strides = array<i32>} : memref<640x64xf32, #tpu.memory_space<vmem>>, vector<16xf32>,
        %parallel_loop3A_254 = arith.constant 11 : i32
        %parallel_loop3A_255 = arith.addi %parallel_loop3A_173, %parallel_loop3A_254 : i32
        %parallel_loop3A_256 = arith.index_cast %parallel_loop3A_255 : i32 to index
        %parallel_loop3A_257 = arith.constant 0 : index
        %parallel_loop3A_258 = tpu.vector_load %arg6[%parallel_loop3A_256, %parallel_loop3A_257] {strides = array<i32>} : memref<640x64xf32, #tpu.memory_space<vmem>>, vector<16xf32>,
        %parallel_loop3A_259 = arith.constant 12 : i32
        %parallel_loop3A_260 = arith.addi %parallel_loop3A_173, %parallel_loop3A_259 : i32
        %parallel_loop3A_261 = arith.index_cast %parallel_loop3A_260 : i32 to index
        %parallel_loop3A_262 = arith.constant 0 : index
        %parallel_loop3A_263 = tpu.vector_load %arg6[%parallel_loop3A_261, %parallel_loop3A_262] {strides = array<i32>} : memref<640x64xf32, #tpu.memory_space<vmem>>, vector<16xf32>,
        %parallel_loop3A_264 = arith.constant 13 : i32
        %parallel_loop3A_265 = arith.addi %parallel_loop3A_173, %parallel_loop3A_264 : i32
        %parallel_loop3A_266 = arith.index_cast %parallel_loop3A_265 : i32 to index
        %parallel_loop3A_267 = arith.constant 0 : index
        %parallel_loop3A_268 = tpu.vector_load %arg6[%parallel_loop3A_266, %parallel_loop3A_267] {strides = array<i32>} : memref<640x64xf32, #tpu.memory_space<vmem>>, vector<16xf32>,
        %parallel_loop3A_269 = arith.constant 14 : i32
        %parallel_loop3A_270 = arith.addi %parallel_loop3A_173, %parallel_loop3A_269 : i32
        %parallel_loop3A_271 = arith.index_cast %parallel_loop3A_270 : i32 to index
        %parallel_loop3A_272 = arith.constant 0 : index
        %parallel_loop3A_273 = tpu.vector_load %arg6[%parallel_loop3A_271, %parallel_loop3A_272] {strides = array<i32>} : memref<640x64xf32, #tpu.memory_space<vmem>>, vector<16xf32>,
        %parallel_loop3A_274 = arith.constant 15 : i32
        %parallel_loop3A_275 = arith.addi %parallel_loop3A_173, %parallel_loop3A_274 : i32
        %parallel_loop3A_276 = arith.index_cast %parallel_loop3A_275 : i32 to index
        %parallel_loop3A_277 = arith.constant 0 : index
        %parallel_loop3A_278 = tpu.vector_load %arg6[%parallel_loop3A_276, %parallel_loop3A_277] {strides = array<i32>} : memref<640x64xf32, #tpu.memory_space<vmem>>, vector<16xf32>,
        %parallel_loop3A_279 = arith.constant 16 : i32
        %parallel_loop3A_280 = arith.addi %parallel_loop3A_173, %parallel_loop3A_279 : i32
        %parallel_loop3A_281 = arith.index_cast %parallel_loop3A_280 : i32 to index
        %parallel_loop3A_282 = arith.constant 0 : index
        %parallel_loop3A_283 = tpu.vector_load %arg6[%parallel_loop3A_281, %parallel_loop3A_282] {strides = array<i32>} : memref<640x64xf32, #tpu.memory_space<vmem>>, vector<16xf32>,
        %parallel_loop3A_284 = arith.constant 17 : i32
        %parallel_loop3A_285 = arith.addi %parallel_loop3A_173, %parallel_loop3A_284 : i32
        %parallel_loop3A_286 = arith.index_cast %parallel_loop3A_285 : i32 to index
        %parallel_loop3A_287 = arith.constant 0 : index
        %parallel_loop3A_288 = tpu.vector_load %arg6[%parallel_loop3A_286, %parallel_loop3A_287] {strides = array<i32>} : memref<640x64xf32, #tpu.memory_space<vmem>>, vector<16xf32>,
        %parallel_loop3A_289 = arith.constant 18 : i32
        %parallel_loop3A_290 = arith.addi %parallel_loop3A_173, %parallel_loop3A_289 : i32
        %parallel_loop3A_291 = arith.index_cast %parallel_loop3A_290 : i32 to index
        %parallel_loop3A_292 = arith.constant 0 : index
        %parallel_loop3A_293 = tpu.vector_load %arg6[%parallel_loop3A_291, %parallel_loop3A_292] {strides = array<i32>} : memref<640x64xf32, #tpu.memory_space<vmem>>, vector<16xf32>,
        %parallel_loop3A_294 = arith.constant 19 : i32
        %parallel_loop3A_295 = arith.addi %parallel_loop3A_173, %parallel_loop3A_294 : i32
        %parallel_loop3A_296 = arith.index_cast %parallel_loop3A_295 : i32 to index
        %parallel_loop3A_297 = arith.constant 0 : index
        %parallel_loop3A_298 = tpu.vector_load %arg6[%parallel_loop3A_296, %parallel_loop3A_297] {strides = array<i32>} : memref<640x64xf32, #tpu.memory_space<vmem>>, vector<16xf32>,
        %parallel_loop3A_299 = arith.addf %parallel_loop3A_203, %parallel_loop3A_208 : vector<16xf32>
        %parallel_loop3A_300 = arith.addf %parallel_loop3A_213, %parallel_loop3A_218 : vector<16xf32>
        %parallel_loop3A_301 = arith.addf %parallel_loop3A_223, %parallel_loop3A_228 : vector<16xf32>
        %parallel_loop3A_302 = arith.addf %parallel_loop3A_233, %parallel_loop3A_238 : vector<16xf32>
        %parallel_loop3A_303 = arith.addf %parallel_loop3A_243, %parallel_loop3A_248 : vector<16xf32>
        %parallel_loop3A_304 = arith.addf %parallel_loop3A_253, %parallel_loop3A_258 : vector<16xf32>
        %parallel_loop3A_305 = arith.addf %parallel_loop3A_263, %parallel_loop3A_268 : vector<16xf32>
        %parallel_loop3A_306 = arith.addf %parallel_loop3A_273, %parallel_loop3A_278 : vector<16xf32>
        %parallel_loop3A_307 = arith.addf %parallel_loop3A_283, %parallel_loop3A_288 : vector<16xf32>
        %parallel_loop3A_308 = arith.addf %parallel_loop3A_293, %parallel_loop3A_298 : vector<16xf32>
        %parallel_loop3A_309 = arith.addf %parallel_loop3A_299, %parallel_loop3A_300 : vector<16xf32>
        %parallel_loop3A_310 = arith.addf %parallel_loop3A_301, %parallel_loop3A_302 : vector<16xf32>
        %parallel_loop3A_311 = arith.addf %parallel_loop3A_303, %parallel_loop3A_304 : vector<16xf32>
        %parallel_loop3A_312 = arith.addf %parallel_loop3A_305, %parallel_loop3A_306 : vector<16xf32>
        %parallel_loop3A_313 = arith.addf %parallel_loop3A_307, %parallel_loop3A_308 : vector<16xf32>
        %parallel_loop3A_314 = arith.addf %parallel_loop3A_309, %parallel_loop3A_310 : vector<16xf32>
        %parallel_loop3A_315 = arith.addf %parallel_loop3A_311, %parallel_loop3A_312 : vector<16xf32>
        %parallel_loop3A_316 = arith.addf %parallel_loop3A_314, %parallel_loop3A_315 : vector<16xf32>
        %parallel_loop3A_317 = arith.addf %parallel_loop3A_316, %parallel_loop3A_313 : vector<16xf32>
        %parallel_loop3A_318 = arith.mulf %parallel_loop3A_317, %parallel_loop3A_198 : vector<16xf32>
        %parallel_loop3A_319 = arith.index_cast %parallel_loop3A_171 : i32 to index
        %parallel_loop3A_320 = arith.constant 0 : index
        %parallel_loop3A_321 = tpu.vector_load %arg8[%parallel_loop3A_319, %parallel_loop3A_320] {strides = array<i32>} : memref<32x128xf32, #tpu.memory_space<vmem>>, vector<16xf32>,
        tpu.vector_store %arg8[%parallel_loop3A_319, %parallel_loop3A_320], %parallel_loop3A_318 {strides = array<i32>} : memref<32x128xf32, #tpu.memory_space<vmem>>, vector<16xf32>,
        %parallel_loop3A_322 = arith.constant 0 : i32
        %parallel_loop3A_323 = arith.addi %parallel_loop3A_173, %parallel_loop3A_322 : i32
        %parallel_loop3A_324 = arith.index_cast %parallel_loop3A_323 : i32 to index
        %parallel_loop3A_325 = arith.constant 16 : index
        %parallel_loop3A_326 = tpu.vector_load %arg6[%parallel_loop3A_324, %parallel_loop3A_325] {strides = array<i32>} : memref<640x64xf32, #tpu.memory_space<vmem>>, vector<16xf32>,
        %parallel_loop3A_327 = arith.constant 1 : i32
        %parallel_loop3A_328 = arith.addi %parallel_loop3A_173, %parallel_loop3A_327 : i32
        %parallel_loop3A_329 = arith.index_cast %parallel_loop3A_328 : i32 to index
        %parallel_loop3A_330 = arith.constant 16 : index
        %parallel_loop3A_331 = tpu.vector_load %arg6[%parallel_loop3A_329, %parallel_loop3A_330] {strides = array<i32>} : memref<640x64xf32, #tpu.memory_space<vmem>>, vector<16xf32>,
        %parallel_loop3A_332 = arith.constant 2 : i32
        %parallel_loop3A_333 = arith.addi %parallel_loop3A_173, %parallel_loop3A_332 : i32
        %parallel_loop3A_334 = arith.index_cast %parallel_loop3A_333 : i32 to index
        %parallel_loop3A_335 = arith.constant 16 : index
        %parallel_loop3A_336 = tpu.vector_load %arg6[%parallel_loop3A_334, %parallel_loop3A_335] {strides = array<i32>} : memref<640x64xf32, #tpu.memory_space<vmem>>, vector<16xf32>,
        %parallel_loop3A_337 = arith.constant 3 : i32
        %parallel_loop3A_338 = arith.addi %parallel_loop3A_173, %parallel_loop3A_337 : i32
        %parallel_loop3A_339 = arith.index_cast %parallel_loop3A_338 : i32 to index
        %parallel_loop3A_340 = arith.constant 16 : index
        %parallel_loop3A_341 = tpu.vector_load %arg6[%parallel_loop3A_339, %parallel_loop3A_340] {strides = array<i32>} : memref<640x64xf32, #tpu.memory_space<vmem>>, vector<16xf32>,
        %parallel_loop3A_342 = arith.constant 4 : i32
        %parallel_loop3A_343 = arith.addi %parallel_loop3A_173, %parallel_loop3A_342 : i32
        %parallel_loop3A_344 = arith.index_cast %parallel_loop3A_343 : i32 to index
        %parallel_loop3A_345 = arith.constant 16 : index
        %parallel_loop3A_346 = tpu.vector_load %arg6[%parallel_loop3A_344, %parallel_loop3A_345] {strides = array<i32>} : memref<640x64xf32, #tpu.memory_space<vmem>>, vector<16xf32>,
        %parallel_loop3A_347 = arith.constant 5 : i32
        %parallel_loop3A_348 = arith.addi %parallel_loop3A_173, %parallel_loop3A_347 : i32
        %parallel_loop3A_349 = arith.index_cast %parallel_loop3A_348 : i32 to index
        %parallel_loop3A_350 = arith.constant 16 : index
        %parallel_loop3A_351 = tpu.vector_load %arg6[%parallel_loop3A_349, %parallel_loop3A_350] {strides = array<i32>} : memref<640x64xf32, #tpu.memory_space<vmem>>, vector<16xf32>,
        %parallel_loop3A_352 = arith.constant 6 : i32
        %parallel_loop3A_353 = arith.addi %parallel_loop3A_173, %parallel_loop3A_352 : i32
        %parallel_loop3A_354 = arith.index_cast %parallel_loop3A_353 : i32 to index
        %parallel_loop3A_355 = arith.constant 16 : index
        %parallel_loop3A_356 = tpu.vector_load %arg6[%parallel_loop3A_354, %parallel_loop3A_355] {strides = array<i32>} : memref<640x64xf32, #tpu.memory_space<vmem>>, vector<16xf32>,
        %parallel_loop3A_357 = arith.constant 7 : i32
        %parallel_loop3A_358 = arith.addi %parallel_loop3A_173, %parallel_loop3A_357 : i32
        %parallel_loop3A_359 = arith.index_cast %parallel_loop3A_358 : i32 to index
        %parallel_loop3A_360 = arith.constant 16 : index
        %parallel_loop3A_361 = tpu.vector_load %arg6[%parallel_loop3A_359, %parallel_loop3A_360] {strides = array<i32>} : memref<640x64xf32, #tpu.memory_space<vmem>>, vector<16xf32>,
        %parallel_loop3A_362 = arith.constant 8 : i32
        %parallel_loop3A_363 = arith.addi %parallel_loop3A_173, %parallel_loop3A_362 : i32
        %parallel_loop3A_364 = arith.index_cast %parallel_loop3A_363 : i32 to index
        %parallel_loop3A_365 = arith.constant 16 : index
        %parallel_loop3A_366 = tpu.vector_load %arg6[%parallel_loop3A_364, %parallel_loop3A_365] {strides = array<i32>} : memref<640x64xf32, #tpu.memory_space<vmem>>, vector<16xf32>,
        %parallel_loop3A_367 = arith.constant 9 : i32
        %parallel_loop3A_368 = arith.addi %parallel_loop3A_173, %parallel_loop3A_367 : i32
        %parallel_loop3A_369 = arith.index_cast %parallel_loop3A_368 : i32 to index
        %parallel_loop3A_370 = arith.constant 16 : index
        %parallel_loop3A_371 = tpu.vector_load %arg6[%parallel_loop3A_369, %parallel_loop3A_370] {strides = array<i32>} : memref<640x64xf32, #tpu.memory_space<vmem>>, vector<16xf32>,
        %parallel_loop3A_372 = arith.constant 10 : i32
        %parallel_loop3A_373 = arith.addi %parallel_loop3A_173, %parallel_loop3A_372 : i32
        %parallel_loop3A_374 = arith.index_cast %parallel_loop3A_373 : i32 to index
        %parallel_loop3A_375 = arith.constant 16 : index
        %parallel_loop3A_376 = tpu.vector_load %arg6[%parallel_loop3A_374, %parallel_loop3A_375] {strides = array<i32>} : memref<640x64xf32, #tpu.memory_space<vmem>>, vector<16xf32>,
        %parallel_loop3A_377 = arith.constant 11 : i32
        %parallel_loop3A_378 = arith.addi %parallel_loop3A_173, %parallel_loop3A_377 : i32
        %parallel_loop3A_379 = arith.index_cast %parallel_loop3A_378 : i32 to index
        %parallel_loop3A_380 = arith.constant 16 : index
        %parallel_loop3A_381 = tpu.vector_load %arg6[%parallel_loop3A_379, %parallel_loop3A_380] {strides = array<i32>} : memref<640x64xf32, #tpu.memory_space<vmem>>, vector<16xf32>,
        %parallel_loop3A_382 = arith.constant 12 : i32
        %parallel_loop3A_383 = arith.addi %parallel_loop3A_173, %parallel_loop3A_382 : i32
        %parallel_loop3A_384 = arith.index_cast %parallel_loop3A_383 : i32 to index
        %parallel_loop3A_385 = arith.constant 16 : index
        %parallel_loop3A_386 = tpu.vector_load %arg6[%parallel_loop3A_384, %parallel_loop3A_385] {strides = array<i32>} : memref<640x64xf32, #tpu.memory_space<vmem>>, vector<16xf32>,
        %parallel_loop3A_387 = arith.constant 13 : i32
        %parallel_loop3A_388 = arith.addi %parallel_loop3A_173, %parallel_loop3A_387 : i32
        %parallel_loop3A_389 = arith.index_cast %parallel_loop3A_388 : i32 to index
        %parallel_loop3A_390 = arith.constant 16 : index
        %parallel_loop3A_391 = tpu.vector_load %arg6[%parallel_loop3A_389, %parallel_loop3A_390] {strides = array<i32>} : memref<640x64xf32, #tpu.memory_space<vmem>>, vector<16xf32>,
        %parallel_loop3A_392 = arith.constant 14 : i32
        %parallel_loop3A_393 = arith.addi %parallel_loop3A_173, %parallel_loop3A_392 : i32
        %parallel_loop3A_394 = arith.index_cast %parallel_loop3A_393 : i32 to index
        %parallel_loop3A_395 = arith.constant 16 : index
        %parallel_loop3A_396 = tpu.vector_load %arg6[%parallel_loop3A_394, %parallel_loop3A_395] {strides = array<i32>} : memref<640x64xf32, #tpu.memory_space<vmem>>, vector<16xf32>,
        %parallel_loop3A_397 = arith.constant 15 : i32
        %parallel_loop3A_398 = arith.addi %parallel_loop3A_173, %parallel_loop3A_397 : i32
        %parallel_loop3A_399 = arith.index_cast %parallel_loop3A_398 : i32 to index
        %parallel_loop3A_400 = arith.constant 16 : index
        %parallel_loop3A_401 = tpu.vector_load %arg6[%parallel_loop3A_399, %parallel_loop3A_400] {strides = array<i32>} : memref<640x64xf32, #tpu.memory_space<vmem>>, vector<16xf32>,
        %parallel_loop3A_402 = arith.constant 16 : i32
        %parallel_loop3A_403 = arith.addi %parallel_loop3A_173, %parallel_loop3A_402 : i32
        %parallel_loop3A_404 = arith.index_cast %parallel_loop3A_403 : i32 to index
        %parallel_loop3A_405 = arith.constant 16 : index
        %parallel_loop3A_406 = tpu.vector_load %arg6[%parallel_loop3A_404, %parallel_loop3A_405] {strides = array<i32>} : memref<640x64xf32, #tpu.memory_space<vmem>>, vector<16xf32>,
        %parallel_loop3A_407 = arith.constant 17 : i32
        %parallel_loop3A_408 = arith.addi %parallel_loop3A_173, %parallel_loop3A_407 : i32
        %parallel_loop3A_409 = arith.index_cast %parallel_loop3A_408 : i32 to index
        %parallel_loop3A_410 = arith.constant 16 : index
        %parallel_loop3A_411 = tpu.vector_load %arg6[%parallel_loop3A_409, %parallel_loop3A_410] {strides = array<i32>} : memref<640x64xf32, #tpu.memory_space<vmem>>, vector<16xf32>,
        %parallel_loop3A_412 = arith.constant 18 : i32
        %parallel_loop3A_413 = arith.addi %parallel_loop3A_173, %parallel_loop3A_412 : i32
        %parallel_loop3A_414 = arith.index_cast %parallel_loop3A_413 : i32 to index
        %parallel_loop3A_415 = arith.constant 16 : index
        %parallel_loop3A_416 = tpu.vector_load %arg6[%parallel_loop3A_414, %parallel_loop3A_415] {strides = array<i32>} : memref<640x64xf32, #tpu.memory_space<vmem>>, vector<16xf32>,
        %parallel_loop3A_417 = arith.constant 19 : i32
        %parallel_loop3A_418 = arith.addi %parallel_loop3A_173, %parallel_loop3A_417 : i32
        %parallel_loop3A_419 = arith.index_cast %parallel_loop3A_418 : i32 to index
        %parallel_loop3A_420 = arith.constant 16 : index
        %parallel_loop3A_421 = tpu.vector_load %arg6[%parallel_loop3A_419, %parallel_loop3A_420] {strides = array<i32>} : memref<640x64xf32, #tpu.memory_space<vmem>>, vector<16xf32>,
        %parallel_loop3A_422 = arith.addf %parallel_loop3A_326, %parallel_loop3A_331 : vector<16xf32>
        %parallel_loop3A_423 = arith.addf %parallel_loop3A_336, %parallel_loop3A_341 : vector<16xf32>
        %parallel_loop3A_424 = arith.addf %parallel_loop3A_346, %parallel_loop3A_351 : vector<16xf32>
        %parallel_loop3A_425 = arith.addf %parallel_loop3A_356, %parallel_loop3A_361 : vector<16xf32>
        %parallel_loop3A_426 = arith.addf %parallel_loop3A_366, %parallel_loop3A_371 : vector<16xf32>
        %parallel_loop3A_427 = arith.addf %parallel_loop3A_376, %parallel_loop3A_381 : vector<16xf32>
        %parallel_loop3A_428 = arith.addf %parallel_loop3A_386, %parallel_loop3A_391 : vector<16xf32>
        %parallel_loop3A_429 = arith.addf %parallel_loop3A_396, %parallel_loop3A_401 : vector<16xf32>
        %parallel_loop3A_430 = arith.addf %parallel_loop3A_406, %parallel_loop3A_411 : vector<16xf32>
        %parallel_loop3A_431 = arith.addf %parallel_loop3A_416, %parallel_loop3A_421 : vector<16xf32>
        %parallel_loop3A_432 = arith.addf %parallel_loop3A_422, %parallel_loop3A_423 : vector<16xf32>
        %parallel_loop3A_433 = arith.addf %parallel_loop3A_424, %parallel_loop3A_425 : vector<16xf32>
        %parallel_loop3A_434 = arith.addf %parallel_loop3A_426, %parallel_loop3A_427 : vector<16xf32>
        %parallel_loop3A_435 = arith.addf %parallel_loop3A_428, %parallel_loop3A_429 : vector<16xf32>
        %parallel_loop3A_436 = arith.addf %parallel_loop3A_430, %parallel_loop3A_431 : vector<16xf32>
        %parallel_loop3A_437 = arith.addf %parallel_loop3A_432, %parallel_loop3A_433 : vector<16xf32>
        %parallel_loop3A_438 = arith.addf %parallel_loop3A_434, %parallel_loop3A_435 : vector<16xf32>
        %parallel_loop3A_439 = arith.addf %parallel_loop3A_437, %parallel_loop3A_438 : vector<16xf32>
        %parallel_loop3A_440 = arith.addf %parallel_loop3A_439, %parallel_loop3A_436 : vector<16xf32>
        %parallel_loop3A_441 = arith.mulf %parallel_loop3A_440, %parallel_loop3A_198 : vector<16xf32>
        %parallel_loop3A_442 = arith.index_cast %parallel_loop3A_171 : i32 to index
        %parallel_loop3A_443 = arith.constant 16 : index
        %parallel_loop3A_444 = tpu.vector_load %arg8[%parallel_loop3A_442, %parallel_loop3A_443] {strides = array<i32>} : memref<32x128xf32, #tpu.memory_space<vmem>>, vector<16xf32>,
        tpu.vector_store %arg8[%parallel_loop3A_442, %parallel_loop3A_443], %parallel_loop3A_441 {strides = array<i32>} : memref<32x128xf32, #tpu.memory_space<vmem>>, vector<16xf32>,
        %parallel_loop3A_445 = arith.constant 0 : i32
        %parallel_loop3A_446 = arith.addi %parallel_loop3A_173, %parallel_loop3A_445 : i32
        %parallel_loop3A_447 = arith.index_cast %parallel_loop3A_446 : i32 to index
        %parallel_loop3A_448 = arith.constant 32 : index
        %parallel_loop3A_449 = tpu.vector_load %arg6[%parallel_loop3A_447, %parallel_loop3A_448] {strides = array<i32>} : memref<640x64xf32, #tpu.memory_space<vmem>>, vector<16xf32>,
        %parallel_loop3A_450 = arith.constant 1 : i32
        %parallel_loop3A_451 = arith.addi %parallel_loop3A_173, %parallel_loop3A_450 : i32
        %parallel_loop3A_452 = arith.index_cast %parallel_loop3A_451 : i32 to index
        %parallel_loop3A_453 = arith.constant 32 : index
        %parallel_loop3A_454 = tpu.vector_load %arg6[%parallel_loop3A_452, %parallel_loop3A_453] {strides = array<i32>} : memref<640x64xf32, #tpu.memory_space<vmem>>, vector<16xf32>,
        %parallel_loop3A_455 = arith.constant 2 : i32
        %parallel_loop3A_456 = arith.addi %parallel_loop3A_173, %parallel_loop3A_455 : i32
        %parallel_loop3A_457 = arith.index_cast %parallel_loop3A_456 : i32 to index
        %parallel_loop3A_458 = arith.constant 32 : index
        %parallel_loop3A_459 = tpu.vector_load %arg6[%parallel_loop3A_457, %parallel_loop3A_458] {strides = array<i32>} : memref<640x64xf32, #tpu.memory_space<vmem>>, vector<16xf32>,
        %parallel_loop3A_460 = arith.constant 3 : i32
        %parallel_loop3A_461 = arith.addi %parallel_loop3A_173, %parallel_loop3A_460 : i32
        %parallel_loop3A_462 = arith.index_cast %parallel_loop3A_461 : i32 to index
        %parallel_loop3A_463 = arith.constant 32 : index
        %parallel_loop3A_464 = tpu.vector_load %arg6[%parallel_loop3A_462, %parallel_loop3A_463] {strides = array<i32>} : memref<640x64xf32, #tpu.memory_space<vmem>>, vector<16xf32>,
        %parallel_loop3A_465 = arith.constant 4 : i32
        %parallel_loop3A_466 = arith.addi %parallel_loop3A_173, %parallel_loop3A_465 : i32
        %parallel_loop3A_467 = arith.index_cast %parallel_loop3A_466 : i32 to index
        %parallel_loop3A_468 = arith.constant 32 : index
        %parallel_loop3A_469 = tpu.vector_load %arg6[%parallel_loop3A_467, %parallel_loop3A_468] {strides = array<i32>} : memref<640x64xf32, #tpu.memory_space<vmem>>, vector<16xf32>,
        %parallel_loop3A_470 = arith.constant 5 : i32
        %parallel_loop3A_471 = arith.addi %parallel_loop3A_173, %parallel_loop3A_470 : i32
        %parallel_loop3A_472 = arith.index_cast %parallel_loop3A_471 : i32 to index
        %parallel_loop3A_473 = arith.constant 32 : index
        %parallel_loop3A_474 = tpu.vector_load %arg6[%parallel_loop3A_472, %parallel_loop3A_473] {strides = array<i32>} : memref<640x64xf32, #tpu.memory_space<vmem>>, vector<16xf32>,
        %parallel_loop3A_475 = arith.constant 6 : i32
        %parallel_loop3A_476 = arith.addi %parallel_loop3A_173, %parallel_loop3A_475 : i32
        %parallel_loop3A_477 = arith.index_cast %parallel_loop3A_476 : i32 to index
        %parallel_loop3A_478 = arith.constant 32 : index
        %parallel_loop3A_479 = tpu.vector_load %arg6[%parallel_loop3A_477, %parallel_loop3A_478] {strides = array<i32>} : memref<640x64xf32, #tpu.memory_space<vmem>>, vector<16xf32>,
        %parallel_loop3A_480 = arith.constant 7 : i32
        %parallel_loop3A_481 = arith.addi %parallel_loop3A_173, %parallel_loop3A_480 : i32
        %parallel_loop3A_482 = arith.index_cast %parallel_loop3A_481 : i32 to index
        %parallel_loop3A_483 = arith.constant 32 : index
        %parallel_loop3A_484 = tpu.vector_load %arg6[%parallel_loop3A_482, %parallel_loop3A_483] {strides = array<i32>} : memref<640x64xf32, #tpu.memory_space<vmem>>, vector<16xf32>,
        %parallel_loop3A_485 = arith.constant 8 : i32
        %parallel_loop3A_486 = arith.addi %parallel_loop3A_173, %parallel_loop3A_485 : i32
        %parallel_loop3A_487 = arith.index_cast %parallel_loop3A_486 : i32 to index
        %parallel_loop3A_488 = arith.constant 32 : index
        %parallel_loop3A_489 = tpu.vector_load %arg6[%parallel_loop3A_487, %parallel_loop3A_488] {strides = array<i32>} : memref<640x64xf32, #tpu.memory_space<vmem>>, vector<16xf32>,
        %parallel_loop3A_490 = arith.constant 9 : i32
        %parallel_loop3A_491 = arith.addi %parallel_loop3A_173, %parallel_loop3A_490 : i32
        %parallel_loop3A_492 = arith.index_cast %parallel_loop3A_491 : i32 to index
        %parallel_loop3A_493 = arith.constant 32 : index
        %parallel_loop3A_494 = tpu.vector_load %arg6[%parallel_loop3A_492, %parallel_loop3A_493] {strides = array<i32>} : memref<640x64xf32, #tpu.memory_space<vmem>>, vector<16xf32>,
        %parallel_loop3A_495 = arith.constant 10 : i32
        %parallel_loop3A_496 = arith.addi %parallel_loop3A_173, %parallel_loop3A_495 : i32
        %parallel_loop3A_497 = arith.index_cast %parallel_loop3A_496 : i32 to index
        %parallel_loop3A_498 = arith.constant 32 : index
        %parallel_loop3A_499 = tpu.vector_load %arg6[%parallel_loop3A_497, %parallel_loop3A_498] {strides = array<i32>} : memref<640x64xf32, #tpu.memory_space<vmem>>, vector<16xf32>,
        %parallel_loop3A_500 = arith.constant 11 : i32
        %parallel_loop3A_501 = arith.addi %parallel_loop3A_173, %parallel_loop3A_500 : i32
        %parallel_loop3A_502 = arith.index_cast %parallel_loop3A_501 : i32 to index
        %parallel_loop3A_503 = arith.constant 32 : index
        %parallel_loop3A_504 = tpu.vector_load %arg6[%parallel_loop3A_502, %parallel_loop3A_503] {strides = array<i32>} : memref<640x64xf32, #tpu.memory_space<vmem>>, vector<16xf32>,
        %parallel_loop3A_505 = arith.constant 12 : i32
        %parallel_loop3A_506 = arith.addi %parallel_loop3A_173, %parallel_loop3A_505 : i32
        %parallel_loop3A_507 = arith.index_cast %parallel_loop3A_506 : i32 to index
        %parallel_loop3A_508 = arith.constant 32 : index
        %parallel_loop3A_509 = tpu.vector_load %arg6[%parallel_loop3A_507, %parallel_loop3A_508] {strides = array<i32>} : memref<640x64xf32, #tpu.memory_space<vmem>>, vector<16xf32>,
        %parallel_loop3A_510 = arith.constant 13 : i32
        %parallel_loop3A_511 = arith.addi %parallel_loop3A_173, %parallel_loop3A_510 : i32
        %parallel_loop3A_512 = arith.index_cast %parallel_loop3A_511 : i32 to index
        %parallel_loop3A_513 = arith.constant 32 : index
        %parallel_loop3A_514 = tpu.vector_load %arg6[%parallel_loop3A_512, %parallel_loop3A_513] {strides = array<i32>} : memref<640x64xf32, #tpu.memory_space<vmem>>, vector<16xf32>,
        %parallel_loop3A_515 = arith.constant 14 : i32
        %parallel_loop3A_516 = arith.addi %parallel_loop3A_173, %parallel_loop3A_515 : i32
        %parallel_loop3A_517 = arith.index_cast %parallel_loop3A_516 : i32 to index
        %parallel_loop3A_518 = arith.constant 32 : index
        %parallel_loop3A_519 = tpu.vector_load %arg6[%parallel_loop3A_517, %parallel_loop3A_518] {strides = array<i32>} : memref<640x64xf32, #tpu.memory_space<vmem>>, vector<16xf32>,
        %parallel_loop3A_520 = arith.constant 15 : i32
        %parallel_loop3A_521 = arith.addi %parallel_loop3A_173, %parallel_loop3A_520 : i32
        %parallel_loop3A_522 = arith.index_cast %parallel_loop3A_521 : i32 to index
        %parallel_loop3A_523 = arith.constant 32 : index
        %parallel_loop3A_524 = tpu.vector_load %arg6[%parallel_loop3A_522, %parallel_loop3A_523] {strides = array<i32>} : memref<640x64xf32, #tpu.memory_space<vmem>>, vector<16xf32>,
        %parallel_loop3A_525 = arith.constant 16 : i32
        %parallel_loop3A_526 = arith.addi %parallel_loop3A_173, %parallel_loop3A_525 : i32
        %parallel_loop3A_527 = arith.index_cast %parallel_loop3A_526 : i32 to index
        %parallel_loop3A_528 = arith.constant 32 : index
        %parallel_loop3A_529 = tpu.vector_load %arg6[%parallel_loop3A_527, %parallel_loop3A_528] {strides = array<i32>} : memref<640x64xf32, #tpu.memory_space<vmem>>, vector<16xf32>,
        %parallel_loop3A_530 = arith.constant 17 : i32
        %parallel_loop3A_531 = arith.addi %parallel_loop3A_173, %parallel_loop3A_530 : i32
        %parallel_loop3A_532 = arith.index_cast %parallel_loop3A_531 : i32 to index
        %parallel_loop3A_533 = arith.constant 32 : index
        %parallel_loop3A_534 = tpu.vector_load %arg6[%parallel_loop3A_532, %parallel_loop3A_533] {strides = array<i32>} : memref<640x64xf32, #tpu.memory_space<vmem>>, vector<16xf32>,
        %parallel_loop3A_535 = arith.constant 18 : i32
        %parallel_loop3A_536 = arith.addi %parallel_loop3A_173, %parallel_loop3A_535 : i32
        %parallel_loop3A_537 = arith.index_cast %parallel_loop3A_536 : i32 to index
        %parallel_loop3A_538 = arith.constant 32 : index
        %parallel_loop3A_539 = tpu.vector_load %arg6[%parallel_loop3A_537, %parallel_loop3A_538] {strides = array<i32>} : memref<640x64xf32, #tpu.memory_space<vmem>>, vector<16xf32>,
        %parallel_loop3A_540 = arith.constant 19 : i32
        %parallel_loop3A_541 = arith.addi %parallel_loop3A_173, %parallel_loop3A_540 : i32
        %parallel_loop3A_542 = arith.index_cast %parallel_loop3A_541 : i32 to index
        %parallel_loop3A_543 = arith.constant 32 : index
        %parallel_loop3A_544 = tpu.vector_load %arg6[%parallel_loop3A_542, %parallel_loop3A_543] {strides = array<i32>} : memref<640x64xf32, #tpu.memory_space<vmem>>, vector<16xf32>,
        %parallel_loop3A_545 = arith.addf %parallel_loop3A_449, %parallel_loop3A_454 : vector<16xf32>
        %parallel_loop3A_546 = arith.addf %parallel_loop3A_459, %parallel_loop3A_464 : vector<16xf32>
        %parallel_loop3A_547 = arith.addf %parallel_loop3A_469, %parallel_loop3A_474 : vector<16xf32>
        %parallel_loop3A_548 = arith.addf %parallel_loop3A_479, %parallel_loop3A_484 : vector<16xf32>
        %parallel_loop3A_549 = arith.addf %parallel_loop3A_489, %parallel_loop3A_494 : vector<16xf32>
        %parallel_loop3A_550 = arith.addf %parallel_loop3A_499, %parallel_loop3A_504 : vector<16xf32>
        %parallel_loop3A_551 = arith.addf %parallel_loop3A_509, %parallel_loop3A_514 : vector<16xf32>
        %parallel_loop3A_552 = arith.addf %parallel_loop3A_519, %parallel_loop3A_524 : vector<16xf32>
        %parallel_loop3A_553 = arith.addf %parallel_loop3A_529, %parallel_loop3A_534 : vector<16xf32>
        %parallel_loop3A_554 = arith.addf %parallel_loop3A_539, %parallel_loop3A_544 : vector<16xf32>
        %parallel_loop3A_555 = arith.addf %parallel_loop3A_545, %parallel_loop3A_546 : vector<16xf32>
        %parallel_loop3A_556 = arith.addf %parallel_loop3A_547, %parallel_loop3A_548 : vector<16xf32>
        %parallel_loop3A_557 = arith.addf %parallel_loop3A_549, %parallel_loop3A_550 : vector<16xf32>
        %parallel_loop3A_558 = arith.addf %parallel_loop3A_551, %parallel_loop3A_552 : vector<16xf32>
        %parallel_loop3A_559 = arith.addf %parallel_loop3A_553, %parallel_loop3A_554 : vector<16xf32>
        %parallel_loop3A_560 = arith.addf %parallel_loop3A_555, %parallel_loop3A_556 : vector<16xf32>
        %parallel_loop3A_561 = arith.addf %parallel_loop3A_557, %parallel_loop3A_558 : vector<16xf32>
        %parallel_loop3A_562 = arith.addf %parallel_loop3A_560, %parallel_loop3A_561 : vector<16xf32>
        %parallel_loop3A_563 = arith.addf %parallel_loop3A_562, %parallel_loop3A_559 : vector<16xf32>
        %parallel_loop3A_564 = arith.mulf %parallel_loop3A_563, %parallel_loop3A_198 : vector<16xf32>
        %parallel_loop3A_565 = arith.index_cast %parallel_loop3A_171 : i32 to index
        %parallel_loop3A_566 = arith.constant 32 : index
        %parallel_loop3A_567 = tpu.vector_load %arg8[%parallel_loop3A_565, %parallel_loop3A_566] {strides = array<i32>} : memref<32x128xf32, #tpu.memory_space<vmem>>, vector<16xf32>,
        tpu.vector_store %arg8[%parallel_loop3A_565, %parallel_loop3A_566], %parallel_loop3A_564 {strides = array<i32>} : memref<32x128xf32, #tpu.memory_space<vmem>>, vector<16xf32>,
        %parallel_loop3A_568 = arith.constant 0 : i32
        %parallel_loop3A_569 = arith.addi %parallel_loop3A_173, %parallel_loop3A_568 : i32
        %parallel_loop3A_570 = arith.index_cast %parallel_loop3A_569 : i32 to index
        %parallel_loop3A_571 = arith.constant 48 : index
        %parallel_loop3A_572 = tpu.vector_load %arg6[%parallel_loop3A_570, %parallel_loop3A_571] {strides = array<i32>} : memref<640x64xf32, #tpu.memory_space<vmem>>, vector<16xf32>,
        %parallel_loop3A_573 = arith.constant 1 : i32
        %parallel_loop3A_574 = arith.addi %parallel_loop3A_173, %parallel_loop3A_573 : i32
        %parallel_loop3A_575 = arith.index_cast %parallel_loop3A_574 : i32 to index
        %parallel_loop3A_576 = arith.constant 48 : index
        %parallel_loop3A_577 = tpu.vector_load %arg6[%parallel_loop3A_575, %parallel_loop3A_576] {strides = array<i32>} : memref<640x64xf32, #tpu.memory_space<vmem>>, vector<16xf32>,
        %parallel_loop3A_578 = arith.constant 2 : i32
        %parallel_loop3A_579 = arith.addi %parallel_loop3A_173, %parallel_loop3A_578 : i32
        %parallel_loop3A_580 = arith.index_cast %parallel_loop3A_579 : i32 to index
        %parallel_loop3A_581 = arith.constant 48 : index
        %parallel_loop3A_582 = tpu.vector_load %arg6[%parallel_loop3A_580, %parallel_loop3A_581] {strides = array<i32>} : memref<640x64xf32, #tpu.memory_space<vmem>>, vector<16xf32>,
        %parallel_loop3A_583 = arith.constant 3 : i32
        %parallel_loop3A_584 = arith.addi %parallel_loop3A_173, %parallel_loop3A_583 : i32
        %parallel_loop3A_585 = arith.index_cast %parallel_loop3A_584 : i32 to index
        %parallel_loop3A_586 = arith.constant 48 : index
        %parallel_loop3A_587 = tpu.vector_load %arg6[%parallel_loop3A_585, %parallel_loop3A_586] {strides = array<i32>} : memref<640x64xf32, #tpu.memory_space<vmem>>, vector<16xf32>,
        %parallel_loop3A_588 = arith.constant 4 : i32
        %parallel_loop3A_589 = arith.addi %parallel_loop3A_173, %parallel_loop3A_588 : i32
        %parallel_loop3A_590 = arith.index_cast %parallel_loop3A_589 : i32 to index
        %parallel_loop3A_591 = arith.constant 48 : index
        %parallel_loop3A_592 = tpu.vector_load %arg6[%parallel_loop3A_590, %parallel_loop3A_591] {strides = array<i32>} : memref<640x64xf32, #tpu.memory_space<vmem>>, vector<16xf32>,
        %parallel_loop3A_593 = arith.constant 5 : i32
        %parallel_loop3A_594 = arith.addi %parallel_loop3A_173, %parallel_loop3A_593 : i32
        %parallel_loop3A_595 = arith.index_cast %parallel_loop3A_594 : i32 to index
        %parallel_loop3A_596 = arith.constant 48 : index
        %parallel_loop3A_597 = tpu.vector_load %arg6[%parallel_loop3A_595, %parallel_loop3A_596] {strides = array<i32>} : memref<640x64xf32, #tpu.memory_space<vmem>>, vector<16xf32>,
        %parallel_loop3A_598 = arith.constant 6 : i32
        %parallel_loop3A_599 = arith.addi %parallel_loop3A_173, %parallel_loop3A_598 : i32
        %parallel_loop3A_600 = arith.index_cast %parallel_loop3A_599 : i32 to index
        %parallel_loop3A_601 = arith.constant 48 : index
        %parallel_loop3A_602 = tpu.vector_load %arg6[%parallel_loop3A_600, %parallel_loop3A_601] {strides = array<i32>} : memref<640x64xf32, #tpu.memory_space<vmem>>, vector<16xf32>,
        %parallel_loop3A_603 = arith.constant 7 : i32
        %parallel_loop3A_604 = arith.addi %parallel_loop3A_173, %parallel_loop3A_603 : i32
        %parallel_loop3A_605 = arith.index_cast %parallel_loop3A_604 : i32 to index
        %parallel_loop3A_606 = arith.constant 48 : index
        %parallel_loop3A_607 = tpu.vector_load %arg6[%parallel_loop3A_605, %parallel_loop3A_606] {strides = array<i32>} : memref<640x64xf32, #tpu.memory_space<vmem>>, vector<16xf32>,
        %parallel_loop3A_608 = arith.constant 8 : i32
        %parallel_loop3A_609 = arith.addi %parallel_loop3A_173, %parallel_loop3A_608 : i32
        %parallel_loop3A_610 = arith.index_cast %parallel_loop3A_609 : i32 to index
        %parallel_loop3A_611 = arith.constant 48 : index
        %parallel_loop3A_612 = tpu.vector_load %arg6[%parallel_loop3A_610, %parallel_loop3A_611] {strides = array<i32>} : memref<640x64xf32, #tpu.memory_space<vmem>>, vector<16xf32>,
        %parallel_loop3A_613 = arith.constant 9 : i32
        %parallel_loop3A_614 = arith.addi %parallel_loop3A_173, %parallel_loop3A_613 : i32
        %parallel_loop3A_615 = arith.index_cast %parallel_loop3A_614 : i32 to index
        %parallel_loop3A_616 = arith.constant 48 : index
        %parallel_loop3A_617 = tpu.vector_load %arg6[%parallel_loop3A_615, %parallel_loop3A_616] {strides = array<i32>} : memref<640x64xf32, #tpu.memory_space<vmem>>, vector<16xf32>,
        %parallel_loop3A_618 = arith.constant 10 : i32
        %parallel_loop3A_619 = arith.addi %parallel_loop3A_173, %parallel_loop3A_618 : i32
        %parallel_loop3A_620 = arith.index_cast %parallel_loop3A_619 : i32 to index
        %parallel_loop3A_621 = arith.constant 48 : index
        %parallel_loop3A_622 = tpu.vector_load %arg6[%parallel_loop3A_620, %parallel_loop3A_621] {strides = array<i32>} : memref<640x64xf32, #tpu.memory_space<vmem>>, vector<16xf32>,
        %parallel_loop3A_623 = arith.constant 11 : i32
        %parallel_loop3A_624 = arith.addi %parallel_loop3A_173, %parallel_loop3A_623 : i32
        %parallel_loop3A_625 = arith.index_cast %parallel_loop3A_624 : i32 to index
        %parallel_loop3A_626 = arith.constant 48 : index
        %parallel_loop3A_627 = tpu.vector_load %arg6[%parallel_loop3A_625, %parallel_loop3A_626] {strides = array<i32>} : memref<640x64xf32, #tpu.memory_space<vmem>>, vector<16xf32>,
        %parallel_loop3A_628 = arith.constant 12 : i32
        %parallel_loop3A_629 = arith.addi %parallel_loop3A_173, %parallel_loop3A_628 : i32
        %parallel_loop3A_630 = arith.index_cast %parallel_loop3A_629 : i32 to index
        %parallel_loop3A_631 = arith.constant 48 : index
        %parallel_loop3A_632 = tpu.vector_load %arg6[%parallel_loop3A_630, %parallel_loop3A_631] {strides = array<i32>} : memref<640x64xf32, #tpu.memory_space<vmem>>, vector<16xf32>,
        %parallel_loop3A_633 = arith.constant 13 : i32
        %parallel_loop3A_634 = arith.addi %parallel_loop3A_173, %parallel_loop3A_633 : i32
        %parallel_loop3A_635 = arith.index_cast %parallel_loop3A_634 : i32 to index
        %parallel_loop3A_636 = arith.constant 48 : index
        %parallel_loop3A_637 = tpu.vector_load %arg6[%parallel_loop3A_635, %parallel_loop3A_636] {strides = array<i32>} : memref<640x64xf32, #tpu.memory_space<vmem>>, vector<16xf32>,
        %parallel_loop3A_638 = arith.constant 14 : i32
        %parallel_loop3A_639 = arith.addi %parallel_loop3A_173, %parallel_loop3A_638 : i32
        %parallel_loop3A_640 = arith.index_cast %parallel_loop3A_639 : i32 to index
        %parallel_loop3A_641 = arith.constant 48 : index
        %parallel_loop3A_642 = tpu.vector_load %arg6[%parallel_loop3A_640, %parallel_loop3A_641] {strides = array<i32>} : memref<640x64xf32, #tpu.memory_space<vmem>>, vector<16xf32>,
        %parallel_loop3A_643 = arith.constant 15 : i32
        %parallel_loop3A_644 = arith.addi %parallel_loop3A_173, %parallel_loop3A_643 : i32
        %parallel_loop3A_645 = arith.index_cast %parallel_loop3A_644 : i32 to index
        %parallel_loop3A_646 = arith.constant 48 : index
        %parallel_loop3A_647 = tpu.vector_load %arg6[%parallel_loop3A_645, %parallel_loop3A_646] {strides = array<i32>} : memref<640x64xf32, #tpu.memory_space<vmem>>, vector<16xf32>,
        %parallel_loop3A_648 = arith.constant 16 : i32
        %parallel_loop3A_649 = arith.addi %parallel_loop3A_173, %parallel_loop3A_648 : i32
        %parallel_loop3A_650 = arith.index_cast %parallel_loop3A_649 : i32 to index
        %parallel_loop3A_651 = arith.constant 48 : index
        %parallel_loop3A_652 = tpu.vector_load %arg6[%parallel_loop3A_650, %parallel_loop3A_651] {strides = array<i32>} : memref<640x64xf32, #tpu.memory_space<vmem>>, vector<16xf32>,
        %parallel_loop3A_653 = arith.constant 17 : i32
        %parallel_loop3A_654 = arith.addi %parallel_loop3A_173, %parallel_loop3A_653 : i32
        %parallel_loop3A_655 = arith.index_cast %parallel_loop3A_654 : i32 to index
        %parallel_loop3A_656 = arith.constant 48 : index
        %parallel_loop3A_657 = tpu.vector_load %arg6[%parallel_loop3A_655, %parallel_loop3A_656] {strides = array<i32>} : memref<640x64xf32, #tpu.memory_space<vmem>>, vector<16xf32>,
        %parallel_loop3A_658 = arith.constant 18 : i32
        %parallel_loop3A_659 = arith.addi %parallel_loop3A_173, %parallel_loop3A_658 : i32
        %parallel_loop3A_660 = arith.index_cast %parallel_loop3A_659 : i32 to index
        %parallel_loop3A_661 = arith.constant 48 : index
        %parallel_loop3A_662 = tpu.vector_load %arg6[%parallel_loop3A_660, %parallel_loop3A_661] {strides = array<i32>} : memref<640x64xf32, #tpu.memory_space<vmem>>, vector<16xf32>,
        %parallel_loop3A_663 = arith.constant 19 : i32
        %parallel_loop3A_664 = arith.addi %parallel_loop3A_173, %parallel_loop3A_663 : i32
        %parallel_loop3A_665 = arith.index_cast %parallel_loop3A_664 : i32 to index
        %parallel_loop3A_666 = arith.constant 48 : index
        %parallel_loop3A_667 = tpu.vector_load %arg6[%parallel_loop3A_665, %parallel_loop3A_666] {strides = array<i32>} : memref<640x64xf32, #tpu.memory_space<vmem>>, vector<16xf32>,
        %parallel_loop3A_668 = arith.addf %parallel_loop3A_572, %parallel_loop3A_577 : vector<16xf32>
        %parallel_loop3A_669 = arith.addf %parallel_loop3A_582, %parallel_loop3A_587 : vector<16xf32>
        %parallel_loop3A_670 = arith.addf %parallel_loop3A_592, %parallel_loop3A_597 : vector<16xf32>
        %parallel_loop3A_671 = arith.addf %parallel_loop3A_602, %parallel_loop3A_607 : vector<16xf32>
        %parallel_loop3A_672 = arith.addf %parallel_loop3A_612, %parallel_loop3A_617 : vector<16xf32>
        %parallel_loop3A_673 = arith.addf %parallel_loop3A_622, %parallel_loop3A_627 : vector<16xf32>
        %parallel_loop3A_674 = arith.addf %parallel_loop3A_632, %parallel_loop3A_637 : vector<16xf32>
        %parallel_loop3A_675 = arith.addf %parallel_loop3A_642, %parallel_loop3A_647 : vector<16xf32>
        %parallel_loop3A_676 = arith.addf %parallel_loop3A_652, %parallel_loop3A_657 : vector<16xf32>
        %parallel_loop3A_677 = arith.addf %parallel_loop3A_662, %parallel_loop3A_667 : vector<16xf32>
        %parallel_loop3A_678 = arith.addf %parallel_loop3A_668, %parallel_loop3A_669 : vector<16xf32>
        %parallel_loop3A_679 = arith.addf %parallel_loop3A_670, %parallel_loop3A_671 : vector<16xf32>
        %parallel_loop3A_680 = arith.addf %parallel_loop3A_672, %parallel_loop3A_673 : vector<16xf32>
        %parallel_loop3A_681 = arith.addf %parallel_loop3A_674, %parallel_loop3A_675 : vector<16xf32>
        %parallel_loop3A_682 = arith.addf %parallel_loop3A_676, %parallel_loop3A_677 : vector<16xf32>
        %parallel_loop3A_683 = arith.addf %parallel_loop3A_678, %parallel_loop3A_679 : vector<16xf32>
        %parallel_loop3A_684 = arith.addf %parallel_loop3A_680, %parallel_loop3A_681 : vector<16xf32>
        %parallel_loop3A_685 = arith.addf %parallel_loop3A_683, %parallel_loop3A_684 : vector<16xf32>
        %parallel_loop3A_686 = arith.addf %parallel_loop3A_685, %parallel_loop3A_682 : vector<16xf32>
        %parallel_loop3A_687 = arith.mulf %parallel_loop3A_686, %parallel_loop3A_198 : vector<16xf32>
        %parallel_loop3A_688 = arith.index_cast %parallel_loop3A_171 : i32 to index
        %parallel_loop3A_689 = arith.constant 48 : index
        %parallel_loop3A_690 = tpu.vector_load %arg8[%parallel_loop3A_688, %parallel_loop3A_689] {strides = array<i32>} : memref<32x128xf32, #tpu.memory_space<vmem>>, vector<16xf32>,
        tpu.vector_store %arg8[%parallel_loop3A_688, %parallel_loop3A_689], %parallel_loop3A_687 {strides = array<i32>} : memref<32x128xf32, #tpu.memory_space<vmem>>, vector<16xf32>,
      } {sc.loop_unroll_factor = 2 : i64, sc.parallel_access}
      %mul3A_135 = arith.constant 32 : i32
      %mul3A_136 = arith.muli %mul3A_64, %mul3A_135 : i32
      %add3A_137 = arith.addi %mul3A_2, %mul3A_136 : i32
      %dma_start3A_138 = arith.constant 0 : i32
      %dma_start3A_139 = tpu.memref_slice %arg4[%add3A_137, %dma_start3A_138] : memref<16384x128xf32, #tpu.memory_space<hbm>> -> memref<32x128xf32, #tpu.memory_space<hbm>>
      %dma_start3A_140 = arith.constant 0 : i32
      %dma_start3A_141 = tpu.memref_slice %arg4[%add3A_137, %dma_start3A_140] : memref<16384x128xf32, #tpu.memory_space<hbm>> -> memref<32x128xf32, #tpu.memory_space<hbm>>
      tpu.enqueue_dma source(%arg8 : memref<32x128xf32, #tpu.memory_space<vmem>>) target(%dma_start3A_141 : memref<32x128xf32, #tpu.memory_space<hbm>>) target_semaphore(%arg12 : memref<!tpu.dma_semaphore, #tpu.memory_space<semaphore_mem>>)
      %lt3A = arith.constant 7 : i32
      %lt3A_142 = arith.cmpi slt, %scan3A_62, %lt3A : i32
      %convert_element_type3A_143 = arith.extui %lt3A_142 : i1 to i32
      %cond3A_144 = arith.constant 0 : i32
      %cond3A_145 = arith.cmpi ne, %convert_element_type3A_143, %cond3A_144 : i32
      scf.if %cond3A_145 {
        %add3A_171 = arith.constant 2 : i32
        %add3A_172 = arith.addi %mul3A_64, %add3A_171 : i32
        %mul3A_173 = arith.constant 640 : i32
        %mul3A_174 = arith.muli %add3A_172, %mul3A_173 : i32
        %add3A_175 = arith.constant 0 : i32
        %add3A_176 = arith.addi %mul3A_174, %add3A_175 : i32
        %dma_start3A_177 = arith.constant 0 : i32
        %dma_start3A_178 = arith.constant 0 : i32
        %dma_start3A_179 = tpu.memref_slice %arg6[%dma_start3A_177, %dma_start3A_178] : memref<640x64xf32, #tpu.memory_space<vmem>> -> memref<128x64xf32, #tpu.memory_space<vmem>>
        %dma_start3A_180 = tpu.memref_slice %arg5[%add3A_176] : memref<10240xi32, #tpu.memory_space<vmem>> -> memref<128xi32, #tpu.memory_space<vmem>>
        %dma_start3A_181 = arith.constant 0 : i32
        %dma_start3A_182 = arith.constant 0 : i32
        %dma_start3A_183 = tpu.memref_slice %arg2[%dma_start3A_181, %dma_start3A_182] : memref<200000x64xf32, #tpu.memory_space<hbm>> -> memref<200000x64xf32, #tpu.memory_space<hbm>>
        tpu.enqueue_indirect_dma source(%dma_start3A_183 : memref<200000x64xf32, #tpu.memory_space<hbm>>) target(%dma_start3A_179 : memref<128x64xf32, #tpu.memory_space<vmem>>) offsets(%dma_start3A_180 : memref<128xi32, #tpu.memory_space<vmem>>) semaphore(%arg10 : memref<!tpu.dma_semaphore, #tpu.memory_space<semaphore_mem>>)
        %mul3A_184 = arith.constant 640 : i32
        %mul3A_185 = arith.muli %add3A_172, %mul3A_184 : i32
        %add3A_186 = arith.constant 128 : i32
        %add3A_187 = arith.addi %mul3A_185, %add3A_186 : i32
        %dma_start3A_188 = arith.constant 128 : i32
        %dma_start3A_189 = arith.constant 0 : i32
        %dma_start3A_190 = tpu.memref_slice %arg6[%dma_start3A_188, %dma_start3A_189] : memref<640x64xf32, #tpu.memory_space<vmem>> -> memref<128x64xf32, #tpu.memory_space<vmem>>
        %dma_start3A_191 = tpu.memref_slice %arg5[%add3A_187] : memref<10240xi32, #tpu.memory_space<vmem>> -> memref<128xi32, #tpu.memory_space<vmem>>
        %dma_start3A_192 = arith.constant 0 : i32
        %dma_start3A_193 = arith.constant 0 : i32
        %dma_start3A_194 = tpu.memref_slice %arg2[%dma_start3A_192, %dma_start3A_193] : memref<200000x64xf32, #tpu.memory_space<hbm>> -> memref<200000x64xf32, #tpu.memory_space<hbm>>
        tpu.enqueue_indirect_dma source(%dma_start3A_194 : memref<200000x64xf32, #tpu.memory_space<hbm>>) target(%dma_start3A_190 : memref<128x64xf32, #tpu.memory_space<vmem>>) offsets(%dma_start3A_191 : memref<128xi32, #tpu.memory_space<vmem>>) semaphore(%arg10 : memref<!tpu.dma_semaphore, #tpu.memory_space<semaphore_mem>>)
        %mul3A_195 = arith.constant 640 : i32
        %mul3A_196 = arith.muli %add3A_172, %mul3A_195 : i32
        %add3A_197 = arith.constant 256 : i32
        %add3A_198 = arith.addi %mul3A_196, %add3A_197 : i32
        %dma_start3A_199 = arith.constant 256 : i32
        %dma_start3A_200 = arith.constant 0 : i32
        %dma_start3A_201 = tpu.memref_slice %arg6[%dma_start3A_199, %dma_start3A_200] : memref<640x64xf32, #tpu.memory_space<vmem>> -> memref<128x64xf32, #tpu.memory_space<vmem>>
        %dma_start3A_202 = tpu.memref_slice %arg5[%add3A_198] : memref<10240xi32, #tpu.memory_space<vmem>> -> memref<128xi32, #tpu.memory_space<vmem>>
        %dma_start3A_203 = arith.constant 0 : i32
        %dma_start3A_204 = arith.constant 0 : i32
        %dma_start3A_205 = tpu.memref_slice %arg2[%dma_start3A_203, %dma_start3A_204] : memref<200000x64xf32, #tpu.memory_space<hbm>> -> memref<200000x64xf32, #tpu.memory_space<hbm>>
        tpu.enqueue_indirect_dma source(%dma_start3A_205 : memref<200000x64xf32, #tpu.memory_space<hbm>>) target(%dma_start3A_201 : memref<128x64xf32, #tpu.memory_space<vmem>>) offsets(%dma_start3A_202 : memref<128xi32, #tpu.memory_space<vmem>>) semaphore(%arg10 : memref<!tpu.dma_semaphore, #tpu.memory_space<semaphore_mem>>)
        %mul3A_206 = arith.constant 640 : i32
        %mul3A_207 = arith.muli %add3A_172, %mul3A_206 : i32
        %add3A_208 = arith.constant 384 : i32
        %add3A_209 = arith.addi %mul3A_207, %add3A_208 : i32
        %dma_start3A_210 = arith.constant 384 : i32
        %dma_start3A_211 = arith.constant 0 : i32
        %dma_start3A_212 = tpu.memref_slice %arg6[%dma_start3A_210, %dma_start3A_211] : memref<640x64xf32, #tpu.memory_space<vmem>> -> memref<128x64xf32, #tpu.memory_space<vmem>>
        %dma_start3A_213 = tpu.memref_slice %arg5[%add3A_209] : memref<10240xi32, #tpu.memory_space<vmem>> -> memref<128xi32, #tpu.memory_space<vmem>>
        %dma_start3A_214 = arith.constant 0 : i32
        %dma_start3A_215 = arith.constant 0 : i32
        %dma_start3A_216 = tpu.memref_slice %arg2[%dma_start3A_214, %dma_start3A_215] : memref<200000x64xf32, #tpu.memory_space<hbm>> -> memref<200000x64xf32, #tpu.memory_space<hbm>>
        tpu.enqueue_indirect_dma source(%dma_start3A_216 : memref<200000x64xf32, #tpu.memory_space<hbm>>) target(%dma_start3A_212 : memref<128x64xf32, #tpu.memory_space<vmem>>) offsets(%dma_start3A_213 : memref<128xi32, #tpu.memory_space<vmem>>) semaphore(%arg10 : memref<!tpu.dma_semaphore, #tpu.memory_space<semaphore_mem>>)
        %mul3A_217 = arith.constant 640 : i32
        %mul3A_218 = arith.muli %add3A_172, %mul3A_217 : i32
        %add3A_219 = arith.constant 512 : i32
        %add3A_220 = arith.addi %mul3A_218, %add3A_219 : i32
        %dma_start3A_221 = arith.constant 512 : i32
        %dma_start3A_222 = arith.constant 0 : i32
        %dma_start3A_223 = tpu.memref_slice %arg6[%dma_start3A_221, %dma_start3A_222] : memref<640x64xf32, #tpu.memory_space<vmem>> -> memref<128x64xf32, #tpu.memory_space<vmem>>
        %dma_start3A_224 = tpu.memref_slice %arg5[%add3A_220] : memref<10240xi32, #tpu.memory_space<vmem>> -> memref<128xi32, #tpu.memory_space<vmem>>
        %dma_start3A_225 = arith.constant 0 : i32
        %dma_start3A_226 = arith.constant 0 : i32
        %dma_start3A_227 = tpu.memref_slice %arg2[%dma_start3A_225, %dma_start3A_226] : memref<200000x64xf32, #tpu.memory_space<hbm>> -> memref<200000x64xf32, #tpu.memory_space<hbm>>
        tpu.enqueue_indirect_dma source(%dma_start3A_227 : memref<200000x64xf32, #tpu.memory_space<hbm>>) target(%dma_start3A_223 : memref<128x64xf32, #tpu.memory_space<vmem>>) offsets(%dma_start3A_224 : memref<128xi32, #tpu.memory_space<vmem>>) semaphore(%arg10 : memref<!tpu.dma_semaphore, #tpu.memory_space<semaphore_mem>>)
      } else {
      }
      %add3A_146 = arith.constant 1 : i32
      %add3A_147 = arith.addi %mul3A_64, %add3A_146 : i32
      %dma_wait3A_148 = arith.constant 0 : i32
      %dma_wait3A_149 = arith.constant 0 : i32
      %dma_wait3A_150 = tpu.memref_slice %arg2[%dma_wait3A_148, %dma_wait3A_149] : memref<200000x64xf32, #tpu.memory_space<hbm>> -> memref<640x64xf32, #tpu.memory_space<hbm>>
      %dma_wait3A_151 = arith.constant 0 : i32
      %dma_wait3A_152 = arith.constant 0 : i32
      %dma_wait3A_153 = tpu.memref_slice %arg2[%dma_wait3A_151, %dma_wait3A_152] : memref<200000x64xf32, #tpu.memory_space<hbm>> -> memref<640x64xf32, #tpu.memory_space<hbm>>
      tpu.wait_dma2 semaphore(%arg11 : memref<!tpu.dma_semaphore, #tpu.memory_space<semaphore_mem>>) src(%dma_wait3A_153 : memref<640x64xf32, #tpu.memory_space<hbm>>) dst(%arg7 : memref<640x64xf32, #tpu.memory_space<vmem>>)
      %ge3A_154 = arith.constant 2 : i32
      %ge3A_155 = arith.cmpi sge, %add3A_147, %ge3A_154 : i32
      %convert_element_type3A_156 = arith.extui %ge3A_155 : i1 to i32
      %cond3A_157 = arith.constant 0 : i32
      %cond3A_158 = arith.cmpi ne, %convert_element_type3A_156, %cond3A_157 : i32
      scf.if %cond3A_158 {
        %dma_wait3A_171 = arith.constant 0 : i32
        %dma_wait3A_172 = arith.constant 0 : i32
        %dma_wait3A_173 = tpu.memref_slice %arg4[%dma_wait3A_171, %dma_wait3A_172] : memref<16384x128xf32, #tpu.memory_space<hbm>> -> memref<32x128xf32, #tpu.memory_space<hbm>>
        %dma_wait3A_174 = arith.constant 0 : i32
        %dma_wait3A_175 = arith.constant 0 : i32
        %dma_wait3A_176 = tpu.memref_slice %arg4[%dma_wait3A_174, %dma_wait3A_175] : memref<16384x128xf32, #tpu.memory_space<hbm>> -> memref<32x128xf32, #tpu.memory_space<hbm>>
        tpu.wait_dma2 semaphore(%arg13 : memref<!tpu.dma_semaphore, #tpu.memory_space<semaphore_mem>>) src(%dma_wait3A_176 : memref<32x128xf32, #tpu.memory_space<hbm>>) dst(%arg9 : memref<32x128xf32, #tpu.memory_space<vmem>>)
      } else {
      }
      %mul3A_159 = arith.constant 640 : i32
      %mul3A_160 = arith.muli %add3A_147, %mul3A_159 : i32
      %parallel_loop3A_161 = arith.constant 0 : i32
      %parallel_loop3A_162 = arith.constant 32 : i32
      %parallel_loop3A_163 = arith.constant 1 : i32
      scf.for %parallel_loop3A_171 = %parallel_loop3A_161 to %parallel_loop3A_162 step %parallel_loop3A_163  : i32 {
        %parallel_loop3A_172 = arith.constant 20 : i32
        %parallel_loop3A_173 = arith.muli %parallel_loop3A_171, %parallel_loop3A_172 : i32
        %parallel_loop3A_174 = arith.addi %mul3A_160, %parallel_loop3A_173 : i32
        %parallel_loop3A_175 = arith.index_cast %parallel_loop3A_174 : i32 to index
        %parallel_loop3A_176 = tpu.vector_load %arg5[%parallel_loop3A_175] {strides = array<i32>} : memref<10240xi32, #tpu.memory_space<vmem>>, vector<16xi32>,
        %parallel_loop3A_177 = arith.addi %mul3A_160, %parallel_loop3A_173 : i32
        %parallel_loop3A_178 = arith.constant 4 : i32
        %parallel_loop3A_179 = arith.addi %parallel_loop3A_177, %parallel_loop3A_178 : i32
        %parallel_loop3A_180 = arith.index_cast %parallel_loop3A_179 : i32 to index
        %parallel_loop3A_181 = tpu.vector_load %arg5[%parallel_loop3A_180] {strides = array<i32>} : memref<10240xi32, #tpu.memory_space<vmem>>, vector<16xi32>,
        %parallel_loop3A_182 = arith.constant 0 : i32
        %parallel_loop3A_183 = vector.broadcast %parallel_loop3A_182 : i32 to vector<16xi32>
        %parallel_loop3A_184 = arith.cmpi ne, %parallel_loop3A_176, %parallel_loop3A_183 : vector<16xi32>
        %parallel_loop3A_185 = tpu.all_reduce %parallel_loop3A_184 {dim = 0 : i64, kind = #tpu.reduction_kind<sum>} : vector<16xi1> -> vector<16xi32>
        %parallel_loop3A_186 = arith.constant 0 : i32
        %parallel_loop3A_187 = vector.broadcast %parallel_loop3A_186 : i32 to vector<16xi32>
        %parallel_loop3A_188 = arith.cmpi ne, %parallel_loop3A_181, %parallel_loop3A_187 : vector<16xi32>
        %parallel_loop3A_189 = arith.andi %ge3A_4, %parallel_loop3A_188 : vector<16xi1>
        %parallel_loop3A_190 = tpu.all_reduce %parallel_loop3A_189 {dim = 0 : i64, kind = #tpu.reduction_kind<sum>} : vector<16xi1> -> vector<16xi32>
        %parallel_loop3A_191 = arith.addi %parallel_loop3A_185, %parallel_loop3A_190 : vector<16xi32>
        %parallel_loop3A_192 = arith.sitofp %parallel_loop3A_191 : vector<16xi32> to vector<16xf32>
        %parallel_loop3A_193 = arith.constant 1.000000e+00 : f32
        %parallel_loop3A_194 = vector.broadcast %parallel_loop3A_193 : f32 to vector<16xf32>
        %parallel_loop3A_195 = arith.maximumf %parallel_loop3A_192, %parallel_loop3A_194 : vector<16xf32>
        %parallel_loop3A_196 = arith.constant 1.000000e+00 : f32
        %parallel_loop3A_197 = vector.broadcast %parallel_loop3A_196 : f32 to vector<16xf32>
        %parallel_loop3A_198 = arith.divf %parallel_loop3A_197, %parallel_loop3A_195 : vector<16xf32>
        %parallel_loop3A_199 = arith.constant 0 : i32
        %parallel_loop3A_200 = arith.addi %parallel_loop3A_173, %parallel_loop3A_199 : i32
        %parallel_loop3A_201 = arith.index_cast %parallel_loop3A_200 : i32 to index
        %parallel_loop3A_202 = arith.constant 0 : index
        %parallel_loop3A_203 = tpu.vector_load %arg7[%parallel_loop3A_201, %parallel_loop3A_202] {strides = array<i32>} : memref<640x64xf32, #tpu.memory_space<vmem>>, vector<16xf32>,
        %parallel_loop3A_204 = arith.constant 1 : i32
        %parallel_loop3A_205 = arith.addi %parallel_loop3A_173, %parallel_loop3A_204 : i32
        %parallel_loop3A_206 = arith.index_cast %parallel_loop3A_205 : i32 to index
        %parallel_loop3A_207 = arith.constant 0 : index
        %parallel_loop3A_208 = tpu.vector_load %arg7[%parallel_loop3A_206, %parallel_loop3A_207] {strides = array<i32>} : memref<640x64xf32, #tpu.memory_space<vmem>>, vector<16xf32>,
        %parallel_loop3A_209 = arith.constant 2 : i32
        %parallel_loop3A_210 = arith.addi %parallel_loop3A_173, %parallel_loop3A_209 : i32
        %parallel_loop3A_211 = arith.index_cast %parallel_loop3A_210 : i32 to index
        %parallel_loop3A_212 = arith.constant 0 : index
        %parallel_loop3A_213 = tpu.vector_load %arg7[%parallel_loop3A_211, %parallel_loop3A_212] {strides = array<i32>} : memref<640x64xf32, #tpu.memory_space<vmem>>, vector<16xf32>,
        %parallel_loop3A_214 = arith.constant 3 : i32
        %parallel_loop3A_215 = arith.addi %parallel_loop3A_173, %parallel_loop3A_214 : i32
        %parallel_loop3A_216 = arith.index_cast %parallel_loop3A_215 : i32 to index
        %parallel_loop3A_217 = arith.constant 0 : index
        %parallel_loop3A_218 = tpu.vector_load %arg7[%parallel_loop3A_216, %parallel_loop3A_217] {strides = array<i32>} : memref<640x64xf32, #tpu.memory_space<vmem>>, vector<16xf32>,
        %parallel_loop3A_219 = arith.constant 4 : i32
        %parallel_loop3A_220 = arith.addi %parallel_loop3A_173, %parallel_loop3A_219 : i32
        %parallel_loop3A_221 = arith.index_cast %parallel_loop3A_220 : i32 to index
        %parallel_loop3A_222 = arith.constant 0 : index
        %parallel_loop3A_223 = tpu.vector_load %arg7[%parallel_loop3A_221, %parallel_loop3A_222] {strides = array<i32>} : memref<640x64xf32, #tpu.memory_space<vmem>>, vector<16xf32>,
        %parallel_loop3A_224 = arith.constant 5 : i32
        %parallel_loop3A_225 = arith.addi %parallel_loop3A_173, %parallel_loop3A_224 : i32
        %parallel_loop3A_226 = arith.index_cast %parallel_loop3A_225 : i32 to index
        %parallel_loop3A_227 = arith.constant 0 : index
        %parallel_loop3A_228 = tpu.vector_load %arg7[%parallel_loop3A_226, %parallel_loop3A_227] {strides = array<i32>} : memref<640x64xf32, #tpu.memory_space<vmem>>, vector<16xf32>,
        %parallel_loop3A_229 = arith.constant 6 : i32
        %parallel_loop3A_230 = arith.addi %parallel_loop3A_173, %parallel_loop3A_229 : i32
        %parallel_loop3A_231 = arith.index_cast %parallel_loop3A_230 : i32 to index
        %parallel_loop3A_232 = arith.constant 0 : index
        %parallel_loop3A_233 = tpu.vector_load %arg7[%parallel_loop3A_231, %parallel_loop3A_232] {strides = array<i32>} : memref<640x64xf32, #tpu.memory_space<vmem>>, vector<16xf32>,
        %parallel_loop3A_234 = arith.constant 7 : i32
        %parallel_loop3A_235 = arith.addi %parallel_loop3A_173, %parallel_loop3A_234 : i32
        %parallel_loop3A_236 = arith.index_cast %parallel_loop3A_235 : i32 to index
        %parallel_loop3A_237 = arith.constant 0 : index
        %parallel_loop3A_238 = tpu.vector_load %arg7[%parallel_loop3A_236, %parallel_loop3A_237] {strides = array<i32>} : memref<640x64xf32, #tpu.memory_space<vmem>>, vector<16xf32>,
        %parallel_loop3A_239 = arith.constant 8 : i32
        %parallel_loop3A_240 = arith.addi %parallel_loop3A_173, %parallel_loop3A_239 : i32
        %parallel_loop3A_241 = arith.index_cast %parallel_loop3A_240 : i32 to index
        %parallel_loop3A_242 = arith.constant 0 : index
        %parallel_loop3A_243 = tpu.vector_load %arg7[%parallel_loop3A_241, %parallel_loop3A_242] {strides = array<i32>} : memref<640x64xf32, #tpu.memory_space<vmem>>, vector<16xf32>,
        %parallel_loop3A_244 = arith.constant 9 : i32
        %parallel_loop3A_245 = arith.addi %parallel_loop3A_173, %parallel_loop3A_244 : i32
        %parallel_loop3A_246 = arith.index_cast %parallel_loop3A_245 : i32 to index
        %parallel_loop3A_247 = arith.constant 0 : index
        %parallel_loop3A_248 = tpu.vector_load %arg7[%parallel_loop3A_246, %parallel_loop3A_247] {strides = array<i32>} : memref<640x64xf32, #tpu.memory_space<vmem>>, vector<16xf32>,
        %parallel_loop3A_249 = arith.constant 10 : i32
        %parallel_loop3A_250 = arith.addi %parallel_loop3A_173, %parallel_loop3A_249 : i32
        %parallel_loop3A_251 = arith.index_cast %parallel_loop3A_250 : i32 to index
        %parallel_loop3A_252 = arith.constant 0 : index
        %parallel_loop3A_253 = tpu.vector_load %arg7[%parallel_loop3A_251, %parallel_loop3A_252] {strides = array<i32>} : memref<640x64xf32, #tpu.memory_space<vmem>>, vector<16xf32>,
        %parallel_loop3A_254 = arith.constant 11 : i32
        %parallel_loop3A_255 = arith.addi %parallel_loop3A_173, %parallel_loop3A_254 : i32
        %parallel_loop3A_256 = arith.index_cast %parallel_loop3A_255 : i32 to index
        %parallel_loop3A_257 = arith.constant 0 : index
        %parallel_loop3A_258 = tpu.vector_load %arg7[%parallel_loop3A_256, %parallel_loop3A_257] {strides = array<i32>} : memref<640x64xf32, #tpu.memory_space<vmem>>, vector<16xf32>,
        %parallel_loop3A_259 = arith.constant 12 : i32
        %parallel_loop3A_260 = arith.addi %parallel_loop3A_173, %parallel_loop3A_259 : i32
        %parallel_loop3A_261 = arith.index_cast %parallel_loop3A_260 : i32 to index
        %parallel_loop3A_262 = arith.constant 0 : index
        %parallel_loop3A_263 = tpu.vector_load %arg7[%parallel_loop3A_261, %parallel_loop3A_262] {strides = array<i32>} : memref<640x64xf32, #tpu.memory_space<vmem>>, vector<16xf32>,
        %parallel_loop3A_264 = arith.constant 13 : i32
        %parallel_loop3A_265 = arith.addi %parallel_loop3A_173, %parallel_loop3A_264 : i32
        %parallel_loop3A_266 = arith.index_cast %parallel_loop3A_265 : i32 to index
        %parallel_loop3A_267 = arith.constant 0 : index
        %parallel_loop3A_268 = tpu.vector_load %arg7[%parallel_loop3A_266, %parallel_loop3A_267] {strides = array<i32>} : memref<640x64xf32, #tpu.memory_space<vmem>>, vector<16xf32>,
        %parallel_loop3A_269 = arith.constant 14 : i32
        %parallel_loop3A_270 = arith.addi %parallel_loop3A_173, %parallel_loop3A_269 : i32
        %parallel_loop3A_271 = arith.index_cast %parallel_loop3A_270 : i32 to index
        %parallel_loop3A_272 = arith.constant 0 : index
        %parallel_loop3A_273 = tpu.vector_load %arg7[%parallel_loop3A_271, %parallel_loop3A_272] {strides = array<i32>} : memref<640x64xf32, #tpu.memory_space<vmem>>, vector<16xf32>,
        %parallel_loop3A_274 = arith.constant 15 : i32
        %parallel_loop3A_275 = arith.addi %parallel_loop3A_173, %parallel_loop3A_274 : i32
        %parallel_loop3A_276 = arith.index_cast %parallel_loop3A_275 : i32 to index
        %parallel_loop3A_277 = arith.constant 0 : index
        %parallel_loop3A_278 = tpu.vector_load %arg7[%parallel_loop3A_276, %parallel_loop3A_277] {strides = array<i32>} : memref<640x64xf32, #tpu.memory_space<vmem>>, vector<16xf32>,
        %parallel_loop3A_279 = arith.constant 16 : i32
        %parallel_loop3A_280 = arith.addi %parallel_loop3A_173, %parallel_loop3A_279 : i32
        %parallel_loop3A_281 = arith.index_cast %parallel_loop3A_280 : i32 to index
        %parallel_loop3A_282 = arith.constant 0 : index
        %parallel_loop3A_283 = tpu.vector_load %arg7[%parallel_loop3A_281, %parallel_loop3A_282] {strides = array<i32>} : memref<640x64xf32, #tpu.memory_space<vmem>>, vector<16xf32>,
        %parallel_loop3A_284 = arith.constant 17 : i32
        %parallel_loop3A_285 = arith.addi %parallel_loop3A_173, %parallel_loop3A_284 : i32
        %parallel_loop3A_286 = arith.index_cast %parallel_loop3A_285 : i32 to index
        %parallel_loop3A_287 = arith.constant 0 : index
        %parallel_loop3A_288 = tpu.vector_load %arg7[%parallel_loop3A_286, %parallel_loop3A_287] {strides = array<i32>} : memref<640x64xf32, #tpu.memory_space<vmem>>, vector<16xf32>,
        %parallel_loop3A_289 = arith.constant 18 : i32
        %parallel_loop3A_290 = arith.addi %parallel_loop3A_173, %parallel_loop3A_289 : i32
        %parallel_loop3A_291 = arith.index_cast %parallel_loop3A_290 : i32 to index
        %parallel_loop3A_292 = arith.constant 0 : index
        %parallel_loop3A_293 = tpu.vector_load %arg7[%parallel_loop3A_291, %parallel_loop3A_292] {strides = array<i32>} : memref<640x64xf32, #tpu.memory_space<vmem>>, vector<16xf32>,
        %parallel_loop3A_294 = arith.constant 19 : i32
        %parallel_loop3A_295 = arith.addi %parallel_loop3A_173, %parallel_loop3A_294 : i32
        %parallel_loop3A_296 = arith.index_cast %parallel_loop3A_295 : i32 to index
        %parallel_loop3A_297 = arith.constant 0 : index
        %parallel_loop3A_298 = tpu.vector_load %arg7[%parallel_loop3A_296, %parallel_loop3A_297] {strides = array<i32>} : memref<640x64xf32, #tpu.memory_space<vmem>>, vector<16xf32>,
        %parallel_loop3A_299 = arith.addf %parallel_loop3A_203, %parallel_loop3A_208 : vector<16xf32>
        %parallel_loop3A_300 = arith.addf %parallel_loop3A_213, %parallel_loop3A_218 : vector<16xf32>
        %parallel_loop3A_301 = arith.addf %parallel_loop3A_223, %parallel_loop3A_228 : vector<16xf32>
        %parallel_loop3A_302 = arith.addf %parallel_loop3A_233, %parallel_loop3A_238 : vector<16xf32>
        %parallel_loop3A_303 = arith.addf %parallel_loop3A_243, %parallel_loop3A_248 : vector<16xf32>
        %parallel_loop3A_304 = arith.addf %parallel_loop3A_253, %parallel_loop3A_258 : vector<16xf32>
        %parallel_loop3A_305 = arith.addf %parallel_loop3A_263, %parallel_loop3A_268 : vector<16xf32>
        %parallel_loop3A_306 = arith.addf %parallel_loop3A_273, %parallel_loop3A_278 : vector<16xf32>
        %parallel_loop3A_307 = arith.addf %parallel_loop3A_283, %parallel_loop3A_288 : vector<16xf32>
        %parallel_loop3A_308 = arith.addf %parallel_loop3A_293, %parallel_loop3A_298 : vector<16xf32>
        %parallel_loop3A_309 = arith.addf %parallel_loop3A_299, %parallel_loop3A_300 : vector<16xf32>
        %parallel_loop3A_310 = arith.addf %parallel_loop3A_301, %parallel_loop3A_302 : vector<16xf32>
        %parallel_loop3A_311 = arith.addf %parallel_loop3A_303, %parallel_loop3A_304 : vector<16xf32>
        %parallel_loop3A_312 = arith.addf %parallel_loop3A_305, %parallel_loop3A_306 : vector<16xf32>
        %parallel_loop3A_313 = arith.addf %parallel_loop3A_307, %parallel_loop3A_308 : vector<16xf32>
        %parallel_loop3A_314 = arith.addf %parallel_loop3A_309, %parallel_loop3A_310 : vector<16xf32>
        %parallel_loop3A_315 = arith.addf %parallel_loop3A_311, %parallel_loop3A_312 : vector<16xf32>
        %parallel_loop3A_316 = arith.addf %parallel_loop3A_314, %parallel_loop3A_315 : vector<16xf32>
        %parallel_loop3A_317 = arith.addf %parallel_loop3A_316, %parallel_loop3A_313 : vector<16xf32>
        %parallel_loop3A_318 = arith.mulf %parallel_loop3A_317, %parallel_loop3A_198 : vector<16xf32>
        %parallel_loop3A_319 = arith.index_cast %parallel_loop3A_171 : i32 to index
        %parallel_loop3A_320 = arith.constant 0 : index
        %parallel_loop3A_321 = tpu.vector_load %arg9[%parallel_loop3A_319, %parallel_loop3A_320] {strides = array<i32>} : memref<32x128xf32, #tpu.memory_space<vmem>>, vector<16xf32>,
        tpu.vector_store %arg9[%parallel_loop3A_319, %parallel_loop3A_320], %parallel_loop3A_318 {strides = array<i32>} : memref<32x128xf32, #tpu.memory_space<vmem>>, vector<16xf32>,
        %parallel_loop3A_322 = arith.constant 0 : i32
        %parallel_loop3A_323 = arith.addi %parallel_loop3A_173, %parallel_loop3A_322 : i32
        %parallel_loop3A_324 = arith.index_cast %parallel_loop3A_323 : i32 to index
        %parallel_loop3A_325 = arith.constant 16 : index
        %parallel_loop3A_326 = tpu.vector_load %arg7[%parallel_loop3A_324, %parallel_loop3A_325] {strides = array<i32>} : memref<640x64xf32, #tpu.memory_space<vmem>>, vector<16xf32>,
        %parallel_loop3A_327 = arith.constant 1 : i32
        %parallel_loop3A_328 = arith.addi %parallel_loop3A_173, %parallel_loop3A_327 : i32
        %parallel_loop3A_329 = arith.index_cast %parallel_loop3A_328 : i32 to index
        %parallel_loop3A_330 = arith.constant 16 : index
        %parallel_loop3A_331 = tpu.vector_load %arg7[%parallel_loop3A_329, %parallel_loop3A_330] {strides = array<i32>} : memref<640x64xf32, #tpu.memory_space<vmem>>, vector<16xf32>,
        %parallel_loop3A_332 = arith.constant 2 : i32
        %parallel_loop3A_333 = arith.addi %parallel_loop3A_173, %parallel_loop3A_332 : i32
        %parallel_loop3A_334 = arith.index_cast %parallel_loop3A_333 : i32 to index
        %parallel_loop3A_335 = arith.constant 16 : index
        %parallel_loop3A_336 = tpu.vector_load %arg7[%parallel_loop3A_334, %parallel_loop3A_335] {strides = array<i32>} : memref<640x64xf32, #tpu.memory_space<vmem>>, vector<16xf32>,
        %parallel_loop3A_337 = arith.constant 3 : i32
        %parallel_loop3A_338 = arith.addi %parallel_loop3A_173, %parallel_loop3A_337 : i32
        %parallel_loop3A_339 = arith.index_cast %parallel_loop3A_338 : i32 to index
        %parallel_loop3A_340 = arith.constant 16 : index
        %parallel_loop3A_341 = tpu.vector_load %arg7[%parallel_loop3A_339, %parallel_loop3A_340] {strides = array<i32>} : memref<640x64xf32, #tpu.memory_space<vmem>>, vector<16xf32>,
        %parallel_loop3A_342 = arith.constant 4 : i32
        %parallel_loop3A_343 = arith.addi %parallel_loop3A_173, %parallel_loop3A_342 : i32
        %parallel_loop3A_344 = arith.index_cast %parallel_loop3A_343 : i32 to index
        %parallel_loop3A_345 = arith.constant 16 : index
        %parallel_loop3A_346 = tpu.vector_load %arg7[%parallel_loop3A_344, %parallel_loop3A_345] {strides = array<i32>} : memref<640x64xf32, #tpu.memory_space<vmem>>, vector<16xf32>,
        %parallel_loop3A_347 = arith.constant 5 : i32
        %parallel_loop3A_348 = arith.addi %parallel_loop3A_173, %parallel_loop3A_347 : i32
        %parallel_loop3A_349 = arith.index_cast %parallel_loop3A_348 : i32 to index
        %parallel_loop3A_350 = arith.constant 16 : index
        %parallel_loop3A_351 = tpu.vector_load %arg7[%parallel_loop3A_349, %parallel_loop3A_350] {strides = array<i32>} : memref<640x64xf32, #tpu.memory_space<vmem>>, vector<16xf32>,
        %parallel_loop3A_352 = arith.constant 6 : i32
        %parallel_loop3A_353 = arith.addi %parallel_loop3A_173, %parallel_loop3A_352 : i32
        %parallel_loop3A_354 = arith.index_cast %parallel_loop3A_353 : i32 to index
        %parallel_loop3A_355 = arith.constant 16 : index
        %parallel_loop3A_356 = tpu.vector_load %arg7[%parallel_loop3A_354, %parallel_loop3A_355] {strides = array<i32>} : memref<640x64xf32, #tpu.memory_space<vmem>>, vector<16xf32>,
        %parallel_loop3A_357 = arith.constant 7 : i32
        %parallel_loop3A_358 = arith.addi %parallel_loop3A_173, %parallel_loop3A_357 : i32
        %parallel_loop3A_359 = arith.index_cast %parallel_loop3A_358 : i32 to index
        %parallel_loop3A_360 = arith.constant 16 : index
        %parallel_loop3A_361 = tpu.vector_load %arg7[%parallel_loop3A_359, %parallel_loop3A_360] {strides = array<i32>} : memref<640x64xf32, #tpu.memory_space<vmem>>, vector<16xf32>,
        %parallel_loop3A_362 = arith.constant 8 : i32
        %parallel_loop3A_363 = arith.addi %parallel_loop3A_173, %parallel_loop3A_362 : i32
        %parallel_loop3A_364 = arith.index_cast %parallel_loop3A_363 : i32 to index
        %parallel_loop3A_365 = arith.constant 16 : index
        %parallel_loop3A_366 = tpu.vector_load %arg7[%parallel_loop3A_364, %parallel_loop3A_365] {strides = array<i32>} : memref<640x64xf32, #tpu.memory_space<vmem>>, vector<16xf32>,
        %parallel_loop3A_367 = arith.constant 9 : i32
        %parallel_loop3A_368 = arith.addi %parallel_loop3A_173, %parallel_loop3A_367 : i32
        %parallel_loop3A_369 = arith.index_cast %parallel_loop3A_368 : i32 to index
        %parallel_loop3A_370 = arith.constant 16 : index
        %parallel_loop3A_371 = tpu.vector_load %arg7[%parallel_loop3A_369, %parallel_loop3A_370] {strides = array<i32>} : memref<640x64xf32, #tpu.memory_space<vmem>>, vector<16xf32>,
        %parallel_loop3A_372 = arith.constant 10 : i32
        %parallel_loop3A_373 = arith.addi %parallel_loop3A_173, %parallel_loop3A_372 : i32
        %parallel_loop3A_374 = arith.index_cast %parallel_loop3A_373 : i32 to index
        %parallel_loop3A_375 = arith.constant 16 : index
        %parallel_loop3A_376 = tpu.vector_load %arg7[%parallel_loop3A_374, %parallel_loop3A_375] {strides = array<i32>} : memref<640x64xf32, #tpu.memory_space<vmem>>, vector<16xf32>,
        %parallel_loop3A_377 = arith.constant 11 : i32
        %parallel_loop3A_378 = arith.addi %parallel_loop3A_173, %parallel_loop3A_377 : i32
        %parallel_loop3A_379 = arith.index_cast %parallel_loop3A_378 : i32 to index
        %parallel_loop3A_380 = arith.constant 16 : index
        %parallel_loop3A_381 = tpu.vector_load %arg7[%parallel_loop3A_379, %parallel_loop3A_380] {strides = array<i32>} : memref<640x64xf32, #tpu.memory_space<vmem>>, vector<16xf32>,
        %parallel_loop3A_382 = arith.constant 12 : i32
        %parallel_loop3A_383 = arith.addi %parallel_loop3A_173, %parallel_loop3A_382 : i32
        %parallel_loop3A_384 = arith.index_cast %parallel_loop3A_383 : i32 to index
        %parallel_loop3A_385 = arith.constant 16 : index
        %parallel_loop3A_386 = tpu.vector_load %arg7[%parallel_loop3A_384, %parallel_loop3A_385] {strides = array<i32>} : memref<640x64xf32, #tpu.memory_space<vmem>>, vector<16xf32>,
        %parallel_loop3A_387 = arith.constant 13 : i32
        %parallel_loop3A_388 = arith.addi %parallel_loop3A_173, %parallel_loop3A_387 : i32
        %parallel_loop3A_389 = arith.index_cast %parallel_loop3A_388 : i32 to index
        %parallel_loop3A_390 = arith.constant 16 : index
        %parallel_loop3A_391 = tpu.vector_load %arg7[%parallel_loop3A_389, %parallel_loop3A_390] {strides = array<i32>} : memref<640x64xf32, #tpu.memory_space<vmem>>, vector<16xf32>,
        %parallel_loop3A_392 = arith.constant 14 : i32
        %parallel_loop3A_393 = arith.addi %parallel_loop3A_173, %parallel_loop3A_392 : i32
        %parallel_loop3A_394 = arith.index_cast %parallel_loop3A_393 : i32 to index
        %parallel_loop3A_395 = arith.constant 16 : index
        %parallel_loop3A_396 = tpu.vector_load %arg7[%parallel_loop3A_394, %parallel_loop3A_395] {strides = array<i32>} : memref<640x64xf32, #tpu.memory_space<vmem>>, vector<16xf32>,
        %parallel_loop3A_397 = arith.constant 15 : i32
        %parallel_loop3A_398 = arith.addi %parallel_loop3A_173, %parallel_loop3A_397 : i32
        %parallel_loop3A_399 = arith.index_cast %parallel_loop3A_398 : i32 to index
        %parallel_loop3A_400 = arith.constant 16 : index
        %parallel_loop3A_401 = tpu.vector_load %arg7[%parallel_loop3A_399, %parallel_loop3A_400] {strides = array<i32>} : memref<640x64xf32, #tpu.memory_space<vmem>>, vector<16xf32>,
        %parallel_loop3A_402 = arith.constant 16 : i32
        %parallel_loop3A_403 = arith.addi %parallel_loop3A_173, %parallel_loop3A_402 : i32
        %parallel_loop3A_404 = arith.index_cast %parallel_loop3A_403 : i32 to index
        %parallel_loop3A_405 = arith.constant 16 : index
        %parallel_loop3A_406 = tpu.vector_load %arg7[%parallel_loop3A_404, %parallel_loop3A_405] {strides = array<i32>} : memref<640x64xf32, #tpu.memory_space<vmem>>, vector<16xf32>,
        %parallel_loop3A_407 = arith.constant 17 : i32
        %parallel_loop3A_408 = arith.addi %parallel_loop3A_173, %parallel_loop3A_407 : i32
        %parallel_loop3A_409 = arith.index_cast %parallel_loop3A_408 : i32 to index
        %parallel_loop3A_410 = arith.constant 16 : index
        %parallel_loop3A_411 = tpu.vector_load %arg7[%parallel_loop3A_409, %parallel_loop3A_410] {strides = array<i32>} : memref<640x64xf32, #tpu.memory_space<vmem>>, vector<16xf32>,
        %parallel_loop3A_412 = arith.constant 18 : i32
        %parallel_loop3A_413 = arith.addi %parallel_loop3A_173, %parallel_loop3A_412 : i32
        %parallel_loop3A_414 = arith.index_cast %parallel_loop3A_413 : i32 to index
        %parallel_loop3A_415 = arith.constant 16 : index
        %parallel_loop3A_416 = tpu.vector_load %arg7[%parallel_loop3A_414, %parallel_loop3A_415] {strides = array<i32>} : memref<640x64xf32, #tpu.memory_space<vmem>>, vector<16xf32>,
        %parallel_loop3A_417 = arith.constant 19 : i32
        %parallel_loop3A_418 = arith.addi %parallel_loop3A_173, %parallel_loop3A_417 : i32
        %parallel_loop3A_419 = arith.index_cast %parallel_loop3A_418 : i32 to index
        %parallel_loop3A_420 = arith.constant 16 : index
        %parallel_loop3A_421 = tpu.vector_load %arg7[%parallel_loop3A_419, %parallel_loop3A_420] {strides = array<i32>} : memref<640x64xf32, #tpu.memory_space<vmem>>, vector<16xf32>,
        %parallel_loop3A_422 = arith.addf %parallel_loop3A_326, %parallel_loop3A_331 : vector<16xf32>
        %parallel_loop3A_423 = arith.addf %parallel_loop3A_336, %parallel_loop3A_341 : vector<16xf32>
        %parallel_loop3A_424 = arith.addf %parallel_loop3A_346, %parallel_loop3A_351 : vector<16xf32>
        %parallel_loop3A_425 = arith.addf %parallel_loop3A_356, %parallel_loop3A_361 : vector<16xf32>
        %parallel_loop3A_426 = arith.addf %parallel_loop3A_366, %parallel_loop3A_371 : vector<16xf32>
        %parallel_loop3A_427 = arith.addf %parallel_loop3A_376, %parallel_loop3A_381 : vector<16xf32>
        %parallel_loop3A_428 = arith.addf %parallel_loop3A_386, %parallel_loop3A_391 : vector<16xf32>
        %parallel_loop3A_429 = arith.addf %parallel_loop3A_396, %parallel_loop3A_401 : vector<16xf32>
        %parallel_loop3A_430 = arith.addf %parallel_loop3A_406, %parallel_loop3A_411 : vector<16xf32>
        %parallel_loop3A_431 = arith.addf %parallel_loop3A_416, %parallel_loop3A_421 : vector<16xf32>
        %parallel_loop3A_432 = arith.addf %parallel_loop3A_422, %parallel_loop3A_423 : vector<16xf32>
        %parallel_loop3A_433 = arith.addf %parallel_loop3A_424, %parallel_loop3A_425 : vector<16xf32>
        %parallel_loop3A_434 = arith.addf %parallel_loop3A_426, %parallel_loop3A_427 : vector<16xf32>
        %parallel_loop3A_435 = arith.addf %parallel_loop3A_428, %parallel_loop3A_429 : vector<16xf32>
        %parallel_loop3A_436 = arith.addf %parallel_loop3A_430, %parallel_loop3A_431 : vector<16xf32>
        %parallel_loop3A_437 = arith.addf %parallel_loop3A_432, %parallel_loop3A_433 : vector<16xf32>
        %parallel_loop3A_438 = arith.addf %parallel_loop3A_434, %parallel_loop3A_435 : vector<16xf32>
        %parallel_loop3A_439 = arith.addf %parallel_loop3A_437, %parallel_loop3A_438 : vector<16xf32>
        %parallel_loop3A_440 = arith.addf %parallel_loop3A_439, %parallel_loop3A_436 : vector<16xf32>
        %parallel_loop3A_441 = arith.mulf %parallel_loop3A_440, %parallel_loop3A_198 : vector<16xf32>
        %parallel_loop3A_442 = arith.index_cast %parallel_loop3A_171 : i32 to index
        %parallel_loop3A_443 = arith.constant 16 : index
        %parallel_loop3A_444 = tpu.vector_load %arg9[%parallel_loop3A_442, %parallel_loop3A_443] {strides = array<i32>} : memref<32x128xf32, #tpu.memory_space<vmem>>, vector<16xf32>,
        tpu.vector_store %arg9[%parallel_loop3A_442, %parallel_loop3A_443], %parallel_loop3A_441 {strides = array<i32>} : memref<32x128xf32, #tpu.memory_space<vmem>>, vector<16xf32>,
        %parallel_loop3A_445 = arith.constant 0 : i32
        %parallel_loop3A_446 = arith.addi %parallel_loop3A_173, %parallel_loop3A_445 : i32
        %parallel_loop3A_447 = arith.index_cast %parallel_loop3A_446 : i32 to index
        %parallel_loop3A_448 = arith.constant 32 : index
        %parallel_loop3A_449 = tpu.vector_load %arg7[%parallel_loop3A_447, %parallel_loop3A_448] {strides = array<i32>} : memref<640x64xf32, #tpu.memory_space<vmem>>, vector<16xf32>,
        %parallel_loop3A_450 = arith.constant 1 : i32
        %parallel_loop3A_451 = arith.addi %parallel_loop3A_173, %parallel_loop3A_450 : i32
        %parallel_loop3A_452 = arith.index_cast %parallel_loop3A_451 : i32 to index
        %parallel_loop3A_453 = arith.constant 32 : index
        %parallel_loop3A_454 = tpu.vector_load %arg7[%parallel_loop3A_452, %parallel_loop3A_453] {strides = array<i32>} : memref<640x64xf32, #tpu.memory_space<vmem>>, vector<16xf32>,
        %parallel_loop3A_455 = arith.constant 2 : i32
        %parallel_loop3A_456 = arith.addi %parallel_loop3A_173, %parallel_loop3A_455 : i32
        %parallel_loop3A_457 = arith.index_cast %parallel_loop3A_456 : i32 to index
        %parallel_loop3A_458 = arith.constant 32 : index
        %parallel_loop3A_459 = tpu.vector_load %arg7[%parallel_loop3A_457, %parallel_loop3A_458] {strides = array<i32>} : memref<640x64xf32, #tpu.memory_space<vmem>>, vector<16xf32>,
        %parallel_loop3A_460 = arith.constant 3 : i32
        %parallel_loop3A_461 = arith.addi %parallel_loop3A_173, %parallel_loop3A_460 : i32
        %parallel_loop3A_462 = arith.index_cast %parallel_loop3A_461 : i32 to index
        %parallel_loop3A_463 = arith.constant 32 : index
        %parallel_loop3A_464 = tpu.vector_load %arg7[%parallel_loop3A_462, %parallel_loop3A_463] {strides = array<i32>} : memref<640x64xf32, #tpu.memory_space<vmem>>, vector<16xf32>,
        %parallel_loop3A_465 = arith.constant 4 : i32
        %parallel_loop3A_466 = arith.addi %parallel_loop3A_173, %parallel_loop3A_465 : i32
        %parallel_loop3A_467 = arith.index_cast %parallel_loop3A_466 : i32 to index
        %parallel_loop3A_468 = arith.constant 32 : index
        %parallel_loop3A_469 = tpu.vector_load %arg7[%parallel_loop3A_467, %parallel_loop3A_468] {strides = array<i32>} : memref<640x64xf32, #tpu.memory_space<vmem>>, vector<16xf32>,
        %parallel_loop3A_470 = arith.constant 5 : i32
        %parallel_loop3A_471 = arith.addi %parallel_loop3A_173, %parallel_loop3A_470 : i32
        %parallel_loop3A_472 = arith.index_cast %parallel_loop3A_471 : i32 to index
        %parallel_loop3A_473 = arith.constant 32 : index
        %parallel_loop3A_474 = tpu.vector_load %arg7[%parallel_loop3A_472, %parallel_loop3A_473] {strides = array<i32>} : memref<640x64xf32, #tpu.memory_space<vmem>>, vector<16xf32>,
        %parallel_loop3A_475 = arith.constant 6 : i32
        %parallel_loop3A_476 = arith.addi %parallel_loop3A_173, %parallel_loop3A_475 : i32
        %parallel_loop3A_477 = arith.index_cast %parallel_loop3A_476 : i32 to index
        %parallel_loop3A_478 = arith.constant 32 : index
        %parallel_loop3A_479 = tpu.vector_load %arg7[%parallel_loop3A_477, %parallel_loop3A_478] {strides = array<i32>} : memref<640x64xf32, #tpu.memory_space<vmem>>, vector<16xf32>,
        %parallel_loop3A_480 = arith.constant 7 : i32
        %parallel_loop3A_481 = arith.addi %parallel_loop3A_173, %parallel_loop3A_480 : i32
        %parallel_loop3A_482 = arith.index_cast %parallel_loop3A_481 : i32 to index
        %parallel_loop3A_483 = arith.constant 32 : index
        %parallel_loop3A_484 = tpu.vector_load %arg7[%parallel_loop3A_482, %parallel_loop3A_483] {strides = array<i32>} : memref<640x64xf32, #tpu.memory_space<vmem>>, vector<16xf32>,
        %parallel_loop3A_485 = arith.constant 8 : i32
        %parallel_loop3A_486 = arith.addi %parallel_loop3A_173, %parallel_loop3A_485 : i32
        %parallel_loop3A_487 = arith.index_cast %parallel_loop3A_486 : i32 to index
        %parallel_loop3A_488 = arith.constant 32 : index
        %parallel_loop3A_489 = tpu.vector_load %arg7[%parallel_loop3A_487, %parallel_loop3A_488] {strides = array<i32>} : memref<640x64xf32, #tpu.memory_space<vmem>>, vector<16xf32>,
        %parallel_loop3A_490 = arith.constant 9 : i32
        %parallel_loop3A_491 = arith.addi %parallel_loop3A_173, %parallel_loop3A_490 : i32
        %parallel_loop3A_492 = arith.index_cast %parallel_loop3A_491 : i32 to index
        %parallel_loop3A_493 = arith.constant 32 : index
        %parallel_loop3A_494 = tpu.vector_load %arg7[%parallel_loop3A_492, %parallel_loop3A_493] {strides = array<i32>} : memref<640x64xf32, #tpu.memory_space<vmem>>, vector<16xf32>,
        %parallel_loop3A_495 = arith.constant 10 : i32
        %parallel_loop3A_496 = arith.addi %parallel_loop3A_173, %parallel_loop3A_495 : i32
        %parallel_loop3A_497 = arith.index_cast %parallel_loop3A_496 : i32 to index
        %parallel_loop3A_498 = arith.constant 32 : index
        %parallel_loop3A_499 = tpu.vector_load %arg7[%parallel_loop3A_497, %parallel_loop3A_498] {strides = array<i32>} : memref<640x64xf32, #tpu.memory_space<vmem>>, vector<16xf32>,
        %parallel_loop3A_500 = arith.constant 11 : i32
        %parallel_loop3A_501 = arith.addi %parallel_loop3A_173, %parallel_loop3A_500 : i32
        %parallel_loop3A_502 = arith.index_cast %parallel_loop3A_501 : i32 to index
        %parallel_loop3A_503 = arith.constant 32 : index
        %parallel_loop3A_504 = tpu.vector_load %arg7[%parallel_loop3A_502, %parallel_loop3A_503] {strides = array<i32>} : memref<640x64xf32, #tpu.memory_space<vmem>>, vector<16xf32>,
        %parallel_loop3A_505 = arith.constant 12 : i32
        %parallel_loop3A_506 = arith.addi %parallel_loop3A_173, %parallel_loop3A_505 : i32
        %parallel_loop3A_507 = arith.index_cast %parallel_loop3A_506 : i32 to index
        %parallel_loop3A_508 = arith.constant 32 : index
        %parallel_loop3A_509 = tpu.vector_load %arg7[%parallel_loop3A_507, %parallel_loop3A_508] {strides = array<i32>} : memref<640x64xf32, #tpu.memory_space<vmem>>, vector<16xf32>,
        %parallel_loop3A_510 = arith.constant 13 : i32
        %parallel_loop3A_511 = arith.addi %parallel_loop3A_173, %parallel_loop3A_510 : i32
        %parallel_loop3A_512 = arith.index_cast %parallel_loop3A_511 : i32 to index
        %parallel_loop3A_513 = arith.constant 32 : index
        %parallel_loop3A_514 = tpu.vector_load %arg7[%parallel_loop3A_512, %parallel_loop3A_513] {strides = array<i32>} : memref<640x64xf32, #tpu.memory_space<vmem>>, vector<16xf32>,
        %parallel_loop3A_515 = arith.constant 14 : i32
        %parallel_loop3A_516 = arith.addi %parallel_loop3A_173, %parallel_loop3A_515 : i32
        %parallel_loop3A_517 = arith.index_cast %parallel_loop3A_516 : i32 to index
        %parallel_loop3A_518 = arith.constant 32 : index
        %parallel_loop3A_519 = tpu.vector_load %arg7[%parallel_loop3A_517, %parallel_loop3A_518] {strides = array<i32>} : memref<640x64xf32, #tpu.memory_space<vmem>>, vector<16xf32>,
        %parallel_loop3A_520 = arith.constant 15 : i32
        %parallel_loop3A_521 = arith.addi %parallel_loop3A_173, %parallel_loop3A_520 : i32
        %parallel_loop3A_522 = arith.index_cast %parallel_loop3A_521 : i32 to index
        %parallel_loop3A_523 = arith.constant 32 : index
        %parallel_loop3A_524 = tpu.vector_load %arg7[%parallel_loop3A_522, %parallel_loop3A_523] {strides = array<i32>} : memref<640x64xf32, #tpu.memory_space<vmem>>, vector<16xf32>,
        %parallel_loop3A_525 = arith.constant 16 : i32
        %parallel_loop3A_526 = arith.addi %parallel_loop3A_173, %parallel_loop3A_525 : i32
        %parallel_loop3A_527 = arith.index_cast %parallel_loop3A_526 : i32 to index
        %parallel_loop3A_528 = arith.constant 32 : index
        %parallel_loop3A_529 = tpu.vector_load %arg7[%parallel_loop3A_527, %parallel_loop3A_528] {strides = array<i32>} : memref<640x64xf32, #tpu.memory_space<vmem>>, vector<16xf32>,
        %parallel_loop3A_530 = arith.constant 17 : i32
        %parallel_loop3A_531 = arith.addi %parallel_loop3A_173, %parallel_loop3A_530 : i32
        %parallel_loop3A_532 = arith.index_cast %parallel_loop3A_531 : i32 to index
        %parallel_loop3A_533 = arith.constant 32 : index
        %parallel_loop3A_534 = tpu.vector_load %arg7[%parallel_loop3A_532, %parallel_loop3A_533] {strides = array<i32>} : memref<640x64xf32, #tpu.memory_space<vmem>>, vector<16xf32>,
        %parallel_loop3A_535 = arith.constant 18 : i32
        %parallel_loop3A_536 = arith.addi %parallel_loop3A_173, %parallel_loop3A_535 : i32
        %parallel_loop3A_537 = arith.index_cast %parallel_loop3A_536 : i32 to index
        %parallel_loop3A_538 = arith.constant 32 : index
        %parallel_loop3A_539 = tpu.vector_load %arg7[%parallel_loop3A_537, %parallel_loop3A_538] {strides = array<i32>} : memref<640x64xf32, #tpu.memory_space<vmem>>, vector<16xf32>,
        %parallel_loop3A_540 = arith.constant 19 : i32
        %parallel_loop3A_541 = arith.addi %parallel_loop3A_173, %parallel_loop3A_540 : i32
        %parallel_loop3A_542 = arith.index_cast %parallel_loop3A_541 : i32 to index
        %parallel_loop3A_543 = arith.constant 32 : index
        %parallel_loop3A_544 = tpu.vector_load %arg7[%parallel_loop3A_542, %parallel_loop3A_543] {strides = array<i32>} : memref<640x64xf32, #tpu.memory_space<vmem>>, vector<16xf32>,
        %parallel_loop3A_545 = arith.addf %parallel_loop3A_449, %parallel_loop3A_454 : vector<16xf32>
        %parallel_loop3A_546 = arith.addf %parallel_loop3A_459, %parallel_loop3A_464 : vector<16xf32>
        %parallel_loop3A_547 = arith.addf %parallel_loop3A_469, %parallel_loop3A_474 : vector<16xf32>
        %parallel_loop3A_548 = arith.addf %parallel_loop3A_479, %parallel_loop3A_484 : vector<16xf32>
        %parallel_loop3A_549 = arith.addf %parallel_loop3A_489, %parallel_loop3A_494 : vector<16xf32>
        %parallel_loop3A_550 = arith.addf %parallel_loop3A_499, %parallel_loop3A_504 : vector<16xf32>
        %parallel_loop3A_551 = arith.addf %parallel_loop3A_509, %parallel_loop3A_514 : vector<16xf32>
        %parallel_loop3A_552 = arith.addf %parallel_loop3A_519, %parallel_loop3A_524 : vector<16xf32>
        %parallel_loop3A_553 = arith.addf %parallel_loop3A_529, %parallel_loop3A_534 : vector<16xf32>
        %parallel_loop3A_554 = arith.addf %parallel_loop3A_539, %parallel_loop3A_544 : vector<16xf32>
        %parallel_loop3A_555 = arith.addf %parallel_loop3A_545, %parallel_loop3A_546 : vector<16xf32>
        %parallel_loop3A_556 = arith.addf %parallel_loop3A_547, %parallel_loop3A_548 : vector<16xf32>
        %parallel_loop3A_557 = arith.addf %parallel_loop3A_549, %parallel_loop3A_550 : vector<16xf32>
        %parallel_loop3A_558 = arith.addf %parallel_loop3A_551, %parallel_loop3A_552 : vector<16xf32>
        %parallel_loop3A_559 = arith.addf %parallel_loop3A_553, %parallel_loop3A_554 : vector<16xf32>
        %parallel_loop3A_560 = arith.addf %parallel_loop3A_555, %parallel_loop3A_556 : vector<16xf32>
        %parallel_loop3A_561 = arith.addf %parallel_loop3A_557, %parallel_loop3A_558 : vector<16xf32>
        %parallel_loop3A_562 = arith.addf %parallel_loop3A_560, %parallel_loop3A_561 : vector<16xf32>
        %parallel_loop3A_563 = arith.addf %parallel_loop3A_562, %parallel_loop3A_559 : vector<16xf32>
        %parallel_loop3A_564 = arith.mulf %parallel_loop3A_563, %parallel_loop3A_198 : vector<16xf32>
        %parallel_loop3A_565 = arith.index_cast %parallel_loop3A_171 : i32 to index
        %parallel_loop3A_566 = arith.constant 32 : index
        %parallel_loop3A_567 = tpu.vector_load %arg9[%parallel_loop3A_565, %parallel_loop3A_566] {strides = array<i32>} : memref<32x128xf32, #tpu.memory_space<vmem>>, vector<16xf32>,
        tpu.vector_store %arg9[%parallel_loop3A_565, %parallel_loop3A_566], %parallel_loop3A_564 {strides = array<i32>} : memref<32x128xf32, #tpu.memory_space<vmem>>, vector<16xf32>,
        %parallel_loop3A_568 = arith.constant 0 : i32
        %parallel_loop3A_569 = arith.addi %parallel_loop3A_173, %parallel_loop3A_568 : i32
        %parallel_loop3A_570 = arith.index_cast %parallel_loop3A_569 : i32 to index
        %parallel_loop3A_571 = arith.constant 48 : index
        %parallel_loop3A_572 = tpu.vector_load %arg7[%parallel_loop3A_570, %parallel_loop3A_571] {strides = array<i32>} : memref<640x64xf32, #tpu.memory_space<vmem>>, vector<16xf32>,
        %parallel_loop3A_573 = arith.constant 1 : i32
        %parallel_loop3A_574 = arith.addi %parallel_loop3A_173, %parallel_loop3A_573 : i32
        %parallel_loop3A_575 = arith.index_cast %parallel_loop3A_574 : i32 to index
        %parallel_loop3A_576 = arith.constant 48 : index
        %parallel_loop3A_577 = tpu.vector_load %arg7[%parallel_loop3A_575, %parallel_loop3A_576] {strides = array<i32>} : memref<640x64xf32, #tpu.memory_space<vmem>>, vector<16xf32>,
        %parallel_loop3A_578 = arith.constant 2 : i32
        %parallel_loop3A_579 = arith.addi %parallel_loop3A_173, %parallel_loop3A_578 : i32
        %parallel_loop3A_580 = arith.index_cast %parallel_loop3A_579 : i32 to index
        %parallel_loop3A_581 = arith.constant 48 : index
        %parallel_loop3A_582 = tpu.vector_load %arg7[%parallel_loop3A_580, %parallel_loop3A_581] {strides = array<i32>} : memref<640x64xf32, #tpu.memory_space<vmem>>, vector<16xf32>,
        %parallel_loop3A_583 = arith.constant 3 : i32
        %parallel_loop3A_584 = arith.addi %parallel_loop3A_173, %parallel_loop3A_583 : i32
        %parallel_loop3A_585 = arith.index_cast %parallel_loop3A_584 : i32 to index
        %parallel_loop3A_586 = arith.constant 48 : index
        %parallel_loop3A_587 = tpu.vector_load %arg7[%parallel_loop3A_585, %parallel_loop3A_586] {strides = array<i32>} : memref<640x64xf32, #tpu.memory_space<vmem>>, vector<16xf32>,
        %parallel_loop3A_588 = arith.constant 4 : i32
        %parallel_loop3A_589 = arith.addi %parallel_loop3A_173, %parallel_loop3A_588 : i32
        %parallel_loop3A_590 = arith.index_cast %parallel_loop3A_589 : i32 to index
        %parallel_loop3A_591 = arith.constant 48 : index
        %parallel_loop3A_592 = tpu.vector_load %arg7[%parallel_loop3A_590, %parallel_loop3A_591] {strides = array<i32>} : memref<640x64xf32, #tpu.memory_space<vmem>>, vector<16xf32>,
        %parallel_loop3A_593 = arith.constant 5 : i32
        %parallel_loop3A_594 = arith.addi %parallel_loop3A_173, %parallel_loop3A_593 : i32
        %parallel_loop3A_595 = arith.index_cast %parallel_loop3A_594 : i32 to index
        %parallel_loop3A_596 = arith.constant 48 : index
        %parallel_loop3A_597 = tpu.vector_load %arg7[%parallel_loop3A_595, %parallel_loop3A_596] {strides = array<i32>} : memref<640x64xf32, #tpu.memory_space<vmem>>, vector<16xf32>,
        %parallel_loop3A_598 = arith.constant 6 : i32
        %parallel_loop3A_599 = arith.addi %parallel_loop3A_173, %parallel_loop3A_598 : i32
        %parallel_loop3A_600 = arith.index_cast %parallel_loop3A_599 : i32 to index
        %parallel_loop3A_601 = arith.constant 48 : index
        %parallel_loop3A_602 = tpu.vector_load %arg7[%parallel_loop3A_600, %parallel_loop3A_601] {strides = array<i32>} : memref<640x64xf32, #tpu.memory_space<vmem>>, vector<16xf32>,
        %parallel_loop3A_603 = arith.constant 7 : i32
        %parallel_loop3A_604 = arith.addi %parallel_loop3A_173, %parallel_loop3A_603 : i32
        %parallel_loop3A_605 = arith.index_cast %parallel_loop3A_604 : i32 to index
        %parallel_loop3A_606 = arith.constant 48 : index
        %parallel_loop3A_607 = tpu.vector_load %arg7[%parallel_loop3A_605, %parallel_loop3A_606] {strides = array<i32>} : memref<640x64xf32, #tpu.memory_space<vmem>>, vector<16xf32>,
        %parallel_loop3A_608 = arith.constant 8 : i32
        %parallel_loop3A_609 = arith.addi %parallel_loop3A_173, %parallel_loop3A_608 : i32
        %parallel_loop3A_610 = arith.index_cast %parallel_loop3A_609 : i32 to index
        %parallel_loop3A_611 = arith.constant 48 : index
        %parallel_loop3A_612 = tpu.vector_load %arg7[%parallel_loop3A_610, %parallel_loop3A_611] {strides = array<i32>} : memref<640x64xf32, #tpu.memory_space<vmem>>, vector<16xf32>,
        %parallel_loop3A_613 = arith.constant 9 : i32
        %parallel_loop3A_614 = arith.addi %parallel_loop3A_173, %parallel_loop3A_613 : i32
        %parallel_loop3A_615 = arith.index_cast %parallel_loop3A_614 : i32 to index
        %parallel_loop3A_616 = arith.constant 48 : index
        %parallel_loop3A_617 = tpu.vector_load %arg7[%parallel_loop3A_615, %parallel_loop3A_616] {strides = array<i32>} : memref<640x64xf32, #tpu.memory_space<vmem>>, vector<16xf32>,
        %parallel_loop3A_618 = arith.constant 10 : i32
        %parallel_loop3A_619 = arith.addi %parallel_loop3A_173, %parallel_loop3A_618 : i32
        %parallel_loop3A_620 = arith.index_cast %parallel_loop3A_619 : i32 to index
        %parallel_loop3A_621 = arith.constant 48 : index
        %parallel_loop3A_622 = tpu.vector_load %arg7[%parallel_loop3A_620, %parallel_loop3A_621] {strides = array<i32>} : memref<640x64xf32, #tpu.memory_space<vmem>>, vector<16xf32>,
        %parallel_loop3A_623 = arith.constant 11 : i32
        %parallel_loop3A_624 = arith.addi %parallel_loop3A_173, %parallel_loop3A_623 : i32
        %parallel_loop3A_625 = arith.index_cast %parallel_loop3A_624 : i32 to index
        %parallel_loop3A_626 = arith.constant 48 : index
        %parallel_loop3A_627 = tpu.vector_load %arg7[%parallel_loop3A_625, %parallel_loop3A_626] {strides = array<i32>} : memref<640x64xf32, #tpu.memory_space<vmem>>, vector<16xf32>,
        %parallel_loop3A_628 = arith.constant 12 : i32
        %parallel_loop3A_629 = arith.addi %parallel_loop3A_173, %parallel_loop3A_628 : i32
        %parallel_loop3A_630 = arith.index_cast %parallel_loop3A_629 : i32 to index
        %parallel_loop3A_631 = arith.constant 48 : index
        %parallel_loop3A_632 = tpu.vector_load %arg7[%parallel_loop3A_630, %parallel_loop3A_631] {strides = array<i32>} : memref<640x64xf32, #tpu.memory_space<vmem>>, vector<16xf32>,
        %parallel_loop3A_633 = arith.constant 13 : i32
        %parallel_loop3A_634 = arith.addi %parallel_loop3A_173, %parallel_loop3A_633 : i32
        %parallel_loop3A_635 = arith.index_cast %parallel_loop3A_634 : i32 to index
        %parallel_loop3A_636 = arith.constant 48 : index
        %parallel_loop3A_637 = tpu.vector_load %arg7[%parallel_loop3A_635, %parallel_loop3A_636] {strides = array<i32>} : memref<640x64xf32, #tpu.memory_space<vmem>>, vector<16xf32>,
        %parallel_loop3A_638 = arith.constant 14 : i32
        %parallel_loop3A_639 = arith.addi %parallel_loop3A_173, %parallel_loop3A_638 : i32
        %parallel_loop3A_640 = arith.index_cast %parallel_loop3A_639 : i32 to index
        %parallel_loop3A_641 = arith.constant 48 : index
        %parallel_loop3A_642 = tpu.vector_load %arg7[%parallel_loop3A_640, %parallel_loop3A_641] {strides = array<i32>} : memref<640x64xf32, #tpu.memory_space<vmem>>, vector<16xf32>,
        %parallel_loop3A_643 = arith.constant 15 : i32
        %parallel_loop3A_644 = arith.addi %parallel_loop3A_173, %parallel_loop3A_643 : i32
        %parallel_loop3A_645 = arith.index_cast %parallel_loop3A_644 : i32 to index
        %parallel_loop3A_646 = arith.constant 48 : index
        %parallel_loop3A_647 = tpu.vector_load %arg7[%parallel_loop3A_645, %parallel_loop3A_646] {strides = array<i32>} : memref<640x64xf32, #tpu.memory_space<vmem>>, vector<16xf32>,
        %parallel_loop3A_648 = arith.constant 16 : i32
        %parallel_loop3A_649 = arith.addi %parallel_loop3A_173, %parallel_loop3A_648 : i32
        %parallel_loop3A_650 = arith.index_cast %parallel_loop3A_649 : i32 to index
        %parallel_loop3A_651 = arith.constant 48 : index
        %parallel_loop3A_652 = tpu.vector_load %arg7[%parallel_loop3A_650, %parallel_loop3A_651] {strides = array<i32>} : memref<640x64xf32, #tpu.memory_space<vmem>>, vector<16xf32>,
        %parallel_loop3A_653 = arith.constant 17 : i32
        %parallel_loop3A_654 = arith.addi %parallel_loop3A_173, %parallel_loop3A_653 : i32
        %parallel_loop3A_655 = arith.index_cast %parallel_loop3A_654 : i32 to index
        %parallel_loop3A_656 = arith.constant 48 : index
        %parallel_loop3A_657 = tpu.vector_load %arg7[%parallel_loop3A_655, %parallel_loop3A_656] {strides = array<i32>} : memref<640x64xf32, #tpu.memory_space<vmem>>, vector<16xf32>,
        %parallel_loop3A_658 = arith.constant 18 : i32
        %parallel_loop3A_659 = arith.addi %parallel_loop3A_173, %parallel_loop3A_658 : i32
        %parallel_loop3A_660 = arith.index_cast %parallel_loop3A_659 : i32 to index
        %parallel_loop3A_661 = arith.constant 48 : index
        %parallel_loop3A_662 = tpu.vector_load %arg7[%parallel_loop3A_660, %parallel_loop3A_661] {strides = array<i32>} : memref<640x64xf32, #tpu.memory_space<vmem>>, vector<16xf32>,
        %parallel_loop3A_663 = arith.constant 19 : i32
        %parallel_loop3A_664 = arith.addi %parallel_loop3A_173, %parallel_loop3A_663 : i32
        %parallel_loop3A_665 = arith.index_cast %parallel_loop3A_664 : i32 to index
        %parallel_loop3A_666 = arith.constant 48 : index
        %parallel_loop3A_667 = tpu.vector_load %arg7[%parallel_loop3A_665, %parallel_loop3A_666] {strides = array<i32>} : memref<640x64xf32, #tpu.memory_space<vmem>>, vector<16xf32>,
        %parallel_loop3A_668 = arith.addf %parallel_loop3A_572, %parallel_loop3A_577 : vector<16xf32>
        %parallel_loop3A_669 = arith.addf %parallel_loop3A_582, %parallel_loop3A_587 : vector<16xf32>
        %parallel_loop3A_670 = arith.addf %parallel_loop3A_592, %parallel_loop3A_597 : vector<16xf32>
        %parallel_loop3A_671 = arith.addf %parallel_loop3A_602, %parallel_loop3A_607 : vector<16xf32>
        %parallel_loop3A_672 = arith.addf %parallel_loop3A_612, %parallel_loop3A_617 : vector<16xf32>
        %parallel_loop3A_673 = arith.addf %parallel_loop3A_622, %parallel_loop3A_627 : vector<16xf32>
        %parallel_loop3A_674 = arith.addf %parallel_loop3A_632, %parallel_loop3A_637 : vector<16xf32>
        %parallel_loop3A_675 = arith.addf %parallel_loop3A_642, %parallel_loop3A_647 : vector<16xf32>
        %parallel_loop3A_676 = arith.addf %parallel_loop3A_652, %parallel_loop3A_657 : vector<16xf32>
        %parallel_loop3A_677 = arith.addf %parallel_loop3A_662, %parallel_loop3A_667 : vector<16xf32>
        %parallel_loop3A_678 = arith.addf %parallel_loop3A_668, %parallel_loop3A_669 : vector<16xf32>
        %parallel_loop3A_679 = arith.addf %parallel_loop3A_670, %parallel_loop3A_671 : vector<16xf32>
        %parallel_loop3A_680 = arith.addf %parallel_loop3A_672, %parallel_loop3A_673 : vector<16xf32>
        %parallel_loop3A_681 = arith.addf %parallel_loop3A_674, %parallel_loop3A_675 : vector<16xf32>
        %parallel_loop3A_682 = arith.addf %parallel_loop3A_676, %parallel_loop3A_677 : vector<16xf32>
        %parallel_loop3A_683 = arith.addf %parallel_loop3A_678, %parallel_loop3A_679 : vector<16xf32>
        %parallel_loop3A_684 = arith.addf %parallel_loop3A_680, %parallel_loop3A_681 : vector<16xf32>
        %parallel_loop3A_685 = arith.addf %parallel_loop3A_683, %parallel_loop3A_684 : vector<16xf32>
        %parallel_loop3A_686 = arith.addf %parallel_loop3A_685, %parallel_loop3A_682 : vector<16xf32>
        %parallel_loop3A_687 = arith.mulf %parallel_loop3A_686, %parallel_loop3A_198 : vector<16xf32>
        %parallel_loop3A_688 = arith.index_cast %parallel_loop3A_171 : i32 to index
        %parallel_loop3A_689 = arith.constant 48 : index
        %parallel_loop3A_690 = tpu.vector_load %arg9[%parallel_loop3A_688, %parallel_loop3A_689] {strides = array<i32>} : memref<32x128xf32, #tpu.memory_space<vmem>>, vector<16xf32>,
        tpu.vector_store %arg9[%parallel_loop3A_688, %parallel_loop3A_689], %parallel_loop3A_687 {strides = array<i32>} : memref<32x128xf32, #tpu.memory_space<vmem>>, vector<16xf32>,
      } {sc.loop_unroll_factor = 2 : i64, sc.parallel_access}
      %mul3A_164 = arith.constant 32 : i32
      %mul3A_165 = arith.muli %add3A_147, %mul3A_164 : i32
      %add3A_166 = arith.addi %mul3A_2, %mul3A_165 : i32
      %dma_start3A_167 = arith.constant 0 : i32
      %dma_start3A_168 = tpu.memref_slice %arg4[%add3A_166, %dma_start3A_167] : memref<16384x128xf32, #tpu.memory_space<hbm>> -> memref<32x128xf32, #tpu.memory_space<hbm>>
      %dma_start3A_169 = arith.constant 0 : i32
      %dma_start3A_170 = tpu.memref_slice %arg4[%add3A_166, %dma_start3A_169] : memref<16384x128xf32, #tpu.memory_space<hbm>> -> memref<32x128xf32, #tpu.memory_space<hbm>>
      tpu.enqueue_dma source(%arg9 : memref<32x128xf32, #tpu.memory_space<vmem>>) target(%dma_start3A_170 : memref<32x128xf32, #tpu.memory_space<hbm>>) target_semaphore(%arg13 : memref<!tpu.dma_semaphore, #tpu.memory_space<semaphore_mem>>)
    }
    %scan3A_50 = arith.constant 8 : i32
    %dma_wait3A = arith.constant 0 : i32
    %dma_wait3A_51 = arith.constant 0 : i32
    %dma_wait3A_52 = tpu.memref_slice %arg4[%dma_wait3A, %dma_wait3A_51] : memref<16384x128xf32, #tpu.memory_space<hbm>> -> memref<32x128xf32, #tpu.memory_space<hbm>>
    %dma_wait3A_53 = arith.constant 0 : i32
    %dma_wait3A_54 = arith.constant 0 : i32
    %dma_wait3A_55 = tpu.memref_slice %arg4[%dma_wait3A_53, %dma_wait3A_54] : memref<16384x128xf32, #tpu.memory_space<hbm>> -> memref<32x128xf32, #tpu.memory_space<hbm>>
    tpu.wait_dma2 semaphore(%arg12 : memref<!tpu.dma_semaphore, #tpu.memory_space<semaphore_mem>>) src(%dma_wait3A_55 : memref<32x128xf32, #tpu.memory_space<hbm>>) dst(%arg8 : memref<32x128xf32, #tpu.memory_space<vmem>>)
    %dma_wait3A_56 = arith.constant 0 : i32
    %dma_wait3A_57 = arith.constant 0 : i32
    %dma_wait3A_58 = tpu.memref_slice %arg4[%dma_wait3A_56, %dma_wait3A_57] : memref<16384x128xf32, #tpu.memory_space<hbm>> -> memref<32x128xf32, #tpu.memory_space<hbm>>
    %dma_wait3A_59 = arith.constant 0 : i32
    %dma_wait3A_60 = arith.constant 0 : i32
    %dma_wait3A_61 = tpu.memref_slice %arg4[%dma_wait3A_59, %dma_wait3A_60] : memref<16384x128xf32, #tpu.memory_space<hbm>> -> memref<32x128xf32, #tpu.memory_space<hbm>>
    tpu.wait_dma2 semaphore(%arg13 : memref<!tpu.dma_semaphore, #tpu.memory_space<semaphore_mem>>) src(%dma_wait3A_61 : memref<32x128xf32, #tpu.memory_space<hbm>>) dst(%arg9 : memref<32x128xf32, #tpu.memory_space<vmem>>)
    return
  }
}

module attributes {stable_mosaic.version = 14 : i64} {
  func.func @_tc_head_body(%arg0: i32, %arg1: memref<2048x128xf32, #tpu.memory_space<vmem>>, %arg2: memref<64x64xf32, #tpu.memory_space<vmem>>, %arg3: memref<64x1xf32, #tpu.memory_space<vmem>>, %arg4: memref<64x1xf32, #tpu.memory_space<vmem>>, %arg5: memref<64x1xf32, #tpu.memory_space<vmem>>, %arg6: memref<64x2048xf32, #tpu.memory_space<vmem>>) attributes {dimension_semantics = [#tpu.dimension_semantics<arbitrary>], iteration_bounds = array<i64: 8>, scalar_prefetch = 0 : i64, scratch_operands = 0 : i64, tpu.core_type = #tpu.core_type<tc>, window_params = [{transform_indices = @transform_0, window_bounds = array<i64: 2048, 128>}, {pipeline_mode = #tpu.pipeline_mode<synchronous>, transform_indices = @transform_1, window_bounds = array<i64: 64, 64>}, {pipeline_mode = #tpu.pipeline_mode<synchronous>, transform_indices = @transform_2, window_bounds = array<i64: 64, 1>}, {pipeline_mode = #tpu.pipeline_mode<synchronous>, transform_indices = @transform_3, window_bounds = array<i64: 64, 1>}, {pipeline_mode = #tpu.pipeline_mode<synchronous>, transform_indices = @transform_4, window_bounds = array<i64: 64, 1>}, {transform_indices = @transform_5, window_bounds = array<i64: 64, 2048>}]} {
    %get3A = arith.constant 0 : index
    %get3A_0 = arith.constant 0 : index
    %get3A_1 = vector.load %arg1[%get3A, %get3A_0] : memref<2048x128xf32, #tpu.memory_space<vmem>>, vector<2048x64xf32>
    %get3A_2 = arith.constant 0 : index
    %get3A_3 = arith.constant 0 : index
    %get3A_4 = vector.load %arg2[%get3A_2, %get3A_3] : memref<64x64xf32, #tpu.memory_space<vmem>>, vector<64x64xf32>
    %dot_general3A = arith.constant dense<0.000000e+00> : vector<64x2048xf32>
    %dot_general3A_5 = tpu.matmul %get3A_4, %get3A_1, %dot_general3A {dimension_numbers = #tpu.dot_dimension_numbers<[1], [1], [0], [0], [0, 0, 1, 0], [], []>, transpose_lhs_hint = false} : vector<64x64xf32>, vector<2048x64xf32>, vector<64x2048xf32> -> vector<64x2048xf32>
    %get3A_6 = arith.constant 0 : index
    %get3A_7 = arith.constant 0 : index
    %get3A_8 = vector.load %arg3[%get3A_6, %get3A_7] : memref<64x1xf32, #tpu.memory_space<vmem>>, vector<64x1xf32>
    %add3A = vector.broadcast %get3A_8 : vector<64x1xf32> to vector<64x2048xf32>
    %add3A_9 = arith.addf %dot_general3A_5, %add3A : vector<64x2048xf32>
    %reduce_sum3A = arith.constant dense<0.000000e+00> : vector<2048xf32>
    %reduce_sum3A_10 = vector.multi_reduction <add>, %add3A_9, %reduce_sum3A [0] : vector<64x2048xf32> to vector<2048xf32>
    %broadcast_in_dim3A = vector.shape_cast %reduce_sum3A_10 : vector<2048xf32> to vector<1x2048xf32>
    %div3A = arith.constant 6.400000e+01 : f32
    %div3A_11 = vector.broadcast %div3A : f32 to vector<1x2048xf32>
    %div3A_12 = arith.divf %broadcast_in_dim3A, %div3A_11 : vector<1x2048xf32>
    %sub3A = vector.broadcast %div3A_12 : vector<1x2048xf32> to vector<64x2048xf32>
    %sub3A_13 = arith.subf %add3A_9, %sub3A : vector<64x2048xf32>
    %mul3A = arith.mulf %sub3A_13, %sub3A_13 : vector<64x2048xf32>
    %reduce_sum3A_14 = arith.constant dense<0.000000e+00> : vector<2048xf32>
    %reduce_sum3A_15 = vector.multi_reduction <add>, %mul3A, %reduce_sum3A_14 [0] : vector<64x2048xf32> to vector<2048xf32>
    %broadcast_in_dim3A_16 = vector.shape_cast %reduce_sum3A_15 : vector<2048xf32> to vector<1x2048xf32>
    %div3A_17 = arith.constant 6.400000e+01 : f32
    %div3A_18 = vector.broadcast %div3A_17 : f32 to vector<1x2048xf32>
    %div3A_19 = arith.divf %broadcast_in_dim3A_16, %div3A_18 : vector<1x2048xf32>
    %add3A_20 = arith.constant 9.99999974E-6 : f32
    %add3A_21 = vector.broadcast %add3A_20 : f32 to vector<1x2048xf32>
    %add3A_22 = arith.addf %div3A_19, %add3A_21 : vector<1x2048xf32>
    %rsqrt3A = math.rsqrt %add3A_22 : vector<1x2048xf32>
    %mul3A_23 = vector.broadcast %rsqrt3A : vector<1x2048xf32> to vector<64x2048xf32>
    %mul3A_24 = arith.mulf %sub3A_13, %mul3A_23 : vector<64x2048xf32>
    %get3A_25 = arith.constant 0 : index
    %get3A_26 = arith.constant 0 : index
    %get3A_27 = vector.load %arg4[%get3A_25, %get3A_26] : memref<64x1xf32, #tpu.memory_space<vmem>>, vector<64x1xf32>
    %mul3A_28 = vector.broadcast %get3A_27 : vector<64x1xf32> to vector<64x2048xf32>
    %mul3A_29 = arith.mulf %mul3A_24, %mul3A_28 : vector<64x2048xf32>
    %get3A_30 = arith.constant 0 : index
    %get3A_31 = arith.constant 0 : index
    %get3A_32 = vector.load %arg5[%get3A_30, %get3A_31] : memref<64x1xf32, #tpu.memory_space<vmem>>, vector<64x1xf32>
    %add3A_33 = vector.broadcast %get3A_32 : vector<64x1xf32> to vector<64x2048xf32>
    %add3A_34 = arith.addf %mul3A_29, %add3A_33 : vector<64x2048xf32>
    %mul3A_35 = arith.constant 5.000000e-01 : f32
    %mul3A_36 = vector.broadcast %mul3A_35 : f32 to vector<64x2048xf32>
    %mul3A_37 = arith.mulf %mul3A_36, %add3A_34 : vector<64x2048xf32>
    %mul3A_38 = arith.constant 0.707106769 : f32
    %mul3A_39 = vector.broadcast %mul3A_38 : f32 to vector<64x2048xf32>
    %mul3A_40 = arith.mulf %add3A_34, %mul3A_39 : vector<64x2048xf32>
    %erf3A = math.erf %mul3A_40 : vector<64x2048xf32>
    %add3A_41 = arith.constant 1.000000e+00 : f32
    %add3A_42 = vector.broadcast %add3A_41 : f32 to vector<64x2048xf32>
    %add3A_43 = arith.addf %add3A_42, %erf3A : vector<64x2048xf32>
    %mul3A_44 = arith.mulf %mul3A_37, %add3A_43 : vector<64x2048xf32>
    %swap3A = arith.constant 0 : index
    %swap3A_45 = arith.constant 0 : index
    %swap3A_46 = vector.load %arg6[%swap3A, %swap3A_45] : memref<64x2048xf32, #tpu.memory_space<vmem>>, vector<64x2048xf32>
    tpu.vector_store %arg6[%swap3A, %swap3A_45], %mul3A_44 {strides = array<i32>} : memref<64x2048xf32, #tpu.memory_space<vmem>>, vector<64x2048xf32>,
    return
  }
  func.func @transform_0(%arg0: i32) -> (i32, i32) {
    %c0_i32 = arith.constant 0 : i32
    %c0_i32_0 = arith.constant 0 : i32
    return %arg0, %c0_i32 : i32, i32
  }
  func.func @transform_1(%arg0: i32) -> (i32, i32) {
    %c0_i32 = arith.constant 0 : i32
    %c0_i32_0 = arith.constant 0 : i32
    %c0_i32_1 = arith.constant 0 : i32
    return %c0_i32, %c0_i32_0 : i32, i32
  }
  func.func @transform_2(%arg0: i32) -> (i32, i32) {
    %c0_i32 = arith.constant 0 : i32
    %c0_i32_0 = arith.constant 0 : i32
    %c0_i32_1 = arith.constant 0 : i32
    return %c0_i32, %c0_i32_0 : i32, i32
  }
  func.func @transform_3(%arg0: i32) -> (i32, i32) {
    %c0_i32 = arith.constant 0 : i32
    %c0_i32_0 = arith.constant 0 : i32
    %c0_i32_1 = arith.constant 0 : i32
    return %c0_i32, %c0_i32_0 : i32, i32
  }
  func.func @transform_4(%arg0: i32) -> (i32, i32) {
    %c0_i32 = arith.constant 0 : i32
    %c0_i32_0 = arith.constant 0 : i32
    %c0_i32_1 = arith.constant 0 : i32
    return %c0_i32, %c0_i32_0 : i32, i32
  }
  func.func @transform_5(%arg0: i32) -> (i32, i32) {
    %c0_i32 = arith.constant 0 : i32
    %c0_i32_0 = arith.constant 0 : i32
    return %c0_i32, %arg0 : i32, i32
  }
}

</mosaic_0001>

<sc_bundles>
// kernel: kernel.4.cloned.1.call-start
scs
__scs_entry_jumppad:
0x0: {  	(pc) =	sbr.rel $0x88, $3  }
0x1: {  	(tag) =	ssettag $0x0;
	lr =	simm.s32 $0x1  }
0x2: {  	[smem:$0x3F9B] =	sst lr;
	_ =	strace $0xD0000000  }
0x3: {  	_ = 	snop  }
0x4: {  	_ = 	snop  }
0x5: {  	_ = 	snop  }
0x6: {  	_ = 	snop  }
0x7: {  	_ = 	snop  }
__scs_overlays_trampoline_lowered:
0x8: {  	[smem:$0x3FAA] =	sst s0  }
0x9: {  	[smem:$0x3FAB] =	sst s1  }
0xa: {  	[smem:$0x3FAC] =	sst s2  }
0xb: {  	[smem:$0x3FAD] =	sst s3  }
0xc: {  	[smem:$0x3FAE] =	sst s4  }
0xd: {  	[smem:$0x3FAF] =	sst s5  }
0xe: {  	[smem:$0x3FB0] =	sst s6  }
0xf: {  	[smem:$0x3FB1] =	sst s7  }
0x10: {  	[smem:$0x3FB2] =	sst s8  }
0x11: {  	[smem:$0x3FB3] =	sst s9;
	s0 =	simm.s32 @!p0 $0x0  }
0x12: {  	s1 =	sld [smem:$0x3F99];
	s0 =	simm.s32 @p0 $0x1  }
0x13: {  	[smem:$0x3FB4] =	sst s0;
	s0 =	simm.s32 @!p1 $0x0  }
0x14: {  	s2 =	sld [smem:$0x3F98];
	s0 =	simm.s32 @p1 $0x1  }
0x15: {  	[smem:$0x3FB5] =	sst s0;
	s0 =	simm.s32 @!p2 $0x0  }
0x16: {  	s3 =	sld [smem:$0x3FDB];
	s0 =	simm.s32 @p2 $0x1  }
0x17: {  	s4 =	simm.s32 $0x1BF5;
	[smem:$0x3FB7] =	sst s0  }
0x18: {  	s0 =	sld [smem:$0x3F9A];
	_ =	swait.ge [sflag:s4], $0x0  }
0x19: {  	s7 =	sld [smem:$0x3F9B]  }
0x1a: {  	s8 =	sadd.s32 $0xFFFFE003, lr  }
0x1b: {  	s9 =	sadd.s32 $0xFFFFFEF7, lr;
	s5 =	simm.s32 $0xFFFFFFFF;
	p2 =	slt.u32 s8, $0xFFFFF086  }
0x1c: {  	p1 =	slt.u32 s9, $0xF7A;
	s5 =	simm.s32 @!p2 $0x0  }
0x1d: {  	s5 =	simm.s32 @p1 $0x1;
	p0 =	seq.s32 s7, s2  }
0x1e: {  	s7 =	smul.u32 @!p0 $0xF7A, s2;
	p2 =	seq.s32 @!p0 s5, $0x0  }
0x1f: {  	s9 =	smul.u32 $0xF7A, s1;
	s8 =	simm.s32 @!p0 $0x1BF5;
	p2 =	por !p2, p0  }
0x20: {  	[sflag:s8] =	ssyncset.s32 @!p0 $0xFFFFF086;
	s6 =	sadd.s32 @!p0 s3, s7;
	s7 =	simm.s32 @!p0 $0x108  }
0x21: {  	s3 =	sadd.s32 s3, s9;
	s6 =	sadd.s32 @!p0 $0x88, s6;
	s7 =	simm.s32 @p2 $0x1082  }
0x22: {  	[simem:s7], [sflag:s8] =	dma.local @!p0 [hbm:s6], $0xF7A  }
0x23: {  	s9 =	sor.u32 $0xD0000000, s2;
	s6 =	simm.s32 $0x108;
	_ =	swait.ge @!p0 [sflag:s8], $0x0  }
0x24: {  	s3 =	sadd.s32 $0x88, s3;
	s6 =	simm.s32 @!p1 $0x1082;
	[sflag:s4] =	ssyncset.s32 $0xFFFFF086  }
0x25: {  	[simem:s6], [sflag:s4] =	dma.local [hbm:s3], $0xF7A  }
0x26: {  	[smem:$0x3F9B] =	sst s1;
	(tag) =	ssettag s2;
	_ =	strace s9  }
0x27: {  	s1 =	sld [smem:$0x3FAB]  }
0x28: {  	s2 =	sld [smem:$0x3FAC]  }
0x29: {  	s4 =	sld [smem:$0x3FAE]  }
0x2a: {  	p0 =	seq.s32 s5, $0x0;
	s5 =	sld [smem:$0x3FAF]  }
0x2b: {  	s6 =	sld [smem:$0x3FB0]  }
0x2c: {  	s7 =	sld [smem:$0x3FB1]  }
0x2d: {  	s3 =	simm.s32 $0x108;
	s8 =	sld [smem:$0x3FB2]  }
0x2e: {  	s3 =	simm.s32 @!p0 $0x1082;
	s9 =	sld [smem:$0x3FB3]  }
0x2f: {  	lr =	sadd.s32 s0, s3;
	s0 =	sld [smem:$0x3FAA]  }
0x30: {  	s3 =	sld [smem:$0x3FAD]  }
0x31: {  	[smem:$0x3FB6] =	sst s10  }
0x32: {  	s10 =	sld [smem:$0x3FB4];
	_ =	sdelay $0x3  }
0x33: {  	p0 =	seq.s32 s10, $0x1;
	s10 =	sld [smem:$0x3FB6];
	_ =	sdelay $0x3  }
0x34: {  	[smem:$0x3FB6] =	sst s10  }
0x35: {  	s10 =	sld [smem:$0x3FB5];
	_ =	sdelay $0x3  }
0x36: {  	p1 =	seq.s32 s10, $0x1;
	s10 =	sld [smem:$0x3FB6];
	_ =	sdelay $0x3  }
0x37: {  	[smem:$0x3FB6] =	sst s10  }
0x38: {  	s10 =	sld [smem:$0x3FB7]  }
0x39: {  	_ = 	snop;
	(pc) =	sbr.ind lr, $3  }
0x3a: {  	_ = 	snop  }
0x3b: {  	_ = 	snop  }
0x3c: {  	p2 =	seq.s32 s10, $0x1;
	s10 =	sld [smem:$0x3FB6]  }
0x3d: {  	_ =	shalt  }
0x3e: {  	_ =	shalt  }
0x3f: {  	_ =	shalt  }
0x40: {  	_ =	shalt  }
0x41: {  	_ =	shalt  }
0x42: {  	_ =	shalt  }
0x43: {  	_ =	shalt  }
0x44: {  	_ =	shalt  }
0x45: {  	_ =	shalt  }
0x46: {  	_ =	shalt  }
0x47: {  	_ =	shalt  }
0x48: {  	_ =	shalt  }
0x49: {  	_ =	shalt  }
0x4a: {  	_ =	shalt  }
0x4b: {  	_ =	shalt  }
0x4c: {  	_ =	shalt  }
0x4d: {  	_ =	shalt  }
0x4e: {  	_ =	shalt  }
0x4f: {  	_ =	shalt  }
0x50: {  	_ =	shalt  }
0x51: {  	_ =	shalt  }
0x52: {  	_ =	shalt  }
0x53: {  	_ =	shalt  }
0x54: {  	_ =	shalt  }
0x55: {  	_ =	shalt  }
0x56: {  	_ =	shalt  }
0x57: {  	_ =	shalt  }
0x58: {  	_ =	shalt  }
0x59: {  	_ =	shalt  }
0x5a: {  	_ =	shalt  }
0x5b: {  	_ =	shalt  }
0x5c: {  	_ =	shalt  }
0x5d: {  	_ =	shalt  }
0x5e: {  	_ =	shalt  }
0x5f: {  	_ =	shalt  }
0x60: {  	_ =	shalt  }
0x61: {  	_ =	shalt  }
0x62: {  	_ =	shalt  }
0x63: {  	_ =	shalt  }
0x64: {  	_ =	shalt  }
0x65: {  	_ =	shalt  }
0x66: {  	_ =	shalt  }
0x67: {  	_ =	shalt  }
0x68: {  	_ =	shalt  }
0x69: {  	_ =	shalt  }
0x6a: {  	_ =	shalt  }
0x6b: {  	_ =	shalt  }
0x6c: {  	_ =	shalt  }
0x6d: {  	_ =	shalt  }
0x6e: {  	_ =	shalt  }
0x6f: {  	_ =	shalt  }
0x70: {  	_ =	shalt  }
0x71: {  	_ =	shalt  }
0x72: {  	_ =	shalt  }
0x73: {  	_ =	shalt  }
0x74: {  	_ =	shalt  }
0x75: {  	_ =	shalt  }
0x76: {  	_ =	shalt  }
0x77: {  	_ =	shalt  }
0x78: {  	_ =	shalt  }
0x79: {  	_ =	shalt  }
0x7a: {  	_ =	shalt  }
0x7b: {  	_ =	shalt  }
0x7c: {  	_ =	shalt  }
0x7d: {  	_ =	shalt  }
0x7e: {  	_ =	shalt  }
0x7f: {  	_ =	shalt  }
0x80: {  	_ =	shalt  }
0x81: {  	_ =	shalt  }
0x82: {  	_ =	shalt  }
0x83: {  	_ =	shalt  }
0x84: {  	_ =	shalt  }
0x85: {  	_ =	shalt  }
0x86: {  	_ =	shalt  }
0x87: {  	_ =	shalt  }
.Lfunc_end0:
.L_simem_size_0:
called_computation_lowered:
.L_overlay_start_0:
0x88: {  	s2 =	sld [smem:$0x3FD9]  }
0x89: {  	s3 =	sld [smem:$0x3FFE];
	_ =	sdelay $0x1  }
0x8a: {  	s1 =	srdreg.scid  }
0x8b: {  	s0 =	sand.u32 $0x1, s1  }
0x8c: {  	s17 =	sshll.u32 s0, $0xA;
	s2 =	sadd.s32 s3, s2  }
0x8d: {  	s2 =	sadd.s32 s2, s17  }
0x8e: {  	[smem:$0x3FC2] =	sst s2  }
0x8f: {  	_ = 	snop  }
0x90: {  	s2 =	sld [smem:$0x3FD0];
	(tm) =	ssettm $0x1  }
0x91: {  	s18 =	sld [smem:$0x3FFB];
	_ =	sdelay $0x3  }
0x92: {  	_ =	strace s18  }
0x93: {  	s3 =	sld [smem:$0x3FFC];
	_ =	sdelay $0x3  }
0x94: {  	_ =	strace s3  }
0x95: {  	s3 =	sld [smem:$0x3FFD];
	_ =	sdelay $0x3  }
0x96: {  	_ =	strace s3  }
0x97: {  	_ =	strace $0x8FFFFFFF  }
0x98: {  	s19 =	sld [smem:$0x3FDB];
	_ =	sdelay $0x1  }
0x99: {  	s4 =	simm.s32 $_scs_section_size  }
0x9a: {  	s5 =	simm.s32 $_size__tile_overlayer_lowered;
	s6 =	simm.s32 $_tile_overlayer_lowered  }
0x9b: {  	s22 =	simm.s32 $0x1BFF;
	s21 =	sshll.u32 s6, $0x1;
	s3 =	sadd.s32 s4, s19  }
0x9c: {  	s7 =	simm.s32 $0x0;
	s20 =	sshll.u32 s5, $0x1;
	s5 =	sadd.s32 s21, s3  }
0x9d: {  	[timem:s7], [sflag:s22] =	dma.local [hbm:s5], s20  }
0x9e: {  	_ =	swait.ge [sflag:s22], s20  }
0x9f: {  	s4 =	ssub.s32 $0x0, s20;
	[sflag:s22] =	ssyncset.done $0x0  }
0xa0: {  	[sflag:s22] =	ssyncadd.s32 s4;
	_ =	sdelay $0x1  }
0xa1: {  	s23 =	simm.s32 $0x1B8B  }
0xa2: {  	_ =	swait.ge [sflag:s23], $0x1  }
0xa3: {  	[sflag:s23] =	ssyncset.done $0x0  }
0xa4: {  	s25 =	simm.s32 $0x1B8E;
	s24 =	sld [smem:$0x3FFE];
	[sflag:s23] =	ssyncadd.s32 $0xFFFFFFFF  }
0xa5: {  	s26 =	simm.s32 $execute0_lowered;
	[smem:$0x3FD2] =	sst s25  }
0xa6: {  	s5 =	sshll.u32 s26, $0x1;
	_ =	strace $0x80000046;
	[dreg:$0x1] =	wrdreg $0xFFFFFFFF  }
0xa7: {  	s28 =	simm.s32 $_size_execute0_lowered;
	s3 =	sadd.s32 s3, s5;
	[dreg:$0x0] =	wrdreg $0x0  }
0xa8: {  	s5 =	sshll.u32 s28, $0x1;
	[dreg:$0x2] =	wrdreg s3  }
0xa9: {  	[dreg:$0x3] =	wrdreg s5  }
0xaa: {  	[dreg:$0x4] =	wrdreg $0xC0  }
0xab: {  	_ =	task [dreg:s7], $0x5FFFF  }
0xac: {  	[dreg:$0x1] =	wrdreg $0xFFFFFFFF  }
0xad: {  	[dreg:$0x0] =	wrdreg $0x60  }
0xae: {  	[dreg:$0x2] =	wrdreg s24  }
0xaf: {  	[dreg:$0x3] =	wrdreg s2  }
0xb0: {  	[dreg:$0x4] =	wrdreg $0x9  }
0xb1: {  	_ =	task.clear_ibuf [dreg:s7], $0x5FFFF;
	_ =	strace $0x90000046  }
0xb2: {  	s29 =	simm.s32 $0x9;
	_ =	strace $0x80000048  }
0xb3: {  	_ =	swait.ge [sflag:s29], $0x1  }
0xb4: {  	[sflag:s29] =	ssyncadd.s32 $0xFFFFFFFF  }
0xb5: {  	_ =	strace $0x90000048  }
0xb6: {  	_ =	sfence  }
0xb7: {  	s30 =	sld [smem:$0x0];
	_ =	sdelay $0x2  }
0xb8: {  	s31 =	sshll.u32 s1, $0xD;
	s1 =	sshrl.u32 s1, $0x2  }
0xb9: {  	s3 =	sand.u32 $0x4000, s31;
	s1 =	sadd.s32 s1, s30  }
0xba: {  	s0 =	sor.u32 s3, s0;
	s1 =	sshll.u32 s1, $0x11  }
0xbb: {  	s0 =	sor.u32 s1, s0  }
0xbc: {  	s0 =	sadd.s32 $0x8F2B, s0  }
0xbd: {  	[sflag:s0] =	ssyncadd.remote.s32 $0x1  }
0xbe: {  	_ =	sfence.sel $0xFFFF  }
0xbf: {  	[dreg:$0x0] =	wrdreg $0xFFFFFFFF;
	(pc) =	sbr.abs _section_cstart, $3  }
0xc0: {  	[dreg:$0x1] =	wrdreg $0xFFFFFFFF  }
0xc1: {  	_ =	task.clear_ibuf [dreg:s7], $0x2FFFF;
	_ =	strace $0x9FFFFFFF  }
0xc2: {  	(tm) =	ssettm $0x7FFFFFFF  }
0xc3: {  	_ =	shalt  }
tec
execute0_lowered:
.L_overlay_start_1:
0x0: {  	(tag) =	ssettag $0x1  }
0x1: {  	s0 =	rddreg [dreg:$0x0]  }
0x2: {  	s1 =	rddreg [dreg:$0x1];
	s3 =	srdreg.scid  }
0x3: {  	s4 =	stileid.u32;
	s2 =	simm.s32 $0x0;
	s8 =	simm.s32 $0x80  }
0x4: {  	s9 =	simm.s32 $0x2800;
	s10 =	simm.s32 $0x4800;
	s12 =	simm.s32 $0x6800  }
0x5: {  	s14 =	simm.s32 $0x8800;
	s16 =	simm.s32 $0xA800;
	s17 =	simm.s32 $0xC800  }
0x6: {  	s18 =	simm.s32 $0xE800;
	s19 =	simm.s32 $0x10800;
	s20 =	simm.s32 $0x12800  }
0x7: {  	s21 =	simm.s32 $0x14800;
	s22 =	simm.s32 $0x1;
	s23 =	simm.s32 $0x16800  }
0x8: {  	s24 =	simm.s32 $0x2;
	s3 =	sand.u32 $0x1, s3;
	s4 =	sshll.u32 s4, $0x1  }
0x9: {  	s25 =	simm.s32 $0x4;
	s26 =	simm.s32 $0x17800;
	s4 =	sor.u32 s3, s4  }
0xa: {  	[smem:$0x7FF] =	sst s2;
	s5 =	ssub.s32 $0x2, s3;
	s6 =	smul.u32 $0x500, s4  }
0xb: {  	_ =	strace $0x80000047;
	s3 =	sadd.s32 $0x187A00, s0;
	s7 =	sshrl.u32 s5, $0x1  }
0xc: {  	s4 =	sshll.u32 s4, $0xD;
	s30 =	ssub.s32 s5, s7;
	s1 =	sadd.s32 s1, s6  }
0xd: {  	s0 =	sadd.s32 s4, s0;
	s31 =	smax.u32 s30, $0x1;
	[dreg:$0x3] =	wrdreg s1  }
0xe: {  	vm0 =	vcmask $0x3F30;
	s5 =	sadd.s32 $0x1000, s0;
	[dreg:$0x4] =	wrdreg s31;
	s1 =	simm.s32 $0x0  }
.LBB2_1:
0xf: {  	[dreg:$0x5] =	wrdreg s1  }
0x10: {  	s0 =	rddreg [dreg:$0x3];
	s13 =	simm.s32 $0x5  }
0x11: {  	[tilespmem:s2], [sflag:$0x5] =	stream.linear.gather [hbm4b:s0+s2], $0x2800, $0x38;
	[tilespmem:$0x18800] =	vst v63  }
0x12: {  	_ =	swait.ge [sflag:s13], $0x2800  }
0x13: {  	[sflag:s13] =	ssyncset.done $0x0  }
0x14: {  	[sflag:s13] =	ssyncadd.s32 $0xFFFFD800  }
0x15: {  	[tilespmem:s9], [sflag:$0x1] =	stream.indirect.gather [hbm4b:s3+s8], $0x40, s2, s8, $0xb8;
	[tilespmem:$0x18800] =	vst v63  }
0x16: {  	_ = 	snop  }
0x17: {  	[tilespmem:s10], [sflag:$0x1] =	stream.indirect.gather [hbm4b:s3+s8], $0x40, s8, s8, $0xb8;
	[tilespmem:$0x18800] =	vst v63  }
0x18: {  	s15 =	simm.s32 $0x100  }
0x19: {  	[tilespmem:s12], [sflag:$0x1] =	stream.indirect.gather [hbm4b:s3+s8], $0x40, s15, s8, $0xb8;
	[tilespmem:$0x18800] =	vst v63  }
0x1a: {  	s28 =	simm.s32 $0x180;
	s29 =	simm.s32 $0x200  }
0x1b: {  	[tilespmem:s14], [sflag:$0x1] =	stream.indirect.gather [hbm4b:s3+s8], $0x40, s28, s8, $0xb8;
	[tilespmem:$0x18800] =	vst v63  }
0x1c: {  	s30 =	simm.s32 $0x18;
	s31 =	simm.s32 $0x298;
	s0 =	simm.s32 $0x0  }
0x1d: {  	[tilespmem:s16], [sflag:$0x1] =	stream.indirect.gather [hbm4b:s3+s8], $0x40, s29, s8, $0xb8;
	[tilespmem:$0x18800] =	vst v63  }
.LBB2_2:
0x1e: {  	s1 =	sshllo.u32 s0, $0x1  }
0x1f: {  	s4 =	smul.u32 $0xA00, s1;
	_ =	sdelay $0x1  }
0x20: {  	s4 =	sshra.s32 s4, $0x2  }
0x21: {  	[tilespmem:s17], [sflag:$0x2] =	stream.indirect.gather [hbm4b:s3+s8], $0x40, s4, s8, $0xb8;
	[tilespmem:$0x18800] =	vst v63  }
0x22: {  	s6 =	sadd.s32 $0x80, s4  }
0x23: {  	[tilespmem:s18], [sflag:$0x2] =	stream.indirect.gather [hbm4b:s3+s8], $0x40, s6, s8, $0xb8;
	[tilespmem:$0x18800] =	vst v63  }
0x24: {  	s13 =	sadd.s32 $0x100, s4  }
0x25: {  	[tilespmem:s19], [sflag:$0x2] =	stream.indirect.gather [hbm4b:s3+s8], $0x40, s13, s8, $0xb8;
	[tilespmem:$0x18800] =	vst v63  }
0x26: {  	s15 =	sadd.s32 $0x180, s4  }
0x27: {  	[tilespmem:s20], [sflag:$0x2] =	stream.indirect.gather [hbm4b:s3+s8], $0x40, s15, s8, $0xb8;
	[tilespmem:$0x18800] =	vst v63  }
0x28: {  	s4 =	sadd.s32 $0x200, s4  }
0x29: {  	[tilespmem:s21], [sflag:$0x2] =	stream.indirect.gather [hbm4b:s3+s8], $0x40, s4, s8, $0xb8;
	[tilespmem:$0x18800] =	vst v63  }
0x2a: {  	_ =	swait.ge [sflag:s22], $0xA000  }
0x2b: {  	p0 =	seq.s32 s0, $0x0;
	[sflag:s22] =	ssyncset.done $0x0  }
0x2c: {  	s4 =	simm.s32 @!p0 $0x3;
	[sflag:s22] =	ssyncadd.s32 $0xFFFF6000  }
0x2d: {  	_ =	swait.ge @!p0 [sflag:s4], $0x1000  }
0x2e: {  	[sflag:s4] =	ssyncset.done @!p0 $0x0  }
0x2f: {  	s6 =	simm.s32 $0x2D00;
	[sflag:s4] =	ssyncadd.s32 @!p0 $0xFFFFF000  }
0x30: {  	v1 =	vld [tilespmem:s6+$0x0]  }
0x31: {  	v2 =	vld [tilespmem:s6+$0x40]  }
0x32: {  	v3 =	vld [tilespmem:s6+$0x80]  }
0x33: {  	v4 =	vld [tilespmem:s6+$0xC0]  }
0x34: {  	v5 =	vld [tilespmem:s6+$0x100]  }
0x35: {  	v6 =	vld [tilespmem:s6+$0x140]  }
0x36: {  	v7 =	vld [tilespmem:s6+$0x180]  }
0x37: {  	v8 =	vld [tilespmem:s6+$0x1C0]  }
0x38: {  	v9 =	vld [tilespmem:s6+$0x200]  }
0x39: {  	v10 =	vld [tilespmem:s30+$0x0]  }
0x3a: {  	v11 =	vld [tilespmem:s30+$0xFFFFFFFC]  }
0x3b: {  	v12 =	vld [tilespmem:s6+$0x240]  }
0x3c: {  	v13 =	vld [tilespmem:s6+$0x280]  }
0x3d: {  	v14 =	vld [tilespmem:s6+$0x2C0]  }
0x3e: {  	v17 =	vld [tilespmem:s6+$0x380];
	vm1 =	vne.s32 v10, $0x0  }
0x3f: {  	v18 =	vld [tilespmem:s6+$0x3C0];
	vm2 =	vne.s32 v11, $0x0;
	vm1 =	vmand vm1, vm0  }
0x40: {  	v10 =	vld [tilespmem:s6+$0x300];
	v15 =	vmpcnt.ones.xlane vm2;
	v16 =	vmpcnt.ones.xlane vm1  }
0x41: {  	v11 =	vld [tilespmem:s6+$0x340]  }
0x42: {  	v0 =	vld [tilespmem:s6+$0x400];
	v15 =	vadd.s32 v15, v16  }
0x43: {  	v53 =	vld [tilespmem:s6+$0x440];
	v1 =	vadd.f32 v2, v1;
	v2 =	vadd.f32 v4, v3;
	v15 =	vcvt.s32.f32 v15  }
0x44: {  	v19 =	vld [tilespmem:s6+$0x480];
	v4 =	vadd.f32 v6, v5;
	v5 =	vadd.f32 v8, v7  }
0x45: {  	v3 =	vld [tilespmem:s6+$0x4C0];
	v7 =	vadd.f32 v12, v9;
	v8 =	vadd.f32 v14, v13;
	v6 =	vmax.f32 v15, $1.000000000e+00  }
0x46: {  	v9 =	vadd.f32 v11, v10;
	v10 =	vadd.f32 v18, v17;
	(erf) = vrcp.f32 v6  }
0x47: {  	v60 =	vld [tilespmem:s6+$0xFFFFFCC0];
	v1 =	vadd.f32 v2, v1;
	v2 =	vadd.f32 v5, v4  }
0x48: {  	v63 =	vld [tilespmem:s6+$0xFFFFFD00];
	v4 =	vadd.f32 v8, v7;
	v5 =	vadd.f32 v10, v9  }
0x49: {  	v29 =	vld [tilespmem:s6+$0xFFFFFD80];
	v0 =	vadd.f32 v53, v0;
	v1 =	vadd.f32 v2, v1  }
0x4a: {  	v30 =	vld [tilespmem:s6+$0xFFFFFDC0];
	v3 =	vadd.f32 v3, v19;
	v2 =	vadd.f32 v5, v4  }
0x4b: {  	v31 =	vld [tilespmem:s6+$0xFFFFFE40]  }
0x4c: {  	v32 =	vld [tilespmem:s6+$0xFFFFFF40];
	v0 =	vadd.f32 v3, v0;
	v1 =	vadd.f32 v2, v1  }
0x4d: {  	v33 =	vld [tilespmem:s6+$0xFFFFFF80]  }
0x4e: {  	v7 =	vld [tilespmem:s6+$0xFFFFFBC0];
	v0 =	vadd.f32 v0, v1  }
0x4f: {  	v8 =	vld [tilespmem:s6+$0xFFFFFC00];
	v2 =	vpop (erf)  }
0x50: {  	v3 =	vld [tilespmem:s6+$0xFFFFFB00];
	v0 =	vmul.f32 v0, v2  }
0x51: {  	s11 =	simm.s32 $0x16880;
	v9 =	vld [tilespmem:s6+$0xFFFFFC40]  }
0x52: {  	v4 =	vld [tilespmem:s30+$0xFFFFFFEC];
	[tilespmem:s11+$0x0] =	vst v0  }
0x53: {  	v10 =	vld [tilespmem:s6+$0x10]  }
0x54: {  	v11 =	vld [tilespmem:s6+$0x50]  }
0x55: {  	v12 =	vld [tilespmem:s6+$0x90]  }
0x56: {  	v13 =	vld [tilespmem:s6+$0xD0]  }
0x57: {  	v14 =	vld [tilespmem:s6+$0x110]  }
0x58: {  	v15 =	vld [tilespmem:s6+$0x150]  }
0x59: {  	v54 =	vld [tilespmem:s6+$0x190]  }
0x5a: {  	v55 =	vld [tilespmem:s6+$0x1D0]  }
0x5b: {  	v56 =	vld [tilespmem:s6+$0x210]  }
0x5c: {  	v57 =	vld [tilespmem:s6+$0x250]  }
0x5d: {  	v20 =	vld [tilespmem:s6+$0x290]  }
0x5e: {  	v21 =	vld [tilespmem:s6+$0x2D0]  }
0x5f: {  	v22 =	vld [tilespmem:s6+$0x310]  }
0x60: {  	v23 =	vld [tilespmem:s6+$0x350]  }
0x61: {  	v24 =	vld [tilespmem:s6+$0x390]  }
0x62: {  	v25 =	vld [tilespmem:s6+$0x3D0]  }
0x63: {  	v0 =	vld [tilespmem:s6+$0x410]  }
0x64: {  	v26 =	vld [tilespmem:s6+$0x450];
	v10 =	vadd.f32 v11, v10;
	v11 =	vadd.f32 v13, v12  }
0x65: {  	v27 =	vld [tilespmem:s6+$0x490];
	v13 =	vadd.f32 v15, v14;
	v14 =	vadd.f32 v55, v54  }
0x66: {  	v12 =	vld [tilespmem:s6+$0x4D0];
	v58 =	vadd.f32 v57, v56;
	v59 =	vadd.f32 v21, v20  }
0x67: {  	v6 =	vld [tilespmem:s6+$0xFFFFFB40];
	v61 =	vadd.f32 v23, v22;
	v62 =	vadd.f32 v25, v24  }
0x68: {  	v5 =	vld [tilespmem:s30+$0xFFFFFFE8];
	v10 =	vadd.f32 v11, v10;
	v11 =	vadd.f32 v14, v13  }
0x69: {  	v1 =	vld [tilespmem:s6+$0xFFFFFB80];
	v14 =	vadd.f32 v59, v58;
	v28 =	vadd.f32 v62, v61  }
0x6a: {  	vm1 =	vne.s32 v4, $0x0;
	v4 =	vld [tilespmem:s6+$0xFFFFFFC0];
	v0 =	vadd.f32 v26, v0;
	v10 =	vadd.f32 v11, v10  }
0x6b: {  	v15 =	vld [tilespmem:s6+$0xFFFFFC80];
	v11 =	vadd.f32 v28, v14;
	v12 =	vadd.f32 v12, v27  }
0x6c: {  	s13 =	simm.s32 $0x3700;
	v13 =	vld [tilespmem:s6+$0xFFFFFD40]  }
0x6d: {  	v59 =	vld [tilespmem:s13+$0x380];
	v10 =	vadd.f32 v11, v10;
	v0 =	vadd.f32 v12, v0  }
0x6e: {  	v61 =	vld [tilespmem:s13+$0x480]  }
0x6f: {  	v1 =	vadd.f32 v7, v1;
	v14 =	vld [tilespmem:s6+$0xFFFFFE00];
	v0 =	vadd.f32 v0, v10  }
0x70: {  	v7 =	vadd.f32 v9, v8;
	v8 =	vadd.f32 v60, v15;
	v60 =	vld [tilespmem:s13+$0x3C0]  }
0x71: {  	v11 =	vld [tilespmem:s6+$0xFFFFFE80];
	v0 =	vmul.f32 v0, v2  }
0x72: {  	v12 =	vld [tilespmem:s6+$0xFFFFFEC0]  }
0x73: {  	vm2 =	vne.s32 v5, $0x0;
	vm1 =	vmand vm1, vm0;
	v10 =	vld [tilespmem:s6+$0xFFFFFF00];
	[tilespmem:s11+$0x10] =	vst v0  }
0x74: {  	v34 =	vmpcnt.ones.xlane vm2;
	v0 =	vmpcnt.ones.xlane vm1;
	v5 =	vld [tilespmem:s6+$0x420]  }
0x75: {  	v35 =	vld [tilespmem:s6+$0x20]  }
0x76: {  	v36 =	vld [tilespmem:s6+$0x60];
	v0 =	vadd.s32 v34, v0  }
0x77: {  	v37 =	vld [tilespmem:s6+$0xA0];
	v0 =	vcvt.s32.f32 v0  }
0x78: {  	v3 =	vadd.f32 v6, v3;
	v6 =	vld [tilespmem:s6+$0xE0]  }
0x79: {  	v15 =	vadd.f32 v30, v29;
	v13 =	vadd.f32 v13, v63;
	v9 =	vld [tilespmem:s6+$0x120];
	v0 =	vmax.f32 v0, $1.000000000e+00  }
0x7a: {  	v11 =	vadd.f32 v12, v11;
	v38 =	vld [tilespmem:s6+$0x160];
	(erf) = vrcp.f32 v0;
	v0 =	vadd.f32 v31, v14  }
0x7b: {  	v1 =	vadd.f32 v1, v3;
	v3 =	vadd.f32 v8, v7;
	v12 =	vld [tilespmem:s6+$0x1A0]  }
0x7c: {  	v8 =	vadd.f32 v15, v13;
	v7 =	vld [tilespmem:s6+$0x1E0];
	v0 =	vadd.f32 v11, v0  }
0x7d: {  	v1 =	vadd.f32 v3, v1;
	v3 =	vadd.f32 v32, v10;
	v10 =	vld [tilespmem:s6+$0x260]  }
0x7e: {  	v13 =	vld [tilespmem:s6+$0x2E0];
	v0 =	vadd.f32 v0, v8  }
0x7f: {  	v4 =	vadd.f32 v4, v33;
	v15 =	vld [tilespmem:s6+$0x3E0]  }
0x80: {  	v39 =	vld [tilespmem:s6+$0x460];
	v0 =	vadd.f32 v0, v1  }
0x81: {  	v40 =	vld [tilespmem:s6+$0x4A0];
	v3 =	vadd.f32 v4, v3  }
0x82: {  	v4 =	vld [tilespmem:s6+$0x360]  }
0x83: {  	v14 =	vld [tilespmem:s6+$0x3A0];
	v3 =	vadd.f32 v3, v0  }
0x84: {  	v8 =	vld [tilespmem:s6+$0x2A0];
	v0 =	vpop (erf)  }
0x85: {  	v1 =	vld [tilespmem:s6+$0x320];
	v3 =	vmul.f32 v3, v0  }
0x86: {  	v11 =	vld [tilespmem:s6+$0x220]  }
0x87: {  	[tilespmem:s11+$0xFFFFFF80] =	vst v3;
	v3 =	vld [tilespmem:s6+$0x4E0]  }
0x88: {  	v42 =	vld [tilespmem:s6+$0xFFFFFB10]  }
0x89: {  	v8 =	vadd.f32 v13, v8;
	v13 =	vld [tilespmem:s6+$0xFFFFFB50]  }
0x8a: {  	v1 =	vadd.f32 v4, v1;
	v4 =	vadd.f32 v15, v14;
	v14 =	vld [tilespmem:s6+$0xFFFFFB90]  }
0x8b: {  	v15 =	vld [tilespmem:s6+$0xFFFFFBD0]  }
0x8c: {  	v1 =	vadd.f32 v4, v1;
	v4 =	vld [tilespmem:s6+$0xFFFFFC10]  }
0x8d: {  	v43 =	vld [tilespmem:s6+$0xFFFFFC50]  }
0x8e: {  	v44 =	vld [tilespmem:s6+$0xFFFFFC90]  }
0x8f: {  	v45 =	vld [tilespmem:s6+$0xFFFFFCD0]  }
0x90: {  	v46 =	vld [tilespmem:s6+$0xFFFFFD90]  }
0x91: {  	v41 =	vadd.f32 v36, v35;
	v47 =	vld [tilespmem:s6+$0xFFFFFDD0]  }
0x92: {  	v6 =	vadd.f32 v6, v37;
	v9 =	vadd.f32 v38, v9;
	v48 =	vld [tilespmem:s6+$0xFFFFFE10]  }
0x93: {  	v7 =	vadd.f32 v7, v12;
	v10 =	vadd.f32 v10, v11;
	v49 =	vld [tilespmem:s6+$0xFFFFFE50]  }
0x94: {  	v6 =	vadd.f32 v6, v41;
	v50 =	vld [tilespmem:s6+$0xFFFFFED0]  }
0x95: {  	v7 =	vadd.f32 v7, v9;
	v8 =	vadd.f32 v8, v10;
	v51 =	vld [tilespmem:s6+$0xFFFFFF10]  }
0x96: {  	v52 =	vld [tilespmem:s6+$0xFFFFFF50]  }
0x97: {  	v6 =	vadd.f32 v7, v6;
	v54 =	vld [tilespmem:s6+$0xFFFFFF90];
	v1 =	vadd.f32 v1, v8  }
0x98: {  	v55 =	vld [tilespmem:s6+$0xFFFFFFD0]  }
0x99: {  	v1 =	vadd.f32 v1, v6;
	v6 =	vld [tilespmem:s6+$0xFFFFFD50]  }
0x9a: {  	v4 =	vadd.f32 v43, v4;
	v43 =	vld [tilespmem:s13+$0x0]  }
0x9b: {  	v5 =	vadd.f32 v39, v5;
	v53 =	vadd.f32 v45, v44;
	v44 =	vld [tilespmem:s13+$0x40]  }
0x9c: {  	v3 =	vadd.f32 v3, v40;
	v13 =	vadd.f32 v13, v42;
	v45 =	vld [tilespmem:s13+$0x80]  }
0x9d: {  	v15 =	vadd.f32 v15, v14;
	v56 =	vadd.f32 v49, v48;
	v48 =	vld [tilespmem:s13+$0x140]  }
0x9e: {  	v3 =	vadd.f32 v3, v5;
	v5 =	vld [tilespmem:s6+$0xFFFFFD10]  }
0x9f: {  	s4 =	sadd.s32 $0x28, s30;
	v49 =	vld [tilespmem:s13+$0x180];
	v13 =	vadd.f32 v15, v13;
	v4 =	vadd.f32 v53, v4  }
0xa0: {  	v53 =	vld [tilespmem:s4+$0xFFFFFFFC];
	v1 =	vadd.f32 v3, v1  }
0xa1: {  	v4 =	vadd.f32 v4, v13;
	v13 =	vadd.f32 v55, v54;
	v54 =	vld [tilespmem:s13+$0x240]  }
0xa2: {  	v55 =	vld [tilespmem:s13+$0x280]  }
0xa3: {  	v1 =	vmul.f32 v1, v2;
	v5 =	vadd.f32 v6, v5;
	v6 =	vadd.f32 v47, v46;
	v46 =	vld [tilespmem:s13+$0xC0]  }
0xa4: {  	v47 =	vld [tilespmem:s13+$0x100]  }
0xa5: {  	[tilespmem:s11+$0x20] =	vst v1;
	v1 =	vld [tilespmem:s6+$0xFFFFFE90]  }
0xa6: {  	vm2 =	vne.s32 v53, $0x0;
	v53 =	vld [tilespmem:s13+$0x340]  }
0xa7: {  	v3 =	vld [tilespmem:s6+$0x430]  }
0xa8: {  	v7 =	vld [tilespmem:s6+$0x30]  }
0xa9: {  	v9 =	vld [tilespmem:s6+$0x70]  }
0xaa: {  	v8 =	vld [tilespmem:s6+$0xB0]  }
0xab: {  	v10 =	vld [tilespmem:s6+$0xF0]  }
0xac: {  	v11 =	vld [tilespmem:s6+$0x130]  }
0xad: {  	v12 =	vld [tilespmem:s6+$0x170]  }
0xae: {  	v14 =	vld [tilespmem:s6+$0x1B0]  }
0xaf: {  	v15 =	vld [tilespmem:s6+$0x1F0]  }
0xb0: {  	v16 =	vld [tilespmem:s6+$0x230]  }
0xb1: {  	v17 =	vld [tilespmem:s6+$0x270]  }
0xb2: {  	v18 =	vld [tilespmem:s6+$0x2B0]  }
0xb3: {  	v19 =	vld [tilespmem:s6+$0x2F0]  }
0xb4: {  	v20 =	vld [tilespmem:s6+$0x330]  }
0xb5: {  	v22 =	vld [tilespmem:s6+$0x370]  }
0xb6: {  	v21 =	vld [tilespmem:s6+$0x3B0]  }
0xb7: {  	v23 =	vld [tilespmem:s6+$0x3F0]  }
0xb8: {  	v5 =	vadd.f32 v6, v5;
	v6 =	vadd.f32 v52, v51;
	v52 =	vld [tilespmem:s4+$0x0]  }
0xb9: {  	v51 =	vld [tilespmem:s13+$0x200]  }
0xba: {  	v43 =	vadd.f32 v44, v43;
	v44 =	vadd.f32 v46, v45;
	v45 =	vld [tilespmem:s13+$0x4C0]  }
0xbb: {  	v46 =	vadd.f32 v48, v47;
	v48 =	vld [tilespmem:s4+$0xFFFFFFEC]  }
0xbc: {  	v1 =	vadd.f32 v50, v1;
	v50 =	vld [tilespmem:s13+$0x1C0]  }
0xbd: {  	vm1 =	vne.s32 v52, $0x0;
	v52 =	vld [tilespmem:s13+$0x300]  }
0xbe: {  	v62 =	vadd.f32 v54, v51;
	v54 =	vld [tilespmem:s4+$0xFFFFFFE8]  }
0xbf: {  	v51 =	vld [tilespmem:s13+$0xFFFFFB80]  }
0xc0: {  	v43 =	vadd.f32 v44, v43;
	v44 =	vld [tilespmem:s13+$0xFFFFFC80];
	v1 =	vadd.f32 v1, v56  }
0xc1: {  	v57 =	vmpcnt.ones.xlane vm2;
	v56 =	vld [tilespmem:s13+$0x2C0];
	vm1 =	vmand vm1, vm0  }
0xc2: {  	v58 =	vmpcnt.ones.xlane vm1;
	v1 =	vadd.f32 v1, v5;
	v5 =	vadd.f32 v13, v6;
	v6 =	vld [tilespmem:s6+$0x470]  }
0xc3: {  	v13 =	vld [tilespmem:s13+$0x400]  }
0xc4: {  	v57 =	vadd.s32 v57, v58;
	v58 =	vld [tilespmem:s13+$0x440]  }
0xc5: {  	v47 =	vadd.f32 v50, v49;
	v49 =	vld [tilespmem:s13+$0xFFFFFB00]  }
0xc6: {  	v50 =	vld [tilespmem:s13+$0xFFFFFC40]  }
0xc7: {  	v1 =	vadd.f32 v1, v4;
	v4 =	vld [tilespmem:s6+$0x4B0]  }
0xc8: {  	v57 =	vcvt.s32.f32 v57;
	v52 =	vadd.f32 v53, v52;
	v53 =	vld [tilespmem:s13+$0xFFFFFD00]  }
0xc9: {  	v63 =	vadd.f32 v56, v55;
	v55 =	vld [tilespmem:s13+$0xFFFFFD40]  }
0xca: {  	v56 =	vadd.f32 v60, v59;
	v1 =	vadd.f32 v5, v1;
	v5 =	vld [tilespmem:s6+$0x4F0];
	v57 =	vmax.f32 v57, $1.000000000e+00  }
0xcb: {  	(erf) = vrcp.f32 v57;
	v57 =	vadd.f32 v47, v46;
	v46 =	vld [tilespmem:s13+$0xFFFFFB40]  }
0xcc: {  	v60 =	vadd.f32 v56, v52;
	v52 =	vld [tilespmem:s13+$0xFFFFFBC0]  }
0xcd: {  	v47 =	vld [tilespmem:s13+$0xFFFFFC00]  }
0xce: {  	v45 =	vadd.f32 v45, v61;
	v56 =	vld [tilespmem:s13+$0xFFFFFD80];
	v1 =	vmul.f32 v1, v0;
	v13 =	vadd.f32 v58, v13  }
0xcf: {  	v43 =	vadd.f32 v57, v43;
	v57 =	vld [tilespmem:s13+$0xFFFFFDC0]  }
0xd0: {  	[tilespmem:s11+$0xFFFFFF90] =	vst v1;
	v13 =	vadd.f32 v45, v13;
	v45 =	vld [tilespmem:s13+$0xFFFFFCC0]  }
0xd1: {  	v1 =	vld [tilespmem:s6+$0xFFFFFB20]  }
0xd2: {  	v24 =	vld [tilespmem:s6+$0xFFFFFB60]  }
0xd3: {  	v25 =	vld [tilespmem:s6+$0xFFFFFBA0]  }
0xd4: {  	v26 =	vld [tilespmem:s6+$0xFFFFFBE0]  }
0xd5: {  	v27 =	vld [tilespmem:s6+$0xFFFFFC20]  }
0xd6: {  	v28 =	vld [tilespmem:s6+$0xFFFFFC60]  }
0xd7: {  	v29 =	vld [tilespmem:s6+$0xFFFFFCA0]  }
0xd8: {  	v30 =	vld [tilespmem:s6+$0xFFFFFCE0]  }
0xd9: {  	v31 =	vld [tilespmem:s6+$0xFFFFFD20]  }
0xda: {  	v32 =	vld [tilespmem:s6+$0xFFFFFD60]  }
0xdb: {  	v59 =	vadd.f32 v63, v62;
	v33 =	vld [tilespmem:s6+$0xFFFFFDA0]  }
0xdc: {  	v34 =	vld [tilespmem:s6+$0xFFFFFDE0]  }
0xdd: {  	v62 =	vadd.f32 v60, v59;
	v35 =	vld [tilespmem:s6+$0xFFFFFE20]  }
0xde: {  	v36 =	vld [tilespmem:s6+$0xFFFFFE60]  }
0xdf: {  	v37 =	vld [tilespmem:s6+$0xFFFFFEA0];
	v43 =	vadd.f32 v62, v43  }
0xe0: {  	v38 =	vld [tilespmem:s6+$0xFFFFFEE0]  }
0xe1: {  	v39 =	vld [tilespmem:s6+$0xFFFFFF20];
	v43 =	vadd.f32 v13, v43  }
0xe2: {  	v40 =	vld [tilespmem:s6+$0xFFFFFF60];
	v13 =	vpop (erf)  }
0xe3: {  	v41 =	vld [tilespmem:s6+$0xFFFFFFA0];
	v1 =	vadd.f32 v24, v1;
	v43 =	vmul.f32 v43, v13  }
0xe4: {  	s15 =	simm.s32 $0x16980;
	v42 =	vld [tilespmem:s6+$0xFFFFFFE0];
	v24 =	vadd.f32 v26, v25;
	v26 =	vadd.f32 v28, v27  }
0xe5: {  	v27 =	vadd.f32 v30, v29;
	v30 =	vadd.f32 v34, v33;
	v33 =	vld [tilespmem:s13+$0xFFFFFE80];
	[tilespmem:s15+$0x0] =	vst v43  }
0xe6: {  	v43 =	vld [tilespmem:s13+$0x410]  }
0xe7: {  	v58 =	vld [tilespmem:s13+$0x10]  }
0xe8: {  	v59 =	vld [tilespmem:s13+$0x50]  }
0xe9: {  	v60 =	vld [tilespmem:s13+$0x90]  }
0xea: {  	v61 =	vld [tilespmem:s13+$0xD0]  }
0xeb: {  	v62 =	vld [tilespmem:s13+$0x110]  }
0xec: {  	v25 =	vld [tilespmem:s13+$0x150]  }
0xed: {  	v28 =	vld [tilespmem:s13+$0x190]  }
0xee: {  	v29 =	vadd.f32 v32, v31;
	v31 =	vld [tilespmem:s13+$0x1D0]  }
0xef: {  	v32 =	vadd.f32 v36, v35;
	v34 =	vld [tilespmem:s13+$0x210]  }
0xf0: {  	v63 =	vadd.f32 v38, v37;
	v36 =	vadd.f32 v27, v26;
	v26 =	vld [tilespmem:s13+$0x250]  }
0xf1: {  	v37 =	vadd.f32 v30, v29;
	v30 =	vld [tilespmem:s13+$0x290]  }
0xf2: {  	v38 =	vadd.f32 v63, v32;
	v32 =	vld [tilespmem:s13+$0x2D0]  }
0xf3: {  	v1 =	vadd.f32 v24, v1;
	v29 =	vld [tilespmem:s13+$0x310]  }
0xf4: {  	v40 =	vadd.f32 v40, v39;
	v41 =	vadd.f32 v42, v41;
	v35 =	vld [tilespmem:s13+$0x350]  }
0xf5: {  	v1 =	vadd.f32 v36, v1;
	v27 =	vadd.f32 v38, v37;
	v42 =	vld [tilespmem:s13+$0x3D0]  }
0xf6: {  	v7 =	vadd.f32 v9, v7;
	v36 =	vld [tilespmem:s13+$0x490]  }
0xf7: {  	v24 =	vadd.f32 v41, v40;
	v63 =	vld [tilespmem:s13+$0x4D0];
	v1 =	vadd.f32 v27, v1  }
0xf8: {  	v8 =	vadd.f32 v10, v8;
	v10 =	vadd.f32 v12, v11;
	v27 =	vld [tilespmem:s13+$0x390]  }
0xf9: {  	v12 =	vadd.f32 v15, v14;
	v1 =	vadd.f32 v24, v1;
	v24 =	vld [tilespmem:s13+$0x450]  }
0xfa: {  	v14 =	vadd.f32 v17, v16;
	v28 =	vadd.f32 v31, v28;
	v31 =	vld [tilespmem:s13+$0xFFFFFE00]  }
0xfb: {  	v59 =	vadd.f32 v59, v58;
	v30 =	vadd.f32 v32, v30;
	v32 =	vld [tilespmem:s13+$0xFFFFFE40]  }
0xfc: {  	v61 =	vadd.f32 v61, v60;
	v26 =	vadd.f32 v26, v34;
	v58 =	vld [tilespmem:s13+$0xFFFFFEC0]  }
0xfd: {  	v25 =	vadd.f32 v25, v62;
	v29 =	vadd.f32 v35, v29;
	v34 =	vld [tilespmem:s13+$0xFFFFFF80]  }
0xfe: {  	v1 =	vmul.f32 v1, v0;
	v27 =	vadd.f32 v42, v27;
	v26 =	vadd.f32 v30, v26;
	v30 =	vld [tilespmem:s13+$0xFFFFFF00]  }
0xff: {  	v42 =	vadd.f32 v61, v59;
	v59 =	vadd.f32 v63, v36;
	v36 =	vld [tilespmem:s13+$0xFFFFFF40]  }
0x100: {  	v25 =	vadd.f32 v28, v25;
	[tilespmem:s11+$0xFFFFFFA0] =	vst v1;
	v1 =	vld [tilespmem:s13+$0xFFFFFFC0];
	v27 =	vadd.f32 v27, v29  }
0x101: {  	v17 =	vadd.f32 v22, v20;
	v24 =	vadd.f32 v24, v43;
	v29 =	vld [tilespmem:s6+$0xFFFFFBF0]  }
0x102: {  	v25 =	vadd.f32 v25, v42;
	v28 =	vld [tilespmem:s6+$0xFFFFFC70];
	v26 =	vadd.f32 v27, v26  }
0x103: {  	v7 =	vadd.f32 v8, v7;
	v10 =	vadd.f32 v12, v10;
	v22 =	vld [tilespmem:s6+$0xFFFFFCF0]  }
0x104: {  	v20 =	vld [tilespmem:s6+$0xFFFFFD70];
	v24 =	vadd.f32 v59, v24;
	v26 =	vadd.f32 v26, v25  }
0x105: {  	v3 =	vadd.f32 v6, v3;
	v4 =	vadd.f32 v5, v4;
	v6 =	vld [tilespmem:s6+$0xFFFFFDF0]  }
0x106: {  	v5 =	vadd.f32 v10, v7;
	v7 =	vld [tilespmem:s6+$0xFFFFFE70];
	v24 =	vadd.f32 v24, v26  }
0x107: {  	v27 =	vld [tilespmem:s6+$0xFFFFFBB0]  }
0x108: {  	v25 =	vld [tilespmem:s6+$0xFFFFFB30];
	v60 =	vmul.f32 v24, v13  }
0x109: {  	v26 =	vld [tilespmem:s6+$0xFFFFFB70]  }
0x10a: {  	v24 =	vld [tilespmem:s6+$0xFFFFFC30];
	[tilespmem:s15+$0x10] =	vst v60  }
0x10b: {  	v37 =	vld [tilespmem:s13+$0x420]  }
0x10c: {  	vm1 =	vne.s32 v48, $0x0;
	v40 =	vld [tilespmem:s13+$0x20]  }
0x10d: {  	vm1 =	vmand vm1, vm0;
	vm2 =	vne.s32 v54, $0x0;
	v41 =	vld [tilespmem:s13+$0x60]  }
0x10e: {  	v62 =	vmpcnt.ones.xlane vm2;
	v61 =	vmpcnt.ones.xlane vm1;
	v39 =	vld [tilespmem:s13+$0xA0]  }
0x10f: {  	v63 =	vadd.f32 v46, v49;
	v46 =	vld [tilespmem:s13+$0xE0]  }
0x110: {  	v44 =	vadd.f32 v45, v44;
	v38 =	vadd.s32 v62, v61;
	v45 =	vld [tilespmem:s13+$0x120]  }
0x111: {  	v55 =	vadd.f32 v55, v53;
	v47 =	vadd.f32 v50, v47;
	v38 =	vcvt.s32.f32 v38;
	v50 =	vld [tilespmem:s13+$0x160]  }
0x112: {  	v54 =	vadd.f32 v52, v51;
	v31 =	vadd.f32 v32, v31;
	v32 =	vld [tilespmem:s13+$0x220]  }
0x113: {  	v56 =	vadd.f32 v57, v56;
	v57 =	vadd.f32 v58, v33;
	v38 =	vmax.f32 v38, $1.000000000e+00;
	v61 =	vld [tilespmem:s13+$0x260]  }
0x114: {  	v58 =	vadd.f32 v54, v63;
	v59 =	vadd.f32 v44, v47;
	(erf) = vrcp.f32 v38;
	v53 =	vld [tilespmem:s13+$0x320]  }
0x115: {  	v31 =	vadd.f32 v57, v31;
	v60 =	vadd.f32 v56, v55;
	v54 =	vld [tilespmem:s13+$0x360]  }
0x116: {  	v30 =	vadd.f32 v36, v30;
	v35 =	vadd.f32 v59, v58;
	v55 =	vld [tilespmem:s13+$0x3A0]  }
0x117: {  	v1 =	vadd.f32 v1, v34;
	v56 =	vld [tilespmem:s13+$0x3E0];
	v31 =	vadd.f32 v31, v60  }
0x118: {  	v33 =	vld [tilespmem:s13+$0x1A0]  }
0x119: {  	v1 =	vadd.f32 v1, v30;
	v42 =	vld [tilespmem:s13+$0x1E0];
	v52 =	vadd.f32 v31, v35  }
0x11a: {  	v62 =	vld [tilespmem:s13+$0x2A0]  }
0x11b: {  	v63 =	vld [tilespmem:s13+$0x2E0];
	v30 =	vadd.f32 v1, v52;
	v32 =	vadd.f32 v61, v32  }
0x11c: {  	v57 =	vld [tilespmem:s13+$0x460];
	v31 =	vadd.f32 v54, v53;
	v61 =	vadd.f32 v56, v55  }
0x11d: {  	v58 =	vld [tilespmem:s13+$0x4A0];
	v1 =	vpop (erf)  }
0x11e: {  	v59 =	vld [tilespmem:s13+$0x4E0];
	v30 =	vmul.f32 v30, v1;
	v31 =	vadd.f32 v61, v31;
	v61 =	vadd.f32 v23, v21  }
0x11f: {  	v23 =	vld [tilespmem:s6+$0xFFFFFDB0]  }
0x120: {  	[tilespmem:s15+$0xFFFFFF80] =	vst v30;
	v17 =	vadd.f32 v61, v17;
	v61 =	vld [tilespmem:s6+$0xFFFFFE30]  }
0x121: {  	v33 =	vadd.f32 v42, v33;
	v42 =	vld [tilespmem:s13+$0xFFFFFB10]  }
0x122: {  	v40 =	vadd.f32 v41, v40;
	v39 =	vadd.f32 v46, v39;
	v36 =	vld [tilespmem:s13+$0xFFFFFB50]  }
0x123: {  	v34 =	vadd.f32 v63, v62;
	v38 =	vld [tilespmem:s13+$0xFFFFFB90]  }
0x124: {  	v60 =	vadd.f32 v50, v45;
	v39 =	vadd.f32 v39, v40;
	v40 =	vld [tilespmem:s13+$0xFFFFFBD0]  }
0x125: {  	v32 =	vadd.f32 v34, v32;
	v34 =	vld [tilespmem:s13+$0xFFFFFC10]  }
0x126: {  	v62 =	vadd.f32 v57, v37;
	v33 =	vadd.f32 v33, v60;
	v37 =	vld [tilespmem:s13+$0xFFFFFC50]  }
0x127: {  	v31 =	vadd.f32 v31, v32;
	v32 =	vld [tilespmem:s13+$0xFFFFFC90]  }
0x128: {  	v33 =	vadd.f32 v33, v39;
	v39 =	vld [tilespmem:s13+$0xFFFFFCD0]  }
0x129: {  	v35 =	vld [tilespmem:s13+$0xFFFFFD50]  }
0x12a: {  	v41 =	vld [tilespmem:s13+$0xFFFFFDD0]  }
0x12b: {  	v43 =	vld [tilespmem:s13+$0xFFFFFE10]  }
0x12c: {  	v44 =	vld [tilespmem:s13+$0xFFFFFE50]  }
0x12d: {  	v63 =	vadd.f32 v19, v18;
	v18 =	vld [tilespmem:s13+$0xFFFFFE90]  }
0x12e: {  	v30 =	vadd.f32 v59, v58;
	v8 =	vld [tilespmem:s13+$0xFFFFFED0]  }
0x12f: {  	v12 =	vadd.f32 v63, v14;
	v14 =	vld [tilespmem:s13+$0xFFFFFF10]  }
0x130: {  	v30 =	vadd.f32 v30, v62;
	v31 =	vadd.f32 v31, v33;
	v33 =	vld [tilespmem:s13+$0xFFFFFD10]  }
0x131: {  	v10 =	vadd.f32 v17, v12;
	v12 =	vld [tilespmem:s6+$0xFFFFFEB0]  }
0x132: {  	v30 =	vadd.f32 v30, v31;
	v31 =	vld [tilespmem:s13+$0xFFFFFD90]  }
0x133: {  	v62 =	vadd.f32 v36, v42;
	v36 =	vld [tilespmem:s13+$0xFFFFFF50]  }
0x134: {  	v63 =	vadd.f32 v40, v38;
	v38 =	vadd.f32 v39, v32;
	v39 =	vld [tilespmem:s13+$0xFFFFFF90]  }
0x135: {  	v30 =	vmul.f32 v30, v13;
	v40 =	vld [tilespmem:s13+$0xFFFFFFD0]  }
0x136: {  	v8 =	vadd.f32 v8, v18;
	v18 =	vld [tilespmem:s6+$0xFFFFFCB0]  }
0x137: {  	[tilespmem:s15+$0x20] =	vst v30;
	v16 =	vadd.f32 v63, v62;
	v63 =	vld [tilespmem:s6+$0xFFFFFEF0]  }
0x138: {  	v30 =	vld [tilespmem:s13+$0x430]  }
0x139: {  	v45 =	vld [tilespmem:s13+$0x30]  }
0x13a: {  	v46 =	vld [tilespmem:s13+$0x70]  }
0x13b: {  	v47 =	vld [tilespmem:s13+$0xB0]  }
0x13c: {  	v48 =	vld [tilespmem:s13+$0xF0]  }
0x13d: {  	v49 =	vld [tilespmem:s13+$0x130]  }
0x13e: {  	v50 =	vld [tilespmem:s13+$0x170]  }
0x13f: {  	v51 =	vld [tilespmem:s13+$0x1B0]  }
0x140: {  	v52 =	vld [tilespmem:s13+$0x1F0]  }
0x141: {  	v37 =	vadd.f32 v37, v34;
	v33 =	vadd.f32 v35, v33;
	v53 =	vld [tilespmem:s13+$0x230]  }
0x142: {  	v54 =	vld [tilespmem:s13+$0x270];
	v31 =	vadd.f32 v41, v31;
	v41 =	vadd.f32 v44, v43  }
0x143: {  	v42 =	vadd.f32 v38, v37;
	v55 =	vld [tilespmem:s13+$0x2B0]  }
0x144: {  	v56 =	vld [tilespmem:s13+$0x2F0];
	v43 =	vadd.f32 v31, v33;
	v8 =	vadd.f32 v8, v41  }
0x145: {  	v57 =	vld [tilespmem:s13+$0x330];
	v16 =	vadd.f32 v42, v16;
	v14 =	vadd.f32 v36, v14  }
0x146: {  	v58 =	vld [tilespmem:s13+$0x370];
	v44 =	vadd.f32 v40, v39;
	v8 =	vadd.f32 v8, v43  }
0x147: {  	v59 =	vld [tilespmem:s13+$0x3B0]  }
0x148: {  	v60 =	vld [tilespmem:s13+$0x3F0];
	v14 =	vadd.f32 v44, v14;
	v8 =	vadd.f32 v8, v16  }
0x149: {  	v9 =	vld [tilespmem:s13+$0x470]  }
0x14a: {  	v11 =	vld [tilespmem:s13+$0x4B0];
	v8 =	vadd.f32 v14, v8  }
0x14b: {  	v4 =	vadd.f32 v4, v3;
	v15 =	vld [tilespmem:s13+$0x4F0]  }
0x14c: {  	v6 =	vadd.f32 v6, v23;
	v5 =	vadd.f32 v10, v5;
	v31 =	vld [tilespmem:s6+$0xFFFFFD30];
	v3 =	vmul.f32 v8, v1  }
0x14d: {  	v10 =	vadd.f32 v28, v24;
	v7 =	vadd.f32 v7, v61;
	v36 =	vld [tilespmem:s6+$0xFFFFFF70]  }
0x14e: {  	v62 =	vadd.f32 v29, v27;
	v12 =	vadd.f32 v63, v12;
	v8 =	vld [tilespmem:s6+$0xFFFFFF30];
	[tilespmem:s15+$0xFFFFFF90] =	vst v3  }
0x14f: {  	v37 =	vadd.f32 v46, v45;
	v38 =	vadd.f32 v48, v47;
	v41 =	vld [tilespmem:s13+$0xFFFFFB20]  }
0x150: {  	v39 =	vadd.f32 v50, v49;
	v40 =	vadd.f32 v52, v51;
	v44 =	vld [tilespmem:s13+$0xFFFFFB60]  }
0x151: {  	v42 =	vadd.f32 v54, v53;
	v43 =	vadd.f32 v56, v55;
	v47 =	vld [tilespmem:s13+$0xFFFFFBA0]  }
0x152: {  	v45 =	vadd.f32 v58, v57;
	v46 =	vadd.f32 v60, v59;
	v49 =	vld [tilespmem:s13+$0xFFFFFBE0]  }
0x153: {  	v9 =	vadd.f32 v9, v30;
	v11 =	vadd.f32 v15, v11;
	v52 =	vld [tilespmem:s13+$0xFFFFFC20]  }
0x154: {  	v7 =	vadd.f32 v12, v7;
	v21 =	vadd.f32 v38, v37;
	v15 =	vld [tilespmem:s13+$0xFFFFFC60]  }
0x155: {  	v48 =	vadd.f32 v40, v39;
	v50 =	vadd.f32 v43, v42;
	v54 =	vld [tilespmem:s13+$0xFFFFFCA0]  }
0x156: {  	v51 =	vadd.f32 v46, v45;
	v9 =	vadd.f32 v11, v9;
	v55 =	vld [tilespmem:s13+$0xFFFFFCE0]  }
0x157: {  	v11 =	vadd.f32 v22, v18;
	v20 =	vadd.f32 v20, v31;
	v56 =	vld [tilespmem:s13+$0xFFFFFD20]  }
0x158: {  	v14 =	vadd.f32 v26, v25;
	v21 =	vadd.f32 v48, v21;
	v57 =	vld [tilespmem:s13+$0xFFFFFD60]  }
0x159: {  	v53 =	vadd.f32 v51, v50;
	v10 =	vadd.f32 v11, v10;
	v11 =	vld [tilespmem:s13+$0xFFFFFDA0]  }
0x15a: {  	v6 =	vadd.f32 v6, v20;
	v14 =	vadd.f32 v62, v14;
	v12 =	vld [tilespmem:s13+$0xFFFFFDE0]  }
0x15b: {  	v59 =	vadd.f32 v4, v5;
	v58 =	vadd.f32 v53, v21;
	v60 =	vld [tilespmem:s13+$0xFFFFFE20]  }
0x15c: {  	v6 =	vadd.f32 v7, v6;
	v5 =	vadd.f32 v10, v14;
	v10 =	vld [tilespmem:s13+$0xFFFFFE60]  }
0x15d: {  	v9 =	vadd.f32 v9, v58;
	v62 =	vld [tilespmem:s13+$0xFFFFFEA0]  }
0x15e: {  	v63 =	vld [tilespmem:s13+$0xFFFFFEE0];
	v5 =	vadd.f32 v6, v5;
	v4 =	vadd.f32 v36, v8  }
0x15f: {  	v3 =	vld [tilespmem:s6+$0xFFFFFFB0];
	v14 =	vadd.f32 v44, v41;
	v61 =	vadd.f32 v49, v47  }
0x160: {  	v7 =	vld [tilespmem:s13+$0xFFFFFF20];
	v15 =	vadd.f32 v15, v52;
	v18 =	vadd.f32 v55, v54  }
0x161: {  	v8 =	vld [tilespmem:s13+$0xFFFFFF60];
	v13 =	vmul.f32 v9, v13;
	v11 =	vadd.f32 v12, v11;
	v6 =	vadd.f32 v61, v14  }
0x162: {  	s7 =	smul.u32 $0x1400, s0;
	v2 =	vmul.f32 v59, v2;
	v9 =	vld [tilespmem:s13+$0xFFFFFFA0];
	v14 =	vadd.f32 v18, v15;
	v15 =	vadd.f32 v57, v56  }
0x163: {  	[tilespmem:s15+$0x30] =	vst v13;
	v12 =	vadd.f32 v10, v60;
	v10 =	vld [tilespmem:s13+$0xFFFFFFE0];
	v13 =	vadd.f32 v63, v62  }
0x164: {  	s28 =	simm.s32 $0x2;
	s29 =	simm.s32 $0x4100;
	s7 =	sshra.s32 s7, $0x2;
	[tilespmem:s11+$0x30] =	vst v2;
	v2 =	vadd.f32 v14, v6;
	v11 =	vadd.f32 v11, v15;
	v6 =	vld [tilespmem:s6+$0xFFFFFFF0]  }
.LBB2_3:
0x165: {  	v14 =	vld [tilespmem:s29+$0x400]  }
0x166: {  	v15 =	vld [tilespmem:s29+$0x0];
	v7 =	vadd.f32 v8, v7;
	v8 =	vadd.f32 v13, v12  }
0x167: {  	v12 =	vld [tilespmem:s29+$0x40]  }
0x168: {  	v13 =	vld [tilespmem:s29+$0x80];
	v9 =	vadd.f32 v10, v9;
	v8 =	vadd.f32 v8, v11  }
0x169: {  	v10 =	vld [tilespmem:s29+$0xC0];
	v3 =	vadd.f32 v6, v3  }
0x16a: {  	v6 =	vld [tilespmem:s29+$0x100];
	v7 =	vadd.f32 v9, v7;
	v2 =	vadd.f32 v8, v2  }
0x16b: {  	v8 =	vld [tilespmem:s29+$0x140];
	v3 =	vadd.f32 v3, v4  }
0x16c: {  	v4 =	vld [tilespmem:s29+$0x180];
	v2 =	vadd.f32 v7, v2  }
0x16d: {  	v7 =	vld [tilespmem:s29+$0x1C0];
	v3 =	vadd.f32 v3, v5  }
0x16e: {  	s4 =	sadd.s32 $0x28, s4;
	v5 =	vld [tilespmem:s29+$0x200];
	v2 =	vmul.f32 v2, v1  }
0x16f: {  	v9 =	vld [tilespmem:s4+$0x0];
	v3 =	vmul.f32 v3, v0;
	v0 =	vmov v1  }
0x170: {  	v1 =	vld [tilespmem:s4+$0xFFFFFFFC];
	[tilespmem:s15+$0xFFFFFFA0] =	vst v2  }
0x171: {  	v2 =	vld [tilespmem:s29+$0x240];
	[tilespmem:s11+$0xFFFFFFB0] =	vst v3;
	s11 =	smov.u32 s15  }
0x172: {  	v3 =	vld [tilespmem:s29+$0x280]  }
0x173: {  	v11 =	vld [tilespmem:s29+$0x2C0]  }
0x174: {  	vm1 =	vne.s32 v9, $0x0;
	v9 =	vld [tilespmem:s29+$0x300]  }
0x175: {  	vm2 =	vne.s32 v1, $0x0;
	vm1 =	vmand vm1, vm0;
	v1 =	vld [tilespmem:s29+$0x340]  }
0x176: {  	v16 =	vmpcnt.ones.xlane vm2;
	v17 =	vmpcnt.ones.xlane vm1;
	v18 =	vld [tilespmem:s29+$0x380]  }
0x177: {  	v19 =	vld [tilespmem:s29+$0x3C0]  }
0x178: {  	v16 =	vadd.s32 v16, v17;
	v17 =	vld [tilespmem:s29+$0x440]  }
0x179: {  	v12 =	vadd.f32 v12, v15;
	v10 =	vadd.f32 v10, v13;
	v16 =	vcvt.s32.f32 v16;
	v20 =	vld [tilespmem:s29+$0x480]  }
0x17a: {  	v6 =	vadd.f32 v8, v6;
	v4 =	vadd.f32 v7, v4;
	v13 =	vld [tilespmem:s29+$0x4C0]  }
0x17b: {  	v2 =	vadd.f32 v2, v5;
	v3 =	vadd.f32 v11, v3;
	v7 =	vld [tilespmem:s4+$0xFFFFFFEC];
	v8 =	vmax.f32 v16, $1.000000000e+00  }
0x17c: {  	v1 =	vadd.f32 v1, v9;
	v5 =	vld [tilespmem:s4+$0xFFFFFFE8];
	v9 =	vadd.f32 v19, v18;
	(erf) = vrcp.f32 v8  }
0x17d: {  	v10 =	vadd.f32 v10, v12;
	v4 =	vadd.f32 v4, v6;
	v8 =	vld [tilespmem:s29+$0xFFFFFB00]  }
0x17e: {  	v2 =	vadd.f32 v3, v2;
	v6 =	vld [tilespmem:s29+$0xFFFFFB40];
	v1 =	vadd.f32 v9, v1  }
0x17f: {  	v9 =	vadd.f32 v17, v14;
	v3 =	vld [tilespmem:s29+$0xFFFFFB80];
	v11 =	vadd.f32 v13, v20  }
0x180: {  	v4 =	vadd.f32 v4, v10;
	vm1 =	vne.s32 v7, $0x0;
	v7 =	vld [tilespmem:s29+$0xFFFFFBC0];
	v1 =	vadd.f32 v1, v2  }
0x181: {  	vm2 =	vne.s32 v5, $0x0;
	vm1 =	vmand vm1, vm0;
	v5 =	vld [tilespmem:s29+$0xFFFFFC00]  }
0x182: {  	v9 =	vadd.f32 v11, v9;
	v12 =	vmpcnt.ones.xlane vm1;
	v10 =	vld [tilespmem:s29+$0xFFFFFC40];
	v1 =	vadd.f32 v1, v4  }
0x183: {  	v4 =	vmpcnt.ones.xlane vm2;
	v11 =	vld [tilespmem:s29+$0xFFFFFC80];
	v6 =	vadd.f32 v6, v8  }
0x184: {  	v8 =	vld [tilespmem:s29+$0xFFFFFCC0];
	v1 =	vadd.f32 v9, v1  }
0x185: {  	v4 =	vadd.s32 v4, v12;
	v9 =	vld [tilespmem:s29+$0xFFFFFD00];
	v3 =	vadd.f32 v7, v3;
	v2 =	vpop (erf)  }
0x186: {  	v4 =	vcvt.s32.f32 v4;
	v7 =	vld [tilespmem:s29+$0xFFFFFD40];
	v1 =	vmul.f32 v1, v2  }
0x187: {  	s15 =	sadd.s32 $0x100, s15;
	v12 =	vld [tilespmem:s29+$0xFFFFFD80];
	v5 =	vadd.f32 v10, v5;
	v3 =	vadd.f32 v3, v6  }
0x188: {  	v4 =	vmax.f32 v4, $1.000000000e+00;
	v6 =	vld [tilespmem:s29+$0xFFFFFDC0];
	[tilespmem:s15+$0x0] =	vst v1  }
0x189: {  	v1 =	vadd.f32 v8, v11;
	v8 =	vld [tilespmem:s29+$0x410];
	(erf) = vrcp.f32 v4  }
0x18a: {  	v4 =	vld [tilespmem:s29+$0x10]  }
0x18b: {  	v7 =	vadd.f32 v7, v9;
	v1 =	vadd.f32 v1, v5;
	v5 =	vld [tilespmem:s29+$0x50]  }
0x18c: {  	v9 =	vld [tilespmem:s29+$0x90]  }
0x18d: {  	v6 =	vadd.f32 v6, v12;
	v3 =	vadd.f32 v1, v3;
	v10 =	vld [tilespmem:s29+$0xD0]  }
0x18e: {  	v11 =	vld [tilespmem:s29+$0x110]  }
0x18f: {  	v6 =	vadd.f32 v6, v7;
	v7 =	vld [tilespmem:s29+$0x150]  }
0x190: {  	v12 =	vld [tilespmem:s29+$0x190]  }
0x191: {  	v13 =	vld [tilespmem:s29+$0x1D0]  }
0x192: {  	v14 =	vld [tilespmem:s29+$0x210];
	v1 =	vpop (erf)  }
0x193: {  	v15 =	vld [tilespmem:s29+$0x250]  }
0x194: {  	v16 =	vld [tilespmem:s29+$0x290]  }
0x195: {  	v17 =	vld [tilespmem:s29+$0x2D0]  }
0x196: {  	v18 =	vld [tilespmem:s29+$0x310]  }
0x197: {  	v19 =	vld [tilespmem:s29+$0x350]  }
0x198: {  	v20 =	vld [tilespmem:s29+$0x390]  }
0x199: {  	v21 =	vld [tilespmem:s29+$0x3D0]  }
0x19a: {  	v22 =	vld [tilespmem:s29+$0x450]  }
0x19b: {  	v4 =	vadd.f32 v5, v4;
	v5 =	vadd.f32 v10, v9;
	v23 =	vld [tilespmem:s29+$0x490]  }
0x19c: {  	v7 =	vadd.f32 v7, v11;
	v10 =	vadd.f32 v13, v12;
	v9 =	vld [tilespmem:s29+$0x4D0]  }
0x19d: {  	v12 =	vadd.f32 v15, v14;
	v13 =	vadd.f32 v17, v16;
	v11 =	vld [tilespmem:s29+$0xFFFFFE00]  }
0x19e: {  	v15 =	vadd.f32 v19, v18;
	v14 =	vld [tilespmem:s29+$0xFFFFFE40];
	v16 =	vadd.f32 v21, v20  }
0x19f: {  	s28 =	sadd.s32 $0x2, s28;
	v4 =	vadd.f32 v5, v4;
	v5 =	vadd.f32 v10, v7;
	v17 =	vld [tilespmem:s29+$0xFFFFFE80]  }
0x1a0: {  	p1 =	slt.u32 s28, $0x1E;
	v10 =	vadd.f32 v13, v12;
	v7 =	vld [tilespmem:s29+$0xFFFFFEC0];
	v12 =	vadd.f32 v16, v15  }
0x1a1: {  	v8 =	vadd.f32 v22, v8;
	v13 =	vld [tilespmem:s29+$0xFFFFFF00];
	v9 =	vadd.f32 v9, v23  }
0x1a2: {  	v4 =	vadd.f32 v5, v4;
	v15 =	vld [tilespmem:s29+$0xFFFFFF40];
	v5 =	vadd.f32 v12, v10  }
0x1a3: {  	v10 =	vld [tilespmem:s29+$0xFFFFFF80];
	v11 =	vadd.f32 v14, v11  }
0x1a4: {  	v8 =	vadd.f32 v9, v8;
	v12 =	vld [tilespmem:s29+$0xFFFFFFC0];
	v4 =	vadd.f32 v5, v4  }
0x1a5: {  	v5 =	vadd.f32 v7, v17;
	v7 =	vld [tilespmem:s13+$0xFFFFFB30]  }
0x1a6: {  	v4 =	vadd.f32 v8, v4;
	v8 =	vld [tilespmem:s13+$0xFFFFFB70]  }
0x1a7: {  	v9 =	vadd.f32 v15, v13;
	v5 =	vadd.f32 v5, v11;
	v11 =	vld [tilespmem:s13+$0xFFFFFBB0]  }
0x1a8: {  	v4 =	vmul.f32 v4, v2;
	v13 =	vld [tilespmem:s13+$0xFFFFFBF0]  }
0x1a9: {  	v10 =	vadd.f32 v12, v10;
	v5 =	vadd.f32 v5, v6;
	v6 =	vld [tilespmem:s13+$0xFFFFFC30]  }
0x1aa: {  	[tilespmem:s15+$0x10] =	vst v4;
	v4 =	vld [tilespmem:s13+$0xFFFFFC70]  }
0x1ab: {  	v9 =	vadd.f32 v10, v9;
	v3 =	vadd.f32 v5, v3;
	v5 =	vld [tilespmem:s29+$0x420]  }
0x1ac: {  	v7 =	vadd.f32 v8, v7;
	v10 =	vld [tilespmem:s29+$0x20]  }
0x1ad: {  	v3 =	vadd.f32 v9, v3;
	v8 =	vld [tilespmem:s29+$0x60];
	v9 =	vadd.f32 v13, v11  }
0x1ae: {  	v11 =	vld [tilespmem:s29+$0xA0]  }
0x1af: {  	v12 =	vmul.f32 v3, v1;
	v13 =	vld [tilespmem:s29+$0xE0];
	v4 =	vadd.f32 v4, v6;
	v3 =	vadd.f32 v9, v7  }
0x1b0: {  	v6 =	vld [tilespmem:s29+$0x120]  }
0x1b1: {  	[tilespmem:s15+$0xFFFFFF80] =	vst v12;
	v7 =	vld [tilespmem:s29+$0x160]  }
0x1b2: {  	v9 =	vld [tilespmem:s29+$0x1A0]  }
0x1b3: {  	v12 =	vld [tilespmem:s29+$0x1E0]  }
0x1b4: {  	v14 =	vld [tilespmem:s29+$0x220]  }
0x1b5: {  	v15 =	vld [tilespmem:s29+$0x260]  }
0x1b6: {  	v16 =	vld [tilespmem:s29+$0x2A0]  }
0x1b7: {  	v17 =	vld [tilespmem:s29+$0x2E0]  }
0x1b8: {  	v18 =	vld [tilespmem:s29+$0x320]  }
0x1b9: {  	v19 =	vld [tilespmem:s29+$0x360]  }
0x1ba: {  	v20 =	vld [tilespmem:s29+$0x3A0]  }
0x1bb: {  	v21 =	vld [tilespmem:s29+$0x3E0]  }
0x1bc: {  	v22 =	vld [tilespmem:s29+$0x460]  }
0x1bd: {  	v8 =	vadd.f32 v8, v10;
	v10 =	vadd.f32 v13, v11;
	v23 =	vld [tilespmem:s29+$0x4A0]  }
0x1be: {  	v6 =	vadd.f32 v7, v6;
	v7 =	vadd.f32 v12, v9;
	v11 =	vld [tilespmem:s29+$0x4E0]  }
0x1bf: {  	v12 =	vadd.f32 v15, v14;
	v13 =	vadd.f32 v17, v16;
	v9 =	vld [tilespmem:s29+$0xFFFFFB10]  }
0x1c0: {  	v15 =	vadd.f32 v19, v18;
	v14 =	vld [tilespmem:s29+$0xFFFFFB50];
	v16 =	vadd.f32 v21, v20  }
0x1c1: {  	v8 =	vadd.f32 v10, v8;
	v6 =	vadd.f32 v7, v6;
	v17 =	vld [tilespmem:s29+$0xFFFFFB90]  }
0x1c2: {  	v10 =	vadd.f32 v13, v12;
	v7 =	vld [tilespmem:s29+$0xFFFFFBD0];
	v12 =	vadd.f32 v16, v15  }
0x1c3: {  	v5 =	vadd.f32 v22, v5;
	v13 =	vld [tilespmem:s29+$0xFFFFFC10];
	v11 =	vadd.f32 v11, v23  }
0x1c4: {  	v6 =	vadd.f32 v6, v8;
	v15 =	vld [tilespmem:s29+$0xFFFFFC50];
	v8 =	vadd.f32 v12, v10  }
0x1c5: {  	v10 =	vld [tilespmem:s29+$0xFFFFFC90];
	v9 =	vadd.f32 v14, v9  }
0x1c6: {  	v5 =	vadd.f32 v11, v5;
	v12 =	vld [tilespmem:s29+$0xFFFFFCD0];
	v6 =	vadd.f32 v8, v6  }
0x1c7: {  	v8 =	vld [tilespmem:s29+$0xFFFFFD10];
	v7 =	vadd.f32 v7, v17  }
0x1c8: {  	v11 =	vld [tilespmem:s29+$0xFFFFFD50];
	v5 =	vadd.f32 v5, v6  }
0x1c9: {  	v6 =	vld [tilespmem:s29+$0xFFFFFD90];
	v13 =	vadd.f32 v15, v13;
	v7 =	vadd.f32 v7, v9  }
0x1ca: {  	v9 =	vld [tilespmem:s29+$0xFFFFFDD0];
	v5 =	vmul.f32 v5, v2  }
0x1cb: {  	v14 =	vld [tilespmem:s29+$0xFFFFFE10];
	v10 =	vadd.f32 v12, v10  }
0x1cc: {  	v12 =	vld [tilespmem:s29+$0xFFFFFE50];
	[tilespmem:s15+$0x20] =	vst v5  }
0x1cd: {  	v5 =	vadd.f32 v11, v8;
	v8 =	vadd.f32 v10, v13;
	v10 =	vld [tilespmem:s29+$0x430]  }
0x1ce: {  	v11 =	vld [tilespmem:s29+$0x30]  }
0x1cf: {  	v6 =	vadd.f32 v9, v6;
	v7 =	vadd.f32 v8, v7;
	v8 =	vld [tilespmem:s29+$0x70]  }
0x1d0: {  	v9 =	vld [tilespmem:s29+$0xB0]  }
0x1d1: {  	v12 =	vadd.f32 v12, v14;
	v5 =	vadd.f32 v6, v5;
	v6 =	vld [tilespmem:s29+$0xF0]  }
0x1d2: {  	v13 =	vld [tilespmem:s29+$0x130]  }
0x1d3: {  	v14 =	vld [tilespmem:s29+$0x170]  }
0x1d4: {  	v15 =	vld [tilespmem:s29+$0x1B0]  }
0x1d5: {  	v16 =	vld [tilespmem:s29+$0x1F0]  }
0x1d6: {  	v17 =	vld [tilespmem:s29+$0x230]  }
0x1d7: {  	v18 =	vld [tilespmem:s29+$0x270]  }
0x1d8: {  	v19 =	vld [tilespmem:s29+$0x2B0]  }
0x1d9: {  	v20 =	vld [tilespmem:s29+$0x2F0]  }
0x1da: {  	v21 =	vld [tilespmem:s29+$0x330]  }
0x1db: {  	v22 =	vld [tilespmem:s29+$0x370]  }
0x1dc: {  	v23 =	vld [tilespmem:s29+$0x3B0]  }
0x1dd: {  	v24 =	vld [tilespmem:s29+$0x3F0]  }
0x1de: {  	v25 =	vld [tilespmem:s29+$0x470]  }
0x1df: {  	v8 =	vadd.f32 v8, v11;
	v6 =	vadd.f32 v6, v9;
	v26 =	vld [tilespmem:s29+$0x4B0]  }
0x1e0: {  	v11 =	vadd.f32 v14, v13;
	v13 =	vadd.f32 v16, v15;
	v9 =	vld [tilespmem:s29+$0x4F0]  }
0x1e1: {  	v15 =	vadd.f32 v18, v17;
	v16 =	vadd.f32 v20, v19;
	v14 =	vld [tilespmem:s29+$0xFFFFFE90]  }
0x1e2: {  	v18 =	vadd.f32 v22, v21;
	v17 =	vld [tilespmem:s29+$0xFFFFFED0];
	v19 =	vadd.f32 v24, v23  }
0x1e3: {  	v6 =	vadd.f32 v6, v8;
	v8 =	vadd.f32 v13, v11;
	v20 =	vld [tilespmem:s29+$0xFFFFFF10]  }
0x1e4: {  	v13 =	vadd.f32 v16, v15;
	v11 =	vld [tilespmem:s29+$0xFFFFFF50];
	v15 =	vadd.f32 v19, v18  }
0x1e5: {  	v10 =	vadd.f32 v25, v10;
	v16 =	vld [tilespmem:s29+$0xFFFFFF90];
	v9 =	vadd.f32 v9, v26  }
0x1e6: {  	v6 =	vadd.f32 v8, v6;
	v18 =	vld [tilespmem:s29+$0xFFFFFFD0];
	v8 =	vadd.f32 v15, v13  }
0x1e7: {  	v13 =	vadd.f32 v17, v14;
	v14 =	vld [tilespmem:s13+$0xFFFFFCB0]  }
0x1e8: {  	v9 =	vadd.f32 v9, v10;
	v6 =	vadd.f32 v8, v6;
	v8 =	vld [tilespmem:s13+$0xFFFFFCF0]  }
0x1e9: {  	v10 =	vadd.f32 v11, v20;
	v11 =	vadd.f32 v13, v12;
	v12 =	vld [tilespmem:s13+$0xFFFFFD30]  }
0x1ea: {  	v6 =	vadd.f32 v9, v6;
	v9 =	vld [tilespmem:s13+$0xFFFFFD70]  }
0x1eb: {  	v13 =	vadd.f32 v18, v16;
	v5 =	vadd.f32 v11, v5;
	v11 =	vld [tilespmem:s13+$0xFFFFFDB0]  }
0x1ec: {  	v2 =	vmul.f32 v6, v2;
	v6 =	vld [tilespmem:s13+$0xFFFFFDF0]  }
0x1ed: {  	v10 =	vadd.f32 v13, v10;
	v5 =	vadd.f32 v5, v7;
	v7 =	vld [tilespmem:s13+$0xFFFFFE30]  }
0x1ee: {  	v8 =	vadd.f32 v8, v14;
	[tilespmem:s15+$0x30] =	vst v2;
	v2 =	vld [tilespmem:s13+$0xFFFFFE70]  }
0x1ef: {  	v5 =	vadd.f32 v10, v5;
	v10 =	vld [tilespmem:s13+$0xFFFFFEB0];
	v9 =	vadd.f32 v9, v12  }
0x1f0: {  	v4 =	vadd.f32 v8, v4;
	v12 =	vld [tilespmem:s13+$0xFFFFFEF0]  }
0x1f1: {  	v5 =	vmul.f32 v5, v1;
	v8 =	vld [tilespmem:s13+$0xFFFFFF30];
	v6 =	vadd.f32 v6, v11  }
0x1f2: {  	v13 =	vadd.f32 v4, v3;
	v11 =	vld [tilespmem:s13+$0xFFFFFF70]  }
0x1f3: {  	[tilespmem:s15+$0xFFFFFF90] =	vst v5;
	v3 =	vld [tilespmem:s13+$0xFFFFFFB0];
	v2 =	vadd.f32 v2, v7;
	v5 =	vadd.f32 v6, v9  }
0x1f4: {  	v6 =	vld [tilespmem:s29+$0xFFFFFB20]  }
0x1f5: {  	v7 =	vld [tilespmem:s29+$0xFFFFFB60];
	v9 =	vadd.f32 v12, v10  }
0x1f6: {  	v10 =	vld [tilespmem:s29+$0xFFFFFBA0]  }
0x1f7: {  	v12 =	vld [tilespmem:s29+$0xFFFFFBE0];
	v4 =	vadd.f32 v11, v8;
	v2 =	vadd.f32 v9, v2  }
0x1f8: {  	v8 =	vld [tilespmem:s29+$0xFFFFFC20]  }
0x1f9: {  	v9 =	vld [tilespmem:s29+$0xFFFFFC60];
	v2 =	vadd.f32 v2, v5  }
0x1fa: {  	v11 =	vld [tilespmem:s29+$0xFFFFFCA0];
	v6 =	vadd.f32 v7, v6  }
0x1fb: {  	v7 =	vld [tilespmem:s29+$0xFFFFFCE0];
	v5 =	vadd.f32 v2, v13  }
0x1fc: {  	v2 =	vld [tilespmem:s29+$0xFFFFFD20];
	v10 =	vadd.f32 v12, v10  }
0x1fd: {  	v12 =	vld [tilespmem:s29+$0xFFFFFD60]  }
0x1fe: {  	v13 =	vld [tilespmem:s29+$0xFFFFFDA0];
	v8 =	vadd.f32 v9, v8;
	v6 =	vadd.f32 v10, v6  }
0x1ff: {  	v9 =	vld [tilespmem:s29+$0xFFFFFDE0]  }
0x200: {  	v10 =	vld [tilespmem:s29+$0xFFFFFE20];
	v7 =	vadd.f32 v7, v11  }
0x201: {  	v11 =	vld [tilespmem:s29+$0xFFFFFE60]  }
0x202: {  	v14 =	vld [tilespmem:s29+$0xFFFFFEA0];
	v15 =	vadd.f32 v12, v2;
	v2 =	vadd.f32 v7, v8  }
0x203: {  	v16 =	vld [tilespmem:s29+$0xFFFFFEE0]  }
.Ltmp0:
0x204: {  	v7 =	vld [tilespmem:s29+$0xFFFFFF20];
	v13 =	vadd.f32 v9, v13;
	v2 =	vadd.f32 v2, v6;
	(pc) =	sbr.rel @p1 .LBB2_3-.Ltmp0, $4  }
0x205: {  	v8 =	vld [tilespmem:s29+$0xFFFFFF60]  }
0x206: {  	v9 =	vld [tilespmem:s29+$0xFFFFFFA0];
	v12 =	vadd.f32 v11, v10;
	v11 =	vadd.f32 v13, v15  }
0x207: {  	v10 =	vld [tilespmem:s29+$0xFFFFFFE0]  }
0x208: {  	v13 =	vadd.f32 v16, v14;
	v6 =	vld [tilespmem:s13+$0xFFFFFFF0];
	s13 =	smov.u32 s29;
	s29 =	sadd.s32 $0xA00, s29  }
0x209: {  	_ = 	snop  }
0x20a: {  	v12 =	vadd.f32 v13, v12  }
0x20b: {  	v7 =	vadd.f32 v8, v7  }
0x20c: {  	v37 =	vadd.f32 v10, v9;
	v38 =	vadd.f32 v12, v11;
	_ =	sdelay $0x1  }
0x20d: {  	v7 =	vadd.f32 v37, v7;
	v2 =	vadd.f32 v38, v2;
	_ =	sdelay $0x1  }
0x20e: {  	v2 =	vadd.f32 v7, v2;
	_ =	sdelay $0x1  }
0x20f: {  	v2 =	vmul.f32 v2, v1;
	_ =	sdelay $0x1  }
0x210: {  	[tilespmem:s15+$0xFFFFFFA0] =	vst v2  }
0x211: {  	v2 =	vld [tilespmem:s13+$0xFFFFFB30]  }
0x212: {  	v39 =	vld [tilespmem:s13+$0xFFFFFB70]  }
0x213: {  	v40 =	vld [tilespmem:s13+$0xFFFFFBB0]  }
0x214: {  	v41 =	vld [tilespmem:s13+$0xFFFFFBF0]  }
0x215: {  	v42 =	vld [tilespmem:s13+$0xFFFFFC30]  }
0x216: {  	v43 =	vld [tilespmem:s13+$0xFFFFFC70]  }
0x217: {  	v44 =	vld [tilespmem:s13+$0xFFFFFCB0]  }
0x218: {  	v45 =	vld [tilespmem:s13+$0xFFFFFCF0]  }
0x219: {  	v14 =	vld [tilespmem:s13+$0xFFFFFD30]  }
0x21a: {  	v15 =	vld [tilespmem:s13+$0xFFFFFD70]  }
0x21b: {  	v16 =	vld [tilespmem:s13+$0xFFFFFDB0]  }
0x21c: {  	v17 =	vld [tilespmem:s13+$0xFFFFFDF0]  }
0x21d: {  	v18 =	vld [tilespmem:s13+$0xFFFFFE30]  }
0x21e: {  	v19 =	vld [tilespmem:s13+$0xFFFFFE70]  }
0x21f: {  	v20 =	vld [tilespmem:s13+$0xFFFFFEB0]  }
0x220: {  	v21 =	vld [tilespmem:s13+$0xFFFFFEF0]  }
0x221: {  	v46 =	vld [tilespmem:s13+$0xFFFFFF30]  }
0x222: {  	v3 =	vadd.f32 v6, v3;
	v48 =	vld [tilespmem:s13+$0xFFFFFF70]  }
0x223: {  	v51 =	vld [tilespmem:s13+$0xFFFFFFB0];
	v2 =	vadd.f32 v39, v2;
	v47 =	vadd.f32 v41, v40  }
0x224: {  	v54 =	vld [tilespmem:s13+$0xFFFFFFF0];
	v49 =	vadd.f32 v43, v42;
	v50 =	vadd.f32 v45, v44  }
0x225: {  	v52 =	vadd.f32 v15, v14;
	v53 =	vadd.f32 v17, v16  }
0x226: {  	v55 =	vadd.f32 v19, v18;
	v56 =	vadd.f32 v21, v20  }
0x227: {  	v2 =	vadd.f32 v47, v2;
	v57 =	vadd.f32 v50, v49  }
0x228: {  	v58 =	vadd.f32 v53, v52;
	v59 =	vadd.f32 v56, v55  }
0x229: {  	v6 =	vadd.f32 v48, v46;
	v61 =	vadd.f32 v54, v51  }
0x22a: {  	v2 =	vadd.f32 v57, v2;
	v60 =	vadd.f32 v59, v58  }
0x22b: {  	v3 =	vadd.f32 v3, v4  }
0x22c: {  	v62 =	vadd.f32 v61, v6;
	v2 =	vadd.f32 v60, v2  }
0x22d: {  	v3 =	vadd.f32 v3, v5  }
0x22e: {  	p1 =	sne.s32 s0, $0x7;
	v2 =	vadd.f32 v62, v2  }
.Ltmp1:
0x22f: {  	v0 =	vmul.f32 v3, v0;
	(pc) =	sbr.rel @p1 .LBB2_6-.Ltmp1, $4  }
0x230: {  	v63 =	vmul.f32 v2, v1  }
0x231: {  	s4 =	sshll.u32 s0, $0xA;
	[tilespmem:s11+$0xFFFFFFB0] =	vst v0  }
0x232: {  	s4 =	sadd.s32 s4, s5;
	[tilespmem:s15+$0xFFFFFFB0] =	vst v63  }
0x233: {  	[hbm4b:s4+s2] =	stream.linear.scatter [tilespmem:s23], [sflag:$0x3], $0x1000, $0x38;
	[tilespmem:$0x18800] =	vst v63  }
.Ltmp2:
0x234: {  	(pc) =	sbr.rel .LBB2_7-.Ltmp2, $4  }
0x235: {  	_ = 	snop  }
0x236: {  	_ =	swait.ge [sflag:s24], $0xA000  }
0x237: {  	[sflag:s24] =	ssyncset.done $0x0  }
0x238: {  	[sflag:s24] =	ssyncadd.s32 $0xFFFF6000  }
.LBB2_6:
0x239: {  	s4 =	sadd.s32 $0x500, s7  }
0x23a: {  	[tilespmem:s9], [sflag:$0x1] =	stream.indirect.gather [hbm4b:s3+s8], $0x40, s4, s8, $0xb8;
	[tilespmem:$0x18800] =	vst v63  }
0x23b: {  	s13 =	sadd.s32 $0x580, s7  }
0x23c: {  	[tilespmem:s10], [sflag:$0x1] =	stream.indirect.gather [hbm4b:s3+s8], $0x40, s13, s8, $0xb8;
	[tilespmem:$0x18800] =	vst v63  }
0x23d: {  	s15 =	sadd.s32 $0x600, s7  }
0x23e: {  	[tilespmem:s12], [sflag:$0x1] =	stream.indirect.gather [hbm4b:s3+s8], $0x40, s15, s8, $0xb8;
	[tilespmem:$0x18800] =	vst v63  }
0x23f: {  	s28 =	sadd.s32 $0x680, s7  }
0x240: {  	[tilespmem:s14], [sflag:$0x1] =	stream.indirect.gather [hbm4b:s3+s8], $0x40, s28, s8, $0xb8;
	[tilespmem:$0x18800] =	vst v63  }
.Ltmp3:
0x241: {  	s29 =	sadd.s32 $0x700, s7;
	(pc) =	sbr.rel @p0 .LBB2_8-.Ltmp3, $4  }
0x242: {  	[tilespmem:s16], [sflag:$0x1] =	stream.indirect.gather [hbm4b:s3+s8], $0x40, s29, s8, $0xb8;
	[tilespmem:$0x18800] =	vst v63  }
0x243: {  	_ =	swait.ge [sflag:s24], $0xA000  }
0x244: {  	[sflag:s24] =	ssyncset.done $0x0  }
0x245: {  	[sflag:s24] =	ssyncadd.s32 $0xFFFF6000  }
.LBB2_7:
0x246: {  	_ =	swait.ge [sflag:s25], $0x1000  }
0x247: {  	[sflag:s25] =	ssyncset.done $0x0  }
0x248: {  	[sflag:s25] =	ssyncadd.s32 $0xFFFFF000  }
.LBB2_8:
0x249: {  	v10 =	vld [tilespmem:s31+$0x0]  }
0x24a: {  	s6 =	simm.s32 $0xCD00;
	v11 =	vld [tilespmem:s31+$0xFFFFFFFC]  }
0x24b: {  	v1 =	vld [tilespmem:s6+$0x0]  }
0x24c: {  	v2 =	vld [tilespmem:s6+$0x40]  }
0x24d: {  	v3 =	vld [tilespmem:s6+$0x80]  }
0x24e: {  	v4 =	vld [tilespmem:s6+$0xC0]  }
0x24f: {  	v5 =	vld [tilespmem:s6+$0x100]  }
0x250: {  	v6 =	vld [tilespmem:s6+$0x140]  }
0x251: {  	v7 =	vld [tilespmem:s6+$0x180]  }
0x252: {  	v8 =	vld [tilespmem:s6+$0x1C0]  }
0x253: {  	v9 =	vld [tilespmem:s6+$0x200]  }
0x254: {  	v12 =	vld [tilespmem:s6+$0x240]  }
0x255: {  	v13 =	vld [tilespmem:s6+$0x280]  }
0x256: {  	v14 =	vld [tilespmem:s6+$0x2C0]  }
0x257: {  	v17 =	vld [tilespmem:s6+$0x380];
	vm1 =	vne.s32 v10, $0x0  }
0x258: {  	v18 =	vld [tilespmem:s6+$0x3C0];
	vm2 =	vne.s32 v11, $0x0;
	vm1 =	vmand vm1, vm0  }
0x259: {  	v10 =	vld [tilespmem:s6+$0x300];
	v15 =	vmpcnt.ones.xlane vm2;
	v16 =	vmpcnt.ones.xlane vm1  }
0x25a: {  	v11 =	vld [tilespmem:s6+$0x340]  }
0x25b: {  	v0 =	vld [tilespmem:s6+$0x400];
	v15 =	vadd.s32 v15, v16  }
0x25c: {  	v53 =	vld [tilespmem:s6+$0x440];
	v1 =	vadd.f32 v2, v1;
	v2 =	vadd.f32 v4, v3;
	v15 =	vcvt.s32.f32 v15  }
0x25d: {  	v19 =	vld [tilespmem:s6+$0x480];
	v4 =	vadd.f32 v6, v5;
	v5 =	vadd.f32 v8, v7  }
0x25e: {  	v3 =	vld [tilespmem:s6+$0x4C0];
	v7 =	vadd.f32 v12, v9;
	v8 =	vadd.f32 v14, v13;
	v6 =	vmax.f32 v15, $1.000000000e+00  }
0x25f: {  	v9 =	vadd.f32 v11, v10;
	v10 =	vadd.f32 v18, v17;
	(erf) = vrcp.f32 v6  }
0x260: {  	v60 =	vld [tilespmem:s6+$0xFFFFFCC0];
	v1 =	vadd.f32 v2, v1;
	v2 =	vadd.f32 v5, v4  }
0x261: {  	v63 =	vld [tilespmem:s6+$0xFFFFFD00];
	v4 =	vadd.f32 v8, v7;
	v5 =	vadd.f32 v10, v9  }
0x262: {  	v29 =	vld [tilespmem:s6+$0xFFFFFD80];
	v0 =	vadd.f32 v53, v0;
	v1 =	vadd.f32 v2, v1  }
0x263: {  	v30 =	vld [tilespmem:s6+$0xFFFFFDC0];
	v3 =	vadd.f32 v3, v19;
	v2 =	vadd.f32 v5, v4  }
0x264: {  	v31 =	vld [tilespmem:s6+$0xFFFFFE40]  }
0x265: {  	v32 =	vld [tilespmem:s6+$0xFFFFFF40];
	v0 =	vadd.f32 v3, v0;
	v1 =	vadd.f32 v2, v1  }
0x266: {  	v33 =	vld [tilespmem:s6+$0xFFFFFF80]  }
0x267: {  	v7 =	vld [tilespmem:s6+$0xFFFFFBC0];
	v0 =	vadd.f32 v0, v1  }
0x268: {  	v8 =	vld [tilespmem:s6+$0xFFFFFC00];
	v2 =	vpop (erf)  }
0x269: {  	v9 =	vld [tilespmem:s6+$0xFFFFFC40];
	v0 =	vmul.f32 v0, v2  }
0x26a: {  	s11 =	simm.s32 $0x17880;
	v3 =	vld [tilespmem:s6+$0xFFFFFB00]  }
0x26b: {  	v4 =	vld [tilespmem:s31+$0xFFFFFFEC];
	[tilespmem:s11+$0x0] =	vst v0  }
0x26c: {  	v10 =	vld [tilespmem:s6+$0x10]  }
0x26d: {  	v11 =	vld [tilespmem:s6+$0x50]  }
0x26e: {  	v12 =	vld [tilespmem:s6+$0x90]  }
0x26f: {  	v13 =	vld [tilespmem:s6+$0xD0]  }
0x270: {  	v14 =	vld [tilespmem:s6+$0x110]  }
0x271: {  	v15 =	vld [tilespmem:s6+$0x150]  }
0x272: {  	v54 =	vld [tilespmem:s6+$0x190]  }
0x273: {  	v55 =	vld [tilespmem:s6+$0x1D0]  }
0x274: {  	v56 =	vld [tilespmem:s6+$0x210]  }
0x275: {  	v57 =	vld [tilespmem:s6+$0x250]  }
0x276: {  	v20 =	vld [tilespmem:s6+$0x290]  }
0x277: {  	v21 =	vld [tilespmem:s6+$0x2D0]  }
0x278: {  	v22 =	vld [tilespmem:s6+$0x310]  }
0x279: {  	v23 =	vld [tilespmem:s6+$0x350]  }
0x27a: {  	v24 =	vld [tilespmem:s6+$0x390]  }
0x27b: {  	v25 =	vld [tilespmem:s6+$0x3D0]  }
0x27c: {  	v0 =	vld [tilespmem:s6+$0x410]  }
0x27d: {  	v26 =	vld [tilespmem:s6+$0x450];
	v10 =	vadd.f32 v11, v10;
	v11 =	vadd.f32 v13, v12  }
0x27e: {  	v27 =	vld [tilespmem:s6+$0x490];
	v13 =	vadd.f32 v15, v14;
	v14 =	vadd.f32 v55, v54  }
0x27f: {  	v12 =	vld [tilespmem:s6+$0x4D0];
	v58 =	vadd.f32 v57, v56;
	v59 =	vadd.f32 v21, v20  }
0x280: {  	v6 =	vld [tilespmem:s6+$0xFFFFFB40];
	v61 =	vadd.f32 v23, v22;
	v62 =	vadd.f32 v25, v24  }
0x281: {  	v5 =	vld [tilespmem:s31+$0xFFFFFFE8];
	v10 =	vadd.f32 v11, v10;
	v11 =	vadd.f32 v14, v13  }
0x282: {  	v1 =	vld [tilespmem:s6+$0xFFFFFB80];
	v14 =	vadd.f32 v59, v58;
	v28 =	vadd.f32 v62, v61  }
0x283: {  	vm1 =	vne.s32 v4, $0x0;
	v4 =	vld [tilespmem:s6+$0xFFFFFFC0];
	v0 =	vadd.f32 v26, v0;
	v10 =	vadd.f32 v11, v10  }
0x284: {  	v15 =	vld [tilespmem:s6+$0xFFFFFC80];
	v11 =	vadd.f32 v28, v14;
	v12 =	vadd.f32 v12, v27  }
0x285: {  	s13 =	simm.s32 $0xD700;
	v13 =	vld [tilespmem:s6+$0xFFFFFD40]  }
0x286: {  	v59 =	vld [tilespmem:s13+$0x380];
	v10 =	vadd.f32 v11, v10;
	v0 =	vadd.f32 v12, v0  }
0x287: {  	v61 =	vld [tilespmem:s13+$0x480]  }
0x288: {  	v1 =	vadd.f32 v7, v1;
	v14 =	vld [tilespmem:s6+$0xFFFFFE00];
	v0 =	vadd.f32 v0, v10  }
0x289: {  	v7 =	vadd.f32 v9, v8;
	v8 =	vadd.f32 v60, v15;
	v60 =	vld [tilespmem:s13+$0x3C0]  }
0x28a: {  	v11 =	vld [tilespmem:s6+$0xFFFFFE80];
	v0 =	vmul.f32 v0, v2  }
0x28b: {  	v12 =	vld [tilespmem:s6+$0xFFFFFEC0]  }
0x28c: {  	vm2 =	vne.s32 v5, $0x0;
	vm1 =	vmand vm1, vm0;
	v10 =	vld [tilespmem:s6+$0xFFFFFF00];
	[tilespmem:s11+$0x10] =	vst v0  }
0x28d: {  	v34 =	vmpcnt.ones.xlane vm2;
	v0 =	vmpcnt.ones.xlane vm1;
	v5 =	vld [tilespmem:s6+$0x420]  }
0x28e: {  	v35 =	vld [tilespmem:s6+$0x20]  }
0x28f: {  	v36 =	vld [tilespmem:s6+$0x60];
	v0 =	vadd.s32 v34, v0  }
0x290: {  	v37 =	vld [tilespmem:s6+$0xA0];
	v0 =	vcvt.s32.f32 v0  }
0x291: {  	v3 =	vadd.f32 v6, v3;
	v6 =	vld [tilespmem:s6+$0xE0]  }
0x292: {  	v15 =	vadd.f32 v30, v29;
	v13 =	vadd.f32 v13, v63;
	v9 =	vld [tilespmem:s6+$0x120];
	v0 =	vmax.f32 v0, $1.000000000e+00  }
0x293: {  	v11 =	vadd.f32 v12, v11;
	v38 =	vld [tilespmem:s6+$0x160];
	(erf) = vrcp.f32 v0;
	v0 =	vadd.f32 v31, v14  }
0x294: {  	v1 =	vadd.f32 v1, v3;
	v3 =	vadd.f32 v8, v7;
	v12 =	vld [tilespmem:s6+$0x1A0]  }
0x295: {  	v8 =	vadd.f32 v15, v13;
	v7 =	vld [tilespmem:s6+$0x1E0];
	v0 =	vadd.f32 v11, v0  }
0x296: {  	v1 =	vadd.f32 v3, v1;
	v3 =	vadd.f32 v32, v10;
	v10 =	vld [tilespmem:s6+$0x260]  }
0x297: {  	v13 =	vld [tilespmem:s6+$0x2E0];
	v0 =	vadd.f32 v0, v8  }
0x298: {  	v4 =	vadd.f32 v4, v33;
	v15 =	vld [tilespmem:s6+$0x3E0]  }
0x299: {  	v39 =	vld [tilespmem:s6+$0x460];
	v0 =	vadd.f32 v0, v1  }
0x29a: {  	v40 =	vld [tilespmem:s6+$0x4A0];
	v3 =	vadd.f32 v4, v3  }
0x29b: {  	v4 =	vld [tilespmem:s6+$0x360]  }
0x29c: {  	v14 =	vld [tilespmem:s6+$0x3A0];
	v3 =	vadd.f32 v3, v0  }
0x29d: {  	v8 =	vld [tilespmem:s6+$0x2A0];
	v0 =	vpop (erf)  }
0x29e: {  	v1 =	vld [tilespmem:s6+$0x320];
	v3 =	vmul.f32 v3, v0  }
0x29f: {  	v11 =	vld [tilespmem:s6+$0x220]  }
0x2a0: {  	[tilespmem:s11+$0xFFFFFF80] =	vst v3;
	v3 =	vld [tilespmem:s6+$0x4E0]  }
0x2a1: {  	v42 =	vld [tilespmem:s6+$0xFFFFFB10]  }
0x2a2: {  	v8 =	vadd.f32 v13, v8;
	v13 =	vld [tilespmem:s6+$0xFFFFFB50]  }
0x2a3: {  	v1 =	vadd.f32 v4, v1;
	v4 =	vadd.f32 v15, v14;
	v14 =	vld [tilespmem:s6+$0xFFFFFB90]  }
0x2a4: {  	v15 =	vld [tilespmem:s6+$0xFFFFFBD0]  }
0x2a5: {  	v1 =	vadd.f32 v4, v1;
	v4 =	vld [tilespmem:s6+$0xFFFFFC10]  }
0x2a6: {  	v43 =	vld [tilespmem:s6+$0xFFFFFC50]  }
0x2a7: {  	v44 =	vld [tilespmem:s6+$0xFFFFFC90]  }
0x2a8: {  	v45 =	vld [tilespmem:s6+$0xFFFFFCD0]  }
0x2a9: {  	v46 =	vld [tilespmem:s6+$0xFFFFFD90]  }
0x2aa: {  	v41 =	vadd.f32 v36, v35;
	v47 =	vld [tilespmem:s6+$0xFFFFFDD0]  }
0x2ab: {  	v6 =	vadd.f32 v6, v37;
	v9 =	vadd.f32 v38, v9;
	v48 =	vld [tilespmem:s6+$0xFFFFFE10]  }
0x2ac: {  	v7 =	vadd.f32 v7, v12;
	v10 =	vadd.f32 v10, v11;
	v49 =	vld [tilespmem:s6+$0xFFFFFE50]  }
0x2ad: {  	v6 =	vadd.f32 v6, v41;
	v50 =	vld [tilespmem:s6+$0xFFFFFED0]  }
0x2ae: {  	v7 =	vadd.f32 v7, v9;
	v8 =	vadd.f32 v8, v10;
	v51 =	vld [tilespmem:s6+$0xFFFFFF10]  }
0x2af: {  	v52 =	vld [tilespmem:s6+$0xFFFFFF50]  }
0x2b0: {  	v6 =	vadd.f32 v7, v6;
	v54 =	vld [tilespmem:s6+$0xFFFFFF90];
	v1 =	vadd.f32 v1, v8  }
0x2b1: {  	v55 =	vld [tilespmem:s6+$0xFFFFFFD0]  }
0x2b2: {  	v1 =	vadd.f32 v1, v6;
	v6 =	vld [tilespmem:s6+$0xFFFFFD50]  }
0x2b3: {  	v4 =	vadd.f32 v43, v4;
	v43 =	vld [tilespmem:s13+$0x0]  }
0x2b4: {  	v5 =	vadd.f32 v39, v5;
	v53 =	vadd.f32 v45, v44;
	v44 =	vld [tilespmem:s13+$0x40]  }
0x2b5: {  	v3 =	vadd.f32 v3, v40;
	v13 =	vadd.f32 v13, v42;
	v45 =	vld [tilespmem:s13+$0x80]  }
0x2b6: {  	v15 =	vadd.f32 v15, v14;
	v56 =	vadd.f32 v49, v48;
	v48 =	vld [tilespmem:s13+$0x140]  }
0x2b7: {  	v3 =	vadd.f32 v3, v5;
	v5 =	vld [tilespmem:s6+$0xFFFFFD10]  }
0x2b8: {  	s15 =	sadd.s32 $0x28, s31;
	v49 =	vld [tilespmem:s13+$0x180];
	v13 =	vadd.f32 v15, v13;
	v4 =	vadd.f32 v53, v4  }
0x2b9: {  	v53 =	vld [tilespmem:s15+$0xFFFFFFFC];
	v1 =	vadd.f32 v3, v1  }
0x2ba: {  	v4 =	vadd.f32 v4, v13;
	v13 =	vadd.f32 v55, v54;
	v54 =	vld [tilespmem:s13+$0x240]  }
0x2bb: {  	v55 =	vld [tilespmem:s13+$0x280]  }
0x2bc: {  	v1 =	vmul.f32 v1, v2;
	v5 =	vadd.f32 v6, v5;
	v6 =	vadd.f32 v47, v46;
	v46 =	vld [tilespmem:s13+$0xC0]  }
0x2bd: {  	v47 =	vld [tilespmem:s13+$0x100]  }
0x2be: {  	[tilespmem:s11+$0x20] =	vst v1;
	v1 =	vld [tilespmem:s6+$0xFFFFFE90]  }
0x2bf: {  	vm2 =	vne.s32 v53, $0x0;
	v53 =	vld [tilespmem:s13+$0x340]  }
0x2c0: {  	v3 =	vld [tilespmem:s6+$0x430]  }
0x2c1: {  	v7 =	vld [tilespmem:s6+$0x30]  }
0x2c2: {  	v9 =	vld [tilespmem:s6+$0x70]  }
0x2c3: {  	v8 =	vld [tilespmem:s6+$0xB0]  }
0x2c4: {  	v10 =	vld [tilespmem:s6+$0xF0]  }
0x2c5: {  	v11 =	vld [tilespmem:s6+$0x130]  }
0x2c6: {  	v12 =	vld [tilespmem:s6+$0x170]  }
0x2c7: {  	v14 =	vld [tilespmem:s6+$0x1B0]  }
0x2c8: {  	v15 =	vld [tilespmem:s6+$0x1F0]  }
0x2c9: {  	v16 =	vld [tilespmem:s6+$0x230]  }
0x2ca: {  	v17 =	vld [tilespmem:s6+$0x270]  }
0x2cb: {  	v18 =	vld [tilespmem:s6+$0x2B0]  }
0x2cc: {  	v19 =	vld [tilespmem:s6+$0x2F0]  }
0x2cd: {  	v20 =	vld [tilespmem:s6+$0x330]  }
0x2ce: {  	v22 =	vld [tilespmem:s6+$0x370]  }
0x2cf: {  	v21 =	vld [tilespmem:s6+$0x3B0]  }
0x2d0: {  	v23 =	vld [tilespmem:s6+$0x3F0]  }
0x2d1: {  	v5 =	vadd.f32 v6, v5;
	v6 =	vadd.f32 v52, v51;
	v52 =	vld [tilespmem:s15+$0x0]  }
0x2d2: {  	v51 =	vld [tilespmem:s13+$0x200]  }
0x2d3: {  	v43 =	vadd.f32 v44, v43;
	v44 =	vadd.f32 v46, v45;
	v45 =	vld [tilespmem:s13+$0x4C0]  }
0x2d4: {  	v46 =	vadd.f32 v48, v47;
	v48 =	vld [tilespmem:s15+$0xFFFFFFEC]  }
0x2d5: {  	v1 =	vadd.f32 v50, v1;
	v50 =	vld [tilespmem:s13+$0x1C0]  }
0x2d6: {  	vm1 =	vne.s32 v52, $0x0;
	v52 =	vld [tilespmem:s13+$0x300]  }
0x2d7: {  	v62 =	vadd.f32 v54, v51;
	v54 =	vld [tilespmem:s15+$0xFFFFFFE8]  }
0x2d8: {  	v51 =	vld [tilespmem:s13+$0xFFFFFB80]  }
0x2d9: {  	v43 =	vadd.f32 v44, v43;
	v44 =	vld [tilespmem:s13+$0xFFFFFC80];
	v1 =	vadd.f32 v1, v56  }
0x2da: {  	v57 =	vmpcnt.ones.xlane vm2;
	v56 =	vld [tilespmem:s13+$0x2C0];
	vm1 =	vmand vm1, vm0  }
0x2db: {  	v58 =	vmpcnt.ones.xlane vm1;
	v1 =	vadd.f32 v1, v5;
	v5 =	vadd.f32 v13, v6;
	v6 =	vld [tilespmem:s6+$0x470]  }
0x2dc: {  	v13 =	vld [tilespmem:s13+$0x400]  }
0x2dd: {  	v57 =	vadd.s32 v57, v58;
	v58 =	vld [tilespmem:s13+$0x440]  }
0x2de: {  	v47 =	vadd.f32 v50, v49;
	v49 =	vld [tilespmem:s13+$0xFFFFFB00]  }
0x2df: {  	v50 =	vld [tilespmem:s13+$0xFFFFFC40]  }
0x2e0: {  	v1 =	vadd.f32 v1, v4;
	v4 =	vld [tilespmem:s6+$0x4B0]  }
0x2e1: {  	v57 =	vcvt.s32.f32 v57;
	v52 =	vadd.f32 v53, v52;
	v53 =	vld [tilespmem:s13+$0xFFFFFD00]  }
0x2e2: {  	v63 =	vadd.f32 v56, v55;
	v55 =	vld [tilespmem:s13+$0xFFFFFD40]  }
0x2e3: {  	v56 =	vadd.f32 v60, v59;
	v1 =	vadd.f32 v5, v1;
	v5 =	vld [tilespmem:s6+$0x4F0];
	v57 =	vmax.f32 v57, $1.000000000e+00  }
0x2e4: {  	(erf) = vrcp.f32 v57;
	v57 =	vadd.f32 v47, v46;
	v46 =	vld [tilespmem:s13+$0xFFFFFB40]  }
0x2e5: {  	v60 =	vadd.f32 v56, v52;
	v52 =	vld [tilespmem:s13+$0xFFFFFBC0]  }
0x2e6: {  	v47 =	vld [tilespmem:s13+$0xFFFFFC00]  }
0x2e7: {  	v45 =	vadd.f32 v45, v61;
	v56 =	vld [tilespmem:s13+$0xFFFFFD80];
	v1 =	vmul.f32 v1, v0;
	v13 =	vadd.f32 v58, v13  }
0x2e8: {  	v43 =	vadd.f32 v57, v43;
	v57 =	vld [tilespmem:s13+$0xFFFFFDC0]  }
0x2e9: {  	[tilespmem:s11+$0xFFFFFF90] =	vst v1;
	v13 =	vadd.f32 v45, v13;
	v45 =	vld [tilespmem:s13+$0xFFFFFCC0]  }
0x2ea: {  	v1 =	vld [tilespmem:s6+$0xFFFFFB20]  }
0x2eb: {  	v24 =	vld [tilespmem:s6+$0xFFFFFB60]  }
0x2ec: {  	v25 =	vld [tilespmem:s6+$0xFFFFFBA0]  }
0x2ed: {  	v26 =	vld [tilespmem:s6+$0xFFFFFBE0]  }
0x2ee: {  	v27 =	vld [tilespmem:s6+$0xFFFFFC20]  }
0x2ef: {  	v28 =	vld [tilespmem:s6+$0xFFFFFC60]  }
0x2f0: {  	v29 =	vld [tilespmem:s6+$0xFFFFFCA0]  }
0x2f1: {  	v30 =	vld [tilespmem:s6+$0xFFFFFCE0]  }
0x2f2: {  	v31 =	vld [tilespmem:s6+$0xFFFFFD20]  }
0x2f3: {  	v32 =	vld [tilespmem:s6+$0xFFFFFD60]  }
0x2f4: {  	v59 =	vadd.f32 v63, v62;
	v33 =	vld [tilespmem:s6+$0xFFFFFDA0]  }
0x2f5: {  	v34 =	vld [tilespmem:s6+$0xFFFFFDE0]  }
0x2f6: {  	v62 =	vadd.f32 v60, v59;
	v35 =	vld [tilespmem:s6+$0xFFFFFE20]  }
0x2f7: {  	v36 =	vld [tilespmem:s6+$0xFFFFFE60]  }
0x2f8: {  	v37 =	vld [tilespmem:s6+$0xFFFFFEA0];
	v43 =	vadd.f32 v62, v43  }
0x2f9: {  	v38 =	vld [tilespmem:s6+$0xFFFFFEE0]  }
0x2fa: {  	v39 =	vld [tilespmem:s6+$0xFFFFFF20];
	v43 =	vadd.f32 v13, v43  }
0x2fb: {  	v40 =	vld [tilespmem:s6+$0xFFFFFF60];
	v13 =	vpop (erf)  }
0x2fc: {  	v41 =	vld [tilespmem:s6+$0xFFFFFFA0];
	v1 =	vadd.f32 v24, v1;
	v43 =	vmul.f32 v43, v13  }
0x2fd: {  	s4 =	simm.s32 $0x17980;
	v42 =	vld [tilespmem:s6+$0xFFFFFFE0];
	v24 =	vadd.f32 v26, v25;
	v26 =	vadd.f32 v28, v27  }
0x2fe: {  	v27 =	vadd.f32 v30, v29;
	v30 =	vadd.f32 v34, v33;
	v33 =	vld [tilespmem:s13+$0xFFFFFE80];
	[tilespmem:s4+$0x0] =	vst v43  }
0x2ff: {  	v43 =	vld [tilespmem:s13+$0x410]  }
0x300: {  	v58 =	vld [tilespmem:s13+$0x10]  }
0x301: {  	v59 =	vld [tilespmem:s13+$0x50]  }
0x302: {  	v60 =	vld [tilespmem:s13+$0x90]  }
0x303: {  	v61 =	vld [tilespmem:s13+$0xD0]  }
0x304: {  	v62 =	vld [tilespmem:s13+$0x110]  }
0x305: {  	v25 =	vld [tilespmem:s13+$0x150]  }
0x306: {  	v28 =	vld [tilespmem:s13+$0x190]  }
0x307: {  	v29 =	vadd.f32 v32, v31;
	v31 =	vld [tilespmem:s13+$0x1D0]  }
0x308: {  	v32 =	vadd.f32 v36, v35;
	v34 =	vld [tilespmem:s13+$0x210]  }
0x309: {  	v63 =	vadd.f32 v38, v37;
	v36 =	vadd.f32 v27, v26;
	v26 =	vld [tilespmem:s13+$0x250]  }
0x30a: {  	v37 =	vadd.f32 v30, v29;
	v30 =	vld [tilespmem:s13+$0x290]  }
0x30b: {  	v38 =	vadd.f32 v63, v32;
	v32 =	vld [tilespmem:s13+$0x2D0]  }
0x30c: {  	v1 =	vadd.f32 v24, v1;
	v29 =	vld [tilespmem:s13+$0x310]  }
0x30d: {  	v40 =	vadd.f32 v40, v39;
	v41 =	vadd.f32 v42, v41;
	v35 =	vld [tilespmem:s13+$0x350]  }
0x30e: {  	v1 =	vadd.f32 v36, v1;
	v27 =	vadd.f32 v38, v37;
	v42 =	vld [tilespmem:s13+$0x3D0]  }
0x30f: {  	v7 =	vadd.f32 v9, v7;
	v36 =	vld [tilespmem:s13+$0x490]  }
0x310: {  	v24 =	vadd.f32 v41, v40;
	v63 =	vld [tilespmem:s13+$0x4D0];
	v1 =	vadd.f32 v27, v1  }
0x311: {  	v8 =	vadd.f32 v10, v8;
	v10 =	vadd.f32 v12, v11;
	v27 =	vld [tilespmem:s13+$0x390]  }
0x312: {  	v12 =	vadd.f32 v15, v14;
	v1 =	vadd.f32 v24, v1;
	v24 =	vld [tilespmem:s13+$0x450]  }
0x313: {  	v14 =	vadd.f32 v17, v16;
	v28 =	vadd.f32 v31, v28;
	v31 =	vld [tilespmem:s13+$0xFFFFFE00]  }
0x314: {  	v59 =	vadd.f32 v59, v58;
	v30 =	vadd.f32 v32, v30;
	v32 =	vld [tilespmem:s13+$0xFFFFFE40]  }
0x315: {  	v61 =	vadd.f32 v61, v60;
	v26 =	vadd.f32 v26, v34;
	v58 =	vld [tilespmem:s13+$0xFFFFFEC0]  }
0x316: {  	v25 =	vadd.f32 v25, v62;
	v29 =	vadd.f32 v35, v29;
	v34 =	vld [tilespmem:s13+$0xFFFFFF80]  }
0x317: {  	v1 =	vmul.f32 v1, v0;
	v27 =	vadd.f32 v42, v27;
	v26 =	vadd.f32 v30, v26;
	v30 =	vld [tilespmem:s13+$0xFFFFFF00]  }
0x318: {  	v42 =	vadd.f32 v61, v59;
	v59 =	vadd.f32 v63, v36;
	v36 =	vld [tilespmem:s13+$0xFFFFFF40]  }
0x319: {  	v25 =	vadd.f32 v28, v25;
	[tilespmem:s11+$0xFFFFFFA0] =	vst v1;
	v1 =	vld [tilespmem:s13+$0xFFFFFFC0];
	v27 =	vadd.f32 v27, v29  }
0x31a: {  	v17 =	vadd.f32 v22, v20;
	v24 =	vadd.f32 v24, v43;
	v29 =	vld [tilespmem:s6+$0xFFFFFBF0]  }
0x31b: {  	v25 =	vadd.f32 v25, v42;
	v28 =	vld [tilespmem:s6+$0xFFFFFC70];
	v26 =	vadd.f32 v27, v26  }
0x31c: {  	v7 =	vadd.f32 v8, v7;
	v10 =	vadd.f32 v12, v10;
	v22 =	vld [tilespmem:s6+$0xFFFFFCF0]  }
0x31d: {  	v20 =	vld [tilespmem:s6+$0xFFFFFD70];
	v24 =	vadd.f32 v59, v24;
	v26 =	vadd.f32 v26, v25  }
0x31e: {  	v3 =	vadd.f32 v6, v3;
	v4 =	vadd.f32 v5, v4;
	v6 =	vld [tilespmem:s6+$0xFFFFFDF0]  }
0x31f: {  	v5 =	vadd.f32 v10, v7;
	v7 =	vld [tilespmem:s6+$0xFFFFFE70];
	v24 =	vadd.f32 v24, v26  }
0x320: {  	v27 =	vld [tilespmem:s6+$0xFFFFFBB0]  }
0x321: {  	v25 =	vld [tilespmem:s6+$0xFFFFFB30];
	v60 =	vmul.f32 v24, v13  }
0x322: {  	v26 =	vld [tilespmem:s6+$0xFFFFFB70]  }
0x323: {  	v24 =	vld [tilespmem:s6+$0xFFFFFC30];
	[tilespmem:s4+$0x10] =	vst v60  }
0x324: {  	v37 =	vld [tilespmem:s13+$0x420]  }
0x325: {  	vm1 =	vne.s32 v48, $0x0;
	v40 =	vld [tilespmem:s13+$0x20]  }
0x326: {  	vm1 =	vmand vm1, vm0;
	vm2 =	vne.s32 v54, $0x0;
	v41 =	vld [tilespmem:s13+$0x60]  }
0x327: {  	v62 =	vmpcnt.ones.xlane vm2;
	v61 =	vmpcnt.ones.xlane vm1;
	v39 =	vld [tilespmem:s13+$0xA0]  }
0x328: {  	v63 =	vadd.f32 v46, v49;
	v46 =	vld [tilespmem:s13+$0xE0]  }
0x329: {  	v44 =	vadd.f32 v45, v44;
	v38 =	vadd.s32 v62, v61;
	v45 =	vld [tilespmem:s13+$0x120]  }
0x32a: {  	v55 =	vadd.f32 v55, v53;
	v47 =	vadd.f32 v50, v47;
	v38 =	vcvt.s32.f32 v38;
	v50 =	vld [tilespmem:s13+$0x160]  }
0x32b: {  	v54 =	vadd.f32 v52, v51;
	v31 =	vadd.f32 v32, v31;
	v32 =	vld [tilespmem:s13+$0x220]  }
0x32c: {  	v56 =	vadd.f32 v57, v56;
	v57 =	vadd.f32 v58, v33;
	v38 =	vmax.f32 v38, $1.000000000e+00;
	v61 =	vld [tilespmem:s13+$0x260]  }
0x32d: {  	v58 =	vadd.f32 v54, v63;
	v59 =	vadd.f32 v44, v47;
	(erf) = vrcp.f32 v38;
	v53 =	vld [tilespmem:s13+$0x320]  }
0x32e: {  	v31 =	vadd.f32 v57, v31;
	v60 =	vadd.f32 v56, v55;
	v54 =	vld [tilespmem:s13+$0x360]  }
0x32f: {  	v30 =	vadd.f32 v36, v30;
	v35 =	vadd.f32 v59, v58;
	v55 =	vld [tilespmem:s13+$0x3A0]  }
0x330: {  	v1 =	vadd.f32 v1, v34;
	v56 =	vld [tilespmem:s13+$0x3E0];
	v31 =	vadd.f32 v31, v60  }
0x331: {  	v33 =	vld [tilespmem:s13+$0x1A0]  }
0x332: {  	v1 =	vadd.f32 v1, v30;
	v42 =	vld [tilespmem:s13+$0x1E0];
	v52 =	vadd.f32 v31, v35  }
0x333: {  	v62 =	vld [tilespmem:s13+$0x2A0]  }
0x334: {  	v63 =	vld [tilespmem:s13+$0x2E0];
	v30 =	vadd.f32 v1, v52;
	v32 =	vadd.f32 v61, v32  }
0x335: {  	v57 =	vld [tilespmem:s13+$0x460];
	v31 =	vadd.f32 v54, v53;
	v61 =	vadd.f32 v56, v55  }
0x336: {  	v58 =	vld [tilespmem:s13+$0x4A0];
	v1 =	vpop (erf)  }
0x337: {  	v59 =	vld [tilespmem:s13+$0x4E0];
	v30 =	vmul.f32 v30, v1;
	v31 =	vadd.f32 v61, v31;
	v61 =	vadd.f32 v23, v21  }
0x338: {  	v23 =	vld [tilespmem:s6+$0xFFFFFDB0]  }
0x339: {  	[tilespmem:s4+$0xFFFFFF80] =	vst v30;
	v17 =	vadd.f32 v61, v17;
	v61 =	vld [tilespmem:s6+$0xFFFFFE30]  }
0x33a: {  	v33 =	vadd.f32 v42, v33;
	v42 =	vld [tilespmem:s13+$0xFFFFFB10]  }
0x33b: {  	v40 =	vadd.f32 v41, v40;
	v39 =	vadd.f32 v46, v39;
	v36 =	vld [tilespmem:s13+$0xFFFFFB50]  }
0x33c: {  	v34 =	vadd.f32 v63, v62;
	v38 =	vld [tilespmem:s13+$0xFFFFFB90]  }
0x33d: {  	v60 =	vadd.f32 v50, v45;
	v39 =	vadd.f32 v39, v40;
	v40 =	vld [tilespmem:s13+$0xFFFFFBD0]  }
0x33e: {  	v32 =	vadd.f32 v34, v32;
	v34 =	vld [tilespmem:s13+$0xFFFFFC10]  }
0x33f: {  	v62 =	vadd.f32 v57, v37;
	v33 =	vadd.f32 v33, v60;
	v37 =	vld [tilespmem:s13+$0xFFFFFC50]  }
0x340: {  	v31 =	vadd.f32 v31, v32;
	v32 =	vld [tilespmem:s13+$0xFFFFFC90]  }
0x341: {  	v33 =	vadd.f32 v33, v39;
	v39 =	vld [tilespmem:s13+$0xFFFFFCD0]  }
0x342: {  	v35 =	vld [tilespmem:s13+$0xFFFFFD50]  }
0x343: {  	v41 =	vld [tilespmem:s13+$0xFFFFFDD0]  }
0x344: {  	v43 =	vld [tilespmem:s13+$0xFFFFFE10]  }
0x345: {  	v44 =	vld [tilespmem:s13+$0xFFFFFE50]  }
0x346: {  	v63 =	vadd.f32 v19, v18;
	v18 =	vld [tilespmem:s13+$0xFFFFFE90]  }
0x347: {  	v30 =	vadd.f32 v59, v58;
	v8 =	vld [tilespmem:s13+$0xFFFFFED0]  }
0x348: {  	v12 =	vadd.f32 v63, v14;
	v14 =	vld [tilespmem:s13+$0xFFFFFF10]  }
0x349: {  	v30 =	vadd.f32 v30, v62;
	v31 =	vadd.f32 v31, v33;
	v33 =	vld [tilespmem:s13+$0xFFFFFD10]  }
0x34a: {  	v10 =	vadd.f32 v17, v12;
	v12 =	vld [tilespmem:s6+$0xFFFFFEB0]  }
0x34b: {  	v30 =	vadd.f32 v30, v31;
	v31 =	vld [tilespmem:s13+$0xFFFFFD90]  }
0x34c: {  	v62 =	vadd.f32 v36, v42;
	v36 =	vld [tilespmem:s13+$0xFFFFFF50]  }
0x34d: {  	v63 =	vadd.f32 v40, v38;
	v38 =	vadd.f32 v39, v32;
	v39 =	vld [tilespmem:s13+$0xFFFFFF90]  }
0x34e: {  	v30 =	vmul.f32 v30, v13;
	v40 =	vld [tilespmem:s13+$0xFFFFFFD0]  }
0x34f: {  	v8 =	vadd.f32 v8, v18;
	v18 =	vld [tilespmem:s6+$0xFFFFFCB0]  }
0x350: {  	[tilespmem:s4+$0x20] =	vst v30;
	v16 =	vadd.f32 v63, v62;
	v63 =	vld [tilespmem:s6+$0xFFFFFEF0]  }
0x351: {  	v30 =	vld [tilespmem:s13+$0x430]  }
0x352: {  	v45 =	vld [tilespmem:s13+$0x30]  }
0x353: {  	v46 =	vld [tilespmem:s13+$0x70]  }
0x354: {  	v47 =	vld [tilespmem:s13+$0xB0]  }
0x355: {  	v48 =	vld [tilespmem:s13+$0xF0]  }
0x356: {  	v49 =	vld [tilespmem:s13+$0x130]  }
0x357: {  	v50 =	vld [tilespmem:s13+$0x170]  }
0x358: {  	v51 =	vld [tilespmem:s13+$0x1B0]  }
0x359: {  	v52 =	vld [tilespmem:s13+$0x1F0]  }
0x35a: {  	v37 =	vadd.f32 v37, v34;
	v33 =	vadd.f32 v35, v33;
	v53 =	vld [tilespmem:s13+$0x230]  }
0x35b: {  	v54 =	vld [tilespmem:s13+$0x270];
	v31 =	vadd.f32 v41, v31;
	v41 =	vadd.f32 v44, v43  }
0x35c: {  	v42 =	vadd.f32 v38, v37;
	v55 =	vld [tilespmem:s13+$0x2B0]  }
0x35d: {  	v56 =	vld [tilespmem:s13+$0x2F0];
	v43 =	vadd.f32 v31, v33;
	v8 =	vadd.f32 v8, v41  }
0x35e: {  	v57 =	vld [tilespmem:s13+$0x330];
	v16 =	vadd.f32 v42, v16;
	v14 =	vadd.f32 v36, v14  }
0x35f: {  	v58 =	vld [tilespmem:s13+$0x370];
	v44 =	vadd.f32 v40, v39;
	v8 =	vadd.f32 v8, v43  }
0x360: {  	v59 =	vld [tilespmem:s13+$0x3B0]  }
0x361: {  	v60 =	vld [tilespmem:s13+$0x3F0];
	v14 =	vadd.f32 v44, v14;
	v8 =	vadd.f32 v8, v16  }
0x362: {  	v9 =	vld [tilespmem:s13+$0x470]  }
0x363: {  	v11 =	vld [tilespmem:s13+$0x4B0];
	v8 =	vadd.f32 v14, v8  }
0x364: {  	v4 =	vadd.f32 v4, v3;
	v15 =	vld [tilespmem:s13+$0x4F0]  }
0x365: {  	v6 =	vadd.f32 v6, v23;
	v5 =	vadd.f32 v10, v5;
	v31 =	vld [tilespmem:s6+$0xFFFFFD30];
	v3 =	vmul.f32 v8, v1  }
0x366: {  	v10 =	vadd.f32 v28, v24;
	v7 =	vadd.f32 v7, v61;
	v36 =	vld [tilespmem:s6+$0xFFFFFF70]  }
0x367: {  	v62 =	vadd.f32 v29, v27;
	v12 =	vadd.f32 v63, v12;
	v8 =	vld [tilespmem:s6+$0xFFFFFF30];
	[tilespmem:s4+$0xFFFFFF90] =	vst v3  }
0x368: {  	v37 =	vadd.f32 v46, v45;
	v38 =	vadd.f32 v48, v47;
	v41 =	vld [tilespmem:s13+$0xFFFFFB20]  }
0x369: {  	v39 =	vadd.f32 v50, v49;
	v40 =	vadd.f32 v52, v51;
	v44 =	vld [tilespmem:s13+$0xFFFFFB60]  }
0x36a: {  	v42 =	vadd.f32 v54, v53;
	v43 =	vadd.f32 v56, v55;
	v47 =	vld [tilespmem:s13+$0xFFFFFBA0]  }
0x36b: {  	v45 =	vadd.f32 v58, v57;
	v46 =	vadd.f32 v60, v59;
	v49 =	vld [tilespmem:s13+$0xFFFFFBE0]  }
0x36c: {  	v9 =	vadd.f32 v9, v30;
	v11 =	vadd.f32 v15, v11;
	v52 =	vld [tilespmem:s13+$0xFFFFFC20]  }
0x36d: {  	v7 =	vadd.f32 v12, v7;
	v21 =	vadd.f32 v38, v37;
	v15 =	vld [tilespmem:s13+$0xFFFFFC60]  }
0x36e: {  	v48 =	vadd.f32 v40, v39;
	v50 =	vadd.f32 v43, v42;
	v54 =	vld [tilespmem:s13+$0xFFFFFCA0]  }
0x36f: {  	v51 =	vadd.f32 v46, v45;
	v9 =	vadd.f32 v11, v9;
	v55 =	vld [tilespmem:s13+$0xFFFFFCE0]  }
0x370: {  	v11 =	vadd.f32 v22, v18;
	v20 =	vadd.f32 v20, v31;
	v56 =	vld [tilespmem:s13+$0xFFFFFD20]  }
0x371: {  	v14 =	vadd.f32 v26, v25;
	v21 =	vadd.f32 v48, v21;
	v57 =	vld [tilespmem:s13+$0xFFFFFD60]  }
0x372: {  	v53 =	vadd.f32 v51, v50;
	v10 =	vadd.f32 v11, v10;
	v11 =	vld [tilespmem:s13+$0xFFFFFDA0]  }
0x373: {  	v6 =	vadd.f32 v6, v20;
	v14 =	vadd.f32 v62, v14;
	v12 =	vld [tilespmem:s13+$0xFFFFFDE0]  }
0x374: {  	v59 =	vadd.f32 v4, v5;
	v58 =	vadd.f32 v53, v21;
	v60 =	vld [tilespmem:s13+$0xFFFFFE20]  }
0x375: {  	v6 =	vadd.f32 v7, v6;
	v5 =	vadd.f32 v10, v14;
	v10 =	vld [tilespmem:s13+$0xFFFFFE60]  }
0x376: {  	v19 =	vadd.f32 v9, v58;
	v61 =	vld [tilespmem:s13+$0xFFFFFEA0]  }
0x377: {  	v62 =	vld [tilespmem:s13+$0xFFFFFEE0];
	v5 =	vadd.f32 v6, v5;
	v4 =	vadd.f32 v36, v8  }
0x378: {  	v3 =	vld [tilespmem:s6+$0xFFFFFFB0];
	v9 =	vadd.f32 v44, v41;
	v14 =	vadd.f32 v49, v47  }
0x379: {  	v7 =	vld [tilespmem:s13+$0xFFFFFF20];
	v15 =	vadd.f32 v15, v52;
	v18 =	vadd.f32 v55, v54  }
0x37a: {  	v13 =	vmul.f32 v19, v13;
	v63 =	vadd.f32 v12, v11;
	v6 =	vadd.f32 v14, v9;
	v9 =	vld [tilespmem:s13+$0xFFFFFF60]  }
0x37b: {  	v2 =	vmul.f32 v59, v2;
	v8 =	vld [tilespmem:s13+$0xFFFFFFA0];
	v14 =	vadd.f32 v18, v15;
	v15 =	vadd.f32 v57, v56  }
0x37c: {  	[tilespmem:s4+$0x30] =	vst v13;
	v12 =	vadd.f32 v10, v60;
	v11 =	vld [tilespmem:s13+$0xFFFFFFE0];
	v13 =	vadd.f32 v62, v61  }
0x37d: {  	s7 =	simm.s32 $0x2;
	s28 =	simm.s32 $0xE100;
	[tilespmem:s11+$0x30] =	vst v2;
	v2 =	vadd.f32 v14, v6;
	v10 =	vadd.f32 v63, v15;
	v6 =	vld [tilespmem:s6+$0xFFFFFFF0]  }
.LBB2_9:
0x37e: {  	v14 =	vld [tilespmem:s28+$0x400]  }
0x37f: {  	v15 =	vld [tilespmem:s28+$0x0];
	v7 =	vadd.f32 v9, v7;
	v9 =	vadd.f32 v13, v12  }
0x380: {  	v12 =	vld [tilespmem:s28+$0x40]  }
0x381: {  	v13 =	vld [tilespmem:s28+$0x80];
	v8 =	vadd.f32 v11, v8;
	v9 =	vadd.f32 v9, v10  }
0x382: {  	v10 =	vld [tilespmem:s28+$0xC0];
	v3 =	vadd.f32 v6, v3  }
0x383: {  	v6 =	vld [tilespmem:s28+$0x100];
	v7 =	vadd.f32 v8, v7;
	v2 =	vadd.f32 v9, v2  }
0x384: {  	v8 =	vld [tilespmem:s28+$0x140];
	v3 =	vadd.f32 v3, v4  }
0x385: {  	v4 =	vld [tilespmem:s28+$0x180];
	v2 =	vadd.f32 v7, v2  }
0x386: {  	v7 =	vld [tilespmem:s28+$0x1C0];
	v3 =	vadd.f32 v3, v5  }
0x387: {  	s15 =	sadd.s32 $0x28, s15;
	v5 =	vld [tilespmem:s28+$0x200];
	v2 =	vmul.f32 v2, v1  }
0x388: {  	v9 =	vld [tilespmem:s15+$0x0];
	v3 =	vmul.f32 v3, v0;
	v0 =	vmov v1  }
0x389: {  	v1 =	vld [tilespmem:s15+$0xFFFFFFFC];
	[tilespmem:s4+$0xFFFFFFA0] =	vst v2  }
0x38a: {  	v2 =	vld [tilespmem:s28+$0x240];
	[tilespmem:s11+$0xFFFFFFB0] =	vst v3;
	s11 =	smov.u32 s4  }
0x38b: {  	v3 =	vld [tilespmem:s28+$0x280]  }
0x38c: {  	v11 =	vld [tilespmem:s28+$0x2C0]  }
0x38d: {  	vm1 =	vne.s32 v9, $0x0;
	v9 =	vld [tilespmem:s28+$0x300]  }
0x38e: {  	vm2 =	vne.s32 v1, $0x0;
	vm1 =	vmand vm1, vm0;
	v1 =	vld [tilespmem:s28+$0x340]  }
0x38f: {  	v16 =	vmpcnt.ones.xlane vm2;
	v17 =	vmpcnt.ones.xlane vm1;
	v18 =	vld [tilespmem:s28+$0x380]  }
0x390: {  	v19 =	vld [tilespmem:s28+$0x3C0]  }
0x391: {  	v16 =	vadd.s32 v16, v17;
	v17 =	vld [tilespmem:s28+$0x440]  }
0x392: {  	v12 =	vadd.f32 v12, v15;
	v10 =	vadd.f32 v10, v13;
	v16 =	vcvt.s32.f32 v16;
	v20 =	vld [tilespmem:s28+$0x480]  }
0x393: {  	v6 =	vadd.f32 v8, v6;
	v4 =	vadd.f32 v7, v4;
	v13 =	vld [tilespmem:s28+$0x4C0]  }
0x394: {  	v2 =	vadd.f32 v2, v5;
	v3 =	vadd.f32 v11, v3;
	v7 =	vld [tilespmem:s15+$0xFFFFFFEC];
	v8 =	vmax.f32 v16, $1.000000000e+00  }
0x395: {  	v1 =	vadd.f32 v1, v9;
	v5 =	vld [tilespmem:s15+$0xFFFFFFE8];
	v9 =	vadd.f32 v19, v18;
	(erf) = vrcp.f32 v8  }
0x396: {  	v10 =	vadd.f32 v10, v12;
	v4 =	vadd.f32 v4, v6;
	v8 =	vld [tilespmem:s28+$0xFFFFFB00]  }
0x397: {  	v2 =	vadd.f32 v3, v2;
	v6 =	vld [tilespmem:s28+$0xFFFFFB40];
	v1 =	vadd.f32 v9, v1  }
0x398: {  	v9 =	vadd.f32 v17, v14;
	v3 =	vld [tilespmem:s28+$0xFFFFFB80];
	v11 =	vadd.f32 v13, v20  }
0x399: {  	v4 =	vadd.f32 v4, v10;
	vm1 =	vne.s32 v7, $0x0;
	v7 =	vld [tilespmem:s28+$0xFFFFFBC0];
	v1 =	vadd.f32 v1, v2  }
0x39a: {  	vm2 =	vne.s32 v5, $0x0;
	vm1 =	vmand vm1, vm0;
	v5 =	vld [tilespmem:s28+$0xFFFFFC00]  }
0x39b: {  	v9 =	vadd.f32 v11, v9;
	v12 =	vmpcnt.ones.xlane vm1;
	v10 =	vld [tilespmem:s28+$0xFFFFFC40];
	v1 =	vadd.f32 v1, v4  }
0x39c: {  	v4 =	vmpcnt.ones.xlane vm2;
	v11 =	vld [tilespmem:s28+$0xFFFFFC80];
	v6 =	vadd.f32 v6, v8  }
0x39d: {  	v8 =	vld [tilespmem:s28+$0xFFFFFCC0];
	v1 =	vadd.f32 v9, v1  }
0x39e: {  	v4 =	vadd.s32 v4, v12;
	v9 =	vld [tilespmem:s28+$0xFFFFFD00];
	v3 =	vadd.f32 v7, v3;
	v2 =	vpop (erf)  }
0x39f: {  	v4 =	vcvt.s32.f32 v4;
	v7 =	vld [tilespmem:s28+$0xFFFFFD40];
	v1 =	vmul.f32 v1, v2  }
0x3a0: {  	s4 =	sadd.s32 $0x100, s4;
	v12 =	vld [tilespmem:s28+$0xFFFFFD80];
	v5 =	vadd.f32 v10, v5;
	v3 =	vadd.f32 v3, v6  }
0x3a1: {  	v4 =	vmax.f32 v4, $1.000000000e+00;
	v6 =	vld [tilespmem:s28+$0xFFFFFDC0];
	[tilespmem:s4+$0x0] =	vst v1  }
0x3a2: {  	v1 =	vadd.f32 v8, v11;
	v8 =	vld [tilespmem:s28+$0x410];
	(erf) = vrcp.f32 v4  }
0x3a3: {  	v4 =	vld [tilespmem:s28+$0x10]  }
0x3a4: {  	v7 =	vadd.f32 v7, v9;
	v1 =	vadd.f32 v1, v5;
	v5 =	vld [tilespmem:s28+$0x50]  }
0x3a5: {  	v9 =	vld [tilespmem:s28+$0x90]  }
0x3a6: {  	v6 =	vadd.f32 v6, v12;
	v3 =	vadd.f32 v1, v3;
	v10 =	vld [tilespmem:s28+$0xD0]  }
0x3a7: {  	v11 =	vld [tilespmem:s28+$0x110]  }
0x3a8: {  	v6 =	vadd.f32 v6, v7;
	v7 =	vld [tilespmem:s28+$0x150]  }
0x3a9: {  	v12 =	vld [tilespmem:s28+$0x190]  }
0x3aa: {  	v13 =	vld [tilespmem:s28+$0x1D0]  }
0x3ab: {  	v14 =	vld [tilespmem:s28+$0x210];
	v1 =	vpop (erf)  }
0x3ac: {  	v15 =	vld [tilespmem:s28+$0x250]  }
0x3ad: {  	v16 =	vld [tilespmem:s28+$0x290]  }
0x3ae: {  	v17 =	vld [tilespmem:s28+$0x2D0]  }
0x3af: {  	v18 =	vld [tilespmem:s28+$0x310]  }
0x3b0: {  	v19 =	vld [tilespmem:s28+$0x350]  }
0x3b1: {  	v20 =	vld [tilespmem:s28+$0x390]  }
0x3b2: {  	v21 =	vld [tilespmem:s28+$0x3D0]  }
0x3b3: {  	v22 =	vld [tilespmem:s28+$0x450]  }
0x3b4: {  	v4 =	vadd.f32 v5, v4;
	v5 =	vadd.f32 v10, v9;
	v23 =	vld [tilespmem:s28+$0x490]  }
0x3b5: {  	v7 =	vadd.f32 v7, v11;
	v10 =	vadd.f32 v13, v12;
	v9 =	vld [tilespmem:s28+$0x4D0]  }
0x3b6: {  	v12 =	vadd.f32 v15, v14;
	v13 =	vadd.f32 v17, v16;
	v11 =	vld [tilespmem:s28+$0xFFFFFE00]  }
0x3b7: {  	v15 =	vadd.f32 v19, v18;
	v14 =	vld [tilespmem:s28+$0xFFFFFE40];
	v16 =	vadd.f32 v21, v20  }
0x3b8: {  	s7 =	sadd.s32 $0x2, s7;
	v4 =	vadd.f32 v5, v4;
	v5 =	vadd.f32 v10, v7;
	v17 =	vld [tilespmem:s28+$0xFFFFFE80]  }
0x3b9: {  	p0 =	slt.u32 s7, $0x1E;
	v10 =	vadd.f32 v13, v12;
	v7 =	vld [tilespmem:s28+$0xFFFFFEC0];
	v12 =	vadd.f32 v16, v15  }
0x3ba: {  	v8 =	vadd.f32 v22, v8;
	v13 =	vld [tilespmem:s28+$0xFFFFFF00];
	v9 =	vadd.f32 v9, v23  }
0x3bb: {  	v4 =	vadd.f32 v5, v4;
	v15 =	vld [tilespmem:s28+$0xFFFFFF40];
	v5 =	vadd.f32 v12, v10  }
0x3bc: {  	v10 =	vld [tilespmem:s28+$0xFFFFFF80];
	v11 =	vadd.f32 v14, v11  }
0x3bd: {  	v8 =	vadd.f32 v9, v8;
	v12 =	vld [tilespmem:s28+$0xFFFFFFC0];
	v4 =	vadd.f32 v5, v4  }
0x3be: {  	v5 =	vadd.f32 v7, v17;
	v7 =	vld [tilespmem:s13+$0xFFFFFB30]  }
0x3bf: {  	v4 =	vadd.f32 v8, v4;
	v8 =	vld [tilespmem:s13+$0xFFFFFB70]  }
0x3c0: {  	v9 =	vadd.f32 v15, v13;
	v5 =	vadd.f32 v5, v11;
	v11 =	vld [tilespmem:s13+$0xFFFFFBB0]  }
0x3c1: {  	v4 =	vmul.f32 v4, v2;
	v13 =	vld [tilespmem:s13+$0xFFFFFBF0]  }
0x3c2: {  	v10 =	vadd.f32 v12, v10;
	v5 =	vadd.f32 v5, v6;
	v6 =	vld [tilespmem:s13+$0xFFFFFC30]  }
0x3c3: {  	[tilespmem:s4+$0x10] =	vst v4;
	v4 =	vld [tilespmem:s13+$0xFFFFFC70]  }
0x3c4: {  	v9 =	vadd.f32 v10, v9;
	v3 =	vadd.f32 v5, v3;
	v5 =	vld [tilespmem:s28+$0x420]  }
0x3c5: {  	v7 =	vadd.f32 v8, v7;
	v10 =	vld [tilespmem:s28+$0x20]  }
0x3c6: {  	v3 =	vadd.f32 v9, v3;
	v8 =	vld [tilespmem:s28+$0x60];
	v9 =	vadd.f32 v13, v11  }
0x3c7: {  	v11 =	vld [tilespmem:s28+$0xA0]  }
0x3c8: {  	v12 =	vmul.f32 v3, v1;
	v13 =	vld [tilespmem:s28+$0xE0];
	v4 =	vadd.f32 v4, v6;
	v3 =	vadd.f32 v9, v7  }
0x3c9: {  	v6 =	vld [tilespmem:s28+$0x120]  }
0x3ca: {  	[tilespmem:s4+$0xFFFFFF80] =	vst v12;
	v7 =	vld [tilespmem:s28+$0x160]  }
0x3cb: {  	v9 =	vld [tilespmem:s28+$0x1A0]  }
0x3cc: {  	v12 =	vld [tilespmem:s28+$0x1E0]  }
0x3cd: {  	v14 =	vld [tilespmem:s28+$0x220]  }
0x3ce: {  	v15 =	vld [tilespmem:s28+$0x260]  }
0x3cf: {  	v16 =	vld [tilespmem:s28+$0x2A0]  }
0x3d0: {  	v17 =	vld [tilespmem:s28+$0x2E0]  }
0x3d1: {  	v18 =	vld [tilespmem:s28+$0x320]  }
0x3d2: {  	v19 =	vld [tilespmem:s28+$0x360]  }
0x3d3: {  	v20 =	vld [tilespmem:s28+$0x3A0]  }
0x3d4: {  	v21 =	vld [tilespmem:s28+$0x3E0]  }
0x3d5: {  	v22 =	vld [tilespmem:s28+$0x460]  }
0x3d6: {  	v8 =	vadd.f32 v8, v10;
	v10 =	vadd.f32 v13, v11;
	v23 =	vld [tilespmem:s28+$0x4A0]  }
0x3d7: {  	v6 =	vadd.f32 v7, v6;
	v7 =	vadd.f32 v12, v9;
	v11 =	vld [tilespmem:s28+$0x4E0]  }
0x3d8: {  	v12 =	vadd.f32 v15, v14;
	v13 =	vadd.f32 v17, v16;
	v9 =	vld [tilespmem:s28+$0xFFFFFB10]  }
0x3d9: {  	v15 =	vadd.f32 v19, v18;
	v14 =	vld [tilespmem:s28+$0xFFFFFB50];
	v16 =	vadd.f32 v21, v20  }
0x3da: {  	v8 =	vadd.f32 v10, v8;
	v6 =	vadd.f32 v7, v6;
	v17 =	vld [tilespmem:s28+$0xFFFFFB90]  }
0x3db: {  	v10 =	vadd.f32 v13, v12;
	v7 =	vld [tilespmem:s28+$0xFFFFFBD0];
	v12 =	vadd.f32 v16, v15  }
0x3dc: {  	v5 =	vadd.f32 v22, v5;
	v13 =	vld [tilespmem:s28+$0xFFFFFC10];
	v11 =	vadd.f32 v11, v23  }
0x3dd: {  	v6 =	vadd.f32 v6, v8;
	v15 =	vld [tilespmem:s28+$0xFFFFFC50];
	v8 =	vadd.f32 v12, v10  }
0x3de: {  	v10 =	vld [tilespmem:s28+$0xFFFFFC90];
	v9 =	vadd.f32 v14, v9  }
0x3df: {  	v5 =	vadd.f32 v11, v5;
	v12 =	vld [tilespmem:s28+$0xFFFFFCD0];
	v6 =	vadd.f32 v8, v6  }
0x3e0: {  	v8 =	vld [tilespmem:s28+$0xFFFFFD10];
	v7 =	vadd.f32 v7, v17  }
0x3e1: {  	v11 =	vld [tilespmem:s28+$0xFFFFFD50];
	v5 =	vadd.f32 v5, v6  }
0x3e2: {  	v6 =	vld [tilespmem:s28+$0xFFFFFD90];
	v13 =	vadd.f32 v15, v13;
	v7 =	vadd.f32 v7, v9  }
0x3e3: {  	v9 =	vld [tilespmem:s28+$0xFFFFFDD0];
	v5 =	vmul.f32 v5, v2  }
0x3e4: {  	v14 =	vld [tilespmem:s28+$0xFFFFFE10];
	v10 =	vadd.f32 v12, v10  }
0x3e5: {  	v12 =	vld [tilespmem:s28+$0xFFFFFE50];
	[tilespmem:s4+$0x20] =	vst v5  }
0x3e6: {  	v5 =	vadd.f32 v11, v8;
	v8 =	vadd.f32 v10, v13;
	v10 =	vld [tilespmem:s28+$0x430]  }
0x3e7: {  	v11 =	vld [tilespmem:s28+$0x30]  }
0x3e8: {  	v6 =	vadd.f32 v9, v6;
	v7 =	vadd.f32 v8, v7;
	v8 =	vld [tilespmem:s28+$0x70]  }
0x3e9: {  	v9 =	vld [tilespmem:s28+$0xB0]  }
0x3ea: {  	v12 =	vadd.f32 v12, v14;
	v5 =	vadd.f32 v6, v5;
	v6 =	vld [tilespmem:s28+$0xF0]  }
0x3eb: {  	v13 =	vld [tilespmem:s28+$0x130]  }
0x3ec: {  	v14 =	vld [tilespmem:s28+$0x170]  }
0x3ed: {  	v15 =	vld [tilespmem:s28+$0x1B0]  }
0x3ee: {  	v16 =	vld [tilespmem:s28+$0x1F0]  }
0x3ef: {  	v17 =	vld [tilespmem:s28+$0x230]  }
0x3f0: {  	v18 =	vld [tilespmem:s28+$0x270]  }
0x3f1: {  	v19 =	vld [tilespmem:s28+$0x2B0]  }
0x3f2: {  	v20 =	vld [tilespmem:s28+$0x2F0]  }
0x3f3: {  	v21 =	vld [tilespmem:s28+$0x330]  }
0x3f4: {  	v22 =	vld [tilespmem:s28+$0x370]  }
0x3f5: {  	v23 =	vld [tilespmem:s28+$0x3B0]  }
0x3f6: {  	v24 =	vld [tilespmem:s28+$0x3F0]  }
0x3f7: {  	v25 =	vld [tilespmem:s28+$0x470]  }
0x3f8: {  	v8 =	vadd.f32 v8, v11;
	v6 =	vadd.f32 v6, v9;
	v26 =	vld [tilespmem:s28+$0x4B0]  }
0x3f9: {  	v11 =	vadd.f32 v14, v13;
	v13 =	vadd.f32 v16, v15;
	v9 =	vld [tilespmem:s28+$0x4F0]  }
0x3fa: {  	v15 =	vadd.f32 v18, v17;
	v16 =	vadd.f32 v20, v19;
	v14 =	vld [tilespmem:s28+$0xFFFFFE90]  }
0x3fb: {  	v18 =	vadd.f32 v22, v21;
	v17 =	vld [tilespmem:s28+$0xFFFFFED0];
	v19 =	vadd.f32 v24, v23  }
0x3fc: {  	v6 =	vadd.f32 v6, v8;
	v8 =	vadd.f32 v13, v11;
	v20 =	vld [tilespmem:s28+$0xFFFFFF10]  }
0x3fd: {  	v13 =	vadd.f32 v16, v15;
	v11 =	vld [tilespmem:s28+$0xFFFFFF50];
	v15 =	vadd.f32 v19, v18  }
0x3fe: {  	v10 =	vadd.f32 v25, v10;
	v16 =	vld [tilespmem:s28+$0xFFFFFF90];
	v9 =	vadd.f32 v9, v26  }
0x3ff: {  	v6 =	vadd.f32 v8, v6;
	v18 =	vld [tilespmem:s28+$0xFFFFFFD0];
	v8 =	vadd.f32 v15, v13  }
0x400: {  	v13 =	vadd.f32 v17, v14;
	v14 =	vld [tilespmem:s13+$0xFFFFFCB0]  }
0x401: {  	v9 =	vadd.f32 v9, v10;
	v6 =	vadd.f32 v8, v6;
	v8 =	vld [tilespmem:s13+$0xFFFFFCF0]  }
0x402: {  	v10 =	vadd.f32 v11, v20;
	v11 =	vadd.f32 v13, v12;
	v12 =	vld [tilespmem:s13+$0xFFFFFD30]  }
0x403: {  	v6 =	vadd.f32 v9, v6;
	v9 =	vld [tilespmem:s13+$0xFFFFFD70]  }
0x404: {  	v13 =	vadd.f32 v18, v16;
	v5 =	vadd.f32 v11, v5;
	v11 =	vld [tilespmem:s13+$0xFFFFFDB0]  }
0x405: {  	v2 =	vmul.f32 v6, v2;
	v6 =	vld [tilespmem:s13+$0xFFFFFDF0]  }
0x406: {  	v10 =	vadd.f32 v13, v10;
	v5 =	vadd.f32 v5, v7;
	v7 =	vld [tilespmem:s13+$0xFFFFFE30]  }
0x407: {  	v8 =	vadd.f32 v8, v14;
	[tilespmem:s4+$0x30] =	vst v2;
	v2 =	vld [tilespmem:s13+$0xFFFFFE70]  }
0x408: {  	v5 =	vadd.f32 v10, v5;
	v10 =	vld [tilespmem:s13+$0xFFFFFEB0];
	v9 =	vadd.f32 v9, v12  }
0x409: {  	v4 =	vadd.f32 v8, v4;
	v12 =	vld [tilespmem:s13+$0xFFFFFEF0]  }
0x40a: {  	v5 =	vmul.f32 v5, v1;
	v8 =	vld [tilespmem:s13+$0xFFFFFF30];
	v6 =	vadd.f32 v6, v11  }
0x40b: {  	v13 =	vadd.f32 v4, v3;
	v11 =	vld [tilespmem:s13+$0xFFFFFF70]  }
0x40c: {  	[tilespmem:s4+$0xFFFFFF90] =	vst v5;
	v3 =	vld [tilespmem:s13+$0xFFFFFFB0];
	v2 =	vadd.f32 v2, v7;
	v5 =	vadd.f32 v6, v9  }
0x40d: {  	v6 =	vld [tilespmem:s28+$0xFFFFFB20]  }
0x40e: {  	v7 =	vld [tilespmem:s28+$0xFFFFFB60];
	v9 =	vadd.f32 v12, v10  }
0x40f: {  	v10 =	vld [tilespmem:s28+$0xFFFFFBA0]  }
0x410: {  	v12 =	vld [tilespmem:s28+$0xFFFFFBE0];
	v4 =	vadd.f32 v11, v8;
	v2 =	vadd.f32 v9, v2  }
0x411: {  	v8 =	vld [tilespmem:s28+$0xFFFFFC20]  }
0x412: {  	v9 =	vld [tilespmem:s28+$0xFFFFFC60];
	v2 =	vadd.f32 v2, v5  }
0x413: {  	v11 =	vld [tilespmem:s28+$0xFFFFFCA0];
	v6 =	vadd.f32 v7, v6  }
0x414: {  	v7 =	vld [tilespmem:s28+$0xFFFFFCE0];
	v5 =	vadd.f32 v2, v13  }
0x415: {  	v2 =	vld [tilespmem:s28+$0xFFFFFD20];
	v10 =	vadd.f32 v12, v10  }
0x416: {  	v12 =	vld [tilespmem:s28+$0xFFFFFD60]  }
0x417: {  	v13 =	vld [tilespmem:s28+$0xFFFFFDA0];
	v8 =	vadd.f32 v9, v8;
	v6 =	vadd.f32 v10, v6  }
0x418: {  	v9 =	vld [tilespmem:s28+$0xFFFFFDE0]  }
0x419: {  	v10 =	vld [tilespmem:s28+$0xFFFFFE20];
	v7 =	vadd.f32 v7, v11  }
0x41a: {  	v11 =	vld [tilespmem:s28+$0xFFFFFE60]  }
0x41b: {  	v14 =	vld [tilespmem:s28+$0xFFFFFEA0];
	v15 =	vadd.f32 v12, v2;
	v2 =	vadd.f32 v7, v8  }
0x41c: {  	v16 =	vld [tilespmem:s28+$0xFFFFFEE0]  }
.Ltmp4:
0x41d: {  	v7 =	vld [tilespmem:s28+$0xFFFFFF20];
	v13 =	vadd.f32 v9, v13;
	v2 =	vadd.f32 v2, v6;
	(pc) =	sbr.rel @p0 .LBB2_9-.Ltmp4, $4  }
0x41e: {  	v9 =	vld [tilespmem:s28+$0xFFFFFF60]  }
0x41f: {  	v8 =	vld [tilespmem:s28+$0xFFFFFFA0];
	v12 =	vadd.f32 v11, v10;
	v10 =	vadd.f32 v13, v15  }
0x420: {  	v11 =	vld [tilespmem:s28+$0xFFFFFFE0]  }
0x421: {  	v13 =	vadd.f32 v16, v14;
	v6 =	vld [tilespmem:s13+$0xFFFFFFF0];
	s13 =	smov.u32 s28;
	s28 =	sadd.s32 $0xA00, s28  }
0x422: {  	_ = 	snop  }
0x423: {  	v12 =	vadd.f32 v13, v12  }
0x424: {  	v7 =	vadd.f32 v9, v7  }
0x425: {  	v8 =	vadd.f32 v11, v8;
	v38 =	vadd.f32 v12, v10;
	_ =	sdelay $0x1  }
0x426: {  	v7 =	vadd.f32 v8, v7;
	v2 =	vadd.f32 v38, v2;
	_ =	sdelay $0x1  }
0x427: {  	v2 =	vadd.f32 v7, v2;
	_ =	sdelay $0x1  }
0x428: {  	v2 =	vmul.f32 v2, v1;
	_ =	sdelay $0x1  }
0x429: {  	[tilespmem:s4+$0xFFFFFFA0] =	vst v2  }
0x42a: {  	v2 =	vld [tilespmem:s13+$0xFFFFFB30]  }
0x42b: {  	v39 =	vld [tilespmem:s13+$0xFFFFFB70]  }
0x42c: {  	v40 =	vld [tilespmem:s13+$0xFFFFFBB0]  }
0x42d: {  	v41 =	vld [tilespmem:s13+$0xFFFFFBF0]  }
0x42e: {  	v42 =	vld [tilespmem:s13+$0xFFFFFC30]  }
0x42f: {  	v43 =	vld [tilespmem:s13+$0xFFFFFC70]  }
0x430: {  	v44 =	vld [tilespmem:s13+$0xFFFFFCB0]  }
0x431: {  	v45 =	vld [tilespmem:s13+$0xFFFFFCF0]  }
0x432: {  	v14 =	vld [tilespmem:s13+$0xFFFFFD30]  }
0x433: {  	v15 =	vld [tilespmem:s13+$0xFFFFFD70]  }
0x434: {  	v16 =	vld [tilespmem:s13+$0xFFFFFDB0]  }
0x435: {  	v17 =	vld [tilespmem:s13+$0xFFFFFDF0]  }
0x436: {  	v18 =	vld [tilespmem:s13+$0xFFFFFE30]  }
0x437: {  	v19 =	vld [tilespmem:s13+$0xFFFFFE70]  }
0x438: {  	v20 =	vld [tilespmem:s13+$0xFFFFFEB0]  }
0x439: {  	v21 =	vld [tilespmem:s13+$0xFFFFFEF0]  }
0x43a: {  	v46 =	vld [tilespmem:s13+$0xFFFFFF30]  }
0x43b: {  	v3 =	vadd.f32 v6, v3;
	v48 =	vld [tilespmem:s13+$0xFFFFFF70]  }
0x43c: {  	v51 =	vld [tilespmem:s13+$0xFFFFFFB0];
	v2 =	vadd.f32 v39, v2;
	v47 =	vadd.f32 v41, v40  }
0x43d: {  	v54 =	vld [tilespmem:s13+$0xFFFFFFF0];
	v49 =	vadd.f32 v43, v42;
	v50 =	vadd.f32 v45, v44  }
0x43e: {  	v52 =	vadd.f32 v15, v14;
	v53 =	vadd.f32 v17, v16  }
0x43f: {  	v55 =	vadd.f32 v19, v18;
	v56 =	vadd.f32 v21, v20  }
0x440: {  	v2 =	vadd.f32 v47, v2;
	v57 =	vadd.f32 v50, v49  }
0x441: {  	v58 =	vadd.f32 v53, v52;
	v59 =	vadd.f32 v56, v55  }
0x442: {  	v6 =	vadd.f32 v48, v46;
	v61 =	vadd.f32 v54, v51  }
0x443: {  	v2 =	vadd.f32 v57, v2;
	v60 =	vadd.f32 v59, v58  }
0x444: {  	v3 =	vadd.f32 v3, v4  }
0x445: {  	v62 =	vadd.f32 v61, v6;
	v2 =	vadd.f32 v60, v2  }
0x446: {  	s0 =	sadd.s32 $0x1, s0;
	v3 =	vadd.f32 v3, v5  }
0x447: {  	p0 =	sne.s32 s0, $0x8;
	v2 =	vadd.f32 v62, v2  }
.Ltmp5:
0x448: {  	v0 =	vmul.f32 v3, v0;
	(pc) =	sbr.rel @p0 .LBB2_2-.Ltmp5, $4  }
0x449: {  	v63 =	vmul.f32 v2, v1  }
0x44a: {  	s1 =	sshll.u32 s1, $0x9;
	[tilespmem:s11+$0xFFFFFFB0] =	vst v0  }
0x44b: {  	s30 =	sadd.s32 $0x500, s30;
	s31 =	sadd.s32 $0x500, s31;
	s1 =	sadd.s32 s1, s5;
	[tilespmem:s4+$0xFFFFFFB0] =	vst v63  }
0x44c: {  	[hbm4b:s1+s2] =	stream.linear.scatter [tilespmem:s26], [sflag:$0x4], $0x1000, $0x38;
	[tilespmem:$0x18800] =	vst v63  }
0x44d: {  	s0 =	simm.s32 $0x3  }
0x44e: {  	_ =	swait.ge [sflag:s0], $0x1000  }
0x44f: {  	[sflag:s0] =	ssyncset.done $0x0  }
0x450: {  	[sflag:s0] =	ssyncadd.s32 $0xFFFFF000  }
0x451: {  	_ =	swait.ge [sflag:s25], $0x1000  }
0x452: {  	s1 =	rddreg [dreg:$0x5]  }
0x453: {  	s31 =	rddreg [dreg:$0x4];
	s1 =	sadd.s32 $0x1, s1  }
0x454: {  	p0 =	sne.s32 s1, s31  }
.Ltmp6:
0x455: {  	_ = 	snop;
	(pc) =	sbr.rel @p0 .LBB2_1-.Ltmp6, $3  }
0x456: {  	_ =	sdelay $0x1  }
0x457: {  	[sflag:s25] =	ssyncset.done $0x0  }
0x458: {  	[sflag:s25] =	ssyncadd.s32 $0xFFFFF000  }
0x459: {  	_ =	sfence.sel $0x180000  }
0x45a: {  	[bflag:$0x0] =	sbarrier.arrive $0xFFFF  }
0x45b: {  	_ =	strace $0x90000047  }
0x45c: {  	s0 =	stileid.u32;
	[bflag:$0x2] =	sbarrier.arrive $0xFFFF  }
0x45d: {  	p0 =	sne.s32 s0, $0x0;
	s0 =	rddreg [dreg:$0x2]  }
0x45e: {  	s0 =	sadd.s32 @!p0 $0x100000, s0  }
0x45f: {  	[sflag:s0] =	ssyncadd.tile.s32 @!p0 $0x1;
	_ =	shalt  }
.Lfunc_end2:
_tile_overlayer_lowered:
.L_overlay_start_2:
0x460: {  	(tag) =	ssettag $0x2  }
0x461: {  	s0 =	rddreg [dreg:$0x0];
	s2 =	stileid.u32  }
0x462: {  	s1 =	rddreg [dreg:$0x1];
	p0 =	sne.s32 s2, $0x0  }
0x463: {  	s3 =	rddreg [dreg:$0x2];
	[bflag:$0x3] =	sbarrier.arrive $0xFFFF;
	s2 =	simm.s32 @!p0 $0x1C05  }
0x464: {  	[timem:s3], [sflag:s2] =	dma.local @!p0 [hbm:s0], s1  }
0x465: {  	s0 =	simm.s32 @!p0 $0x5  }
0x466: {  	_ =	swait.ge @!p0 [sflag:s0], s1  }
0x467: {  	s1 =	ssub.s32 @!p0 $0x0, s1;
	[sflag:s0] =	ssyncset.done @!p0 $0x0  }
0x468: {  	[sflag:s0] =	ssyncadd.s32 @!p0 s1  }
0x469: {  	[bflag:$0x3] =	sbarrier.arrive $0xFFFF  }
0x46a: {  	_ =	shalt  }

</sc_bundles>
